<compile_context>
chip_gen: v7x
topology: tpu7x:2x2x1
jax: 0.10.2.dev20260603
libtpu: 0.0.44.dev20260713+nightly
codegen_flags: <defaults>
</compile_context>

<pallas_src>
import jax
import jax.numpy as jnp
from jax import lax
from jax.experimental import pallas as pl
from jax.experimental.pallas import tpu as pltpu
from jax.experimental.pallas import tpu_sc as plsc

N = 10000
E = 320000
F_IN = 128
D1 = 64
D2 = 16
NEG = 0.2
PW = 128
ACC1 = 72
ACC2 = 32
NWORK = 32
EPW = E // NWORK
K = 40
NCHUNK = EPW // K
NPAD = 10240
TROWS = NPAD // 16
BN = 2000


def _take(v, idx):
    dnums = lax.GatherDimensionNumbers(
        offset_dims=(), collapsed_slice_dims=(0,), start_index_map=(0,))
    return lax.gather(v, idx[:, None], dnums, (1,),
                      mode=lax.GatherScatterMode.PROMISE_IN_BOUNDS)



def _tc1_body(x_ref, w_ref, as_ref, ad_ref, p_ref):
    h = jnp.dot(x_ref[...], w_ref[...], preferred_element_type=jnp.float32)
    asrc = jnp.dot(h, as_ref[...], preferred_element_type=jnp.float32)
    adst = jnp.dot(h, ad_ref[...], preferred_element_type=jnp.float32)
    p_ref[...] = jnp.concatenate(
        [h, asrc, adst, jnp.zeros((BN, PW - D1 - 16), jnp.float32)], axis=1)


_tc1 = pl.pallas_call(
    _tc1_body,
    grid=(N // BN,),
    in_specs=[
        pl.BlockSpec((BN, F_IN), lambda i: (i, 0)),
        pl.BlockSpec((F_IN, D1), lambda i: (0, 0)),
        pl.BlockSpec((D1, 8), lambda i: (0, 0)),
        pl.BlockSpec((D1, 8), lambda i: (0, 0)),
    ],
    out_specs=pl.BlockSpec((BN, PW), lambda i: (i, 0)),
    out_shape=jax.ShapeDtypeStruct((N, PW), jnp.float32),
)


def _tc2_body(acc_ref, w_ref, a_ref, b_ref, p_ref):
    acc = acc_ref[0] + acc_ref[1]
    den = acc[:, 0:8]
    msg = acc[:, 8:ACC1]
    denb = jnp.broadcast_to(den[:, :, None], (BN, 8, 8)).reshape(BN, D1)
    h2 = msg / (denb + 1e-16) + b_ref[...]
    h2 = jnp.where(h2 > 0, h2, jnp.exp(h2) - 1.0)
    z = jnp.dot(h2, w_ref[...], preferred_element_type=jnp.float32)
    asd = jnp.dot(z, a_ref[...], preferred_element_type=jnp.float32)
    p_ref[...] = jnp.concatenate(
        [z, asd, jnp.zeros((BN, PW - D2 - 16), jnp.float32)], axis=1)


_tc2 = pl.pallas_call(
    _tc2_body,
    grid=(N // BN,),
    in_specs=[
        pl.BlockSpec((2, BN, ACC1), lambda i: (0, i, 0)),
        pl.BlockSpec((D1, D2), lambda i: (0, 0)),
        pl.BlockSpec((D2, 16), lambda i: (0, 0)),
        pl.BlockSpec((1, D1), lambda i: (0, 0)),
    ],
    out_specs=pl.BlockSpec((BN, PW), lambda i: (i, 0)),
    out_shape=jax.ShapeDtypeStruct((N, PW), jnp.float32),
)


def _tc3_body(acc_ref, b_ref, out_ref):
    acc = acc_ref[0] + acc_ref[1]
    msg = acc[:, 0:16]
    den = acc[:, 16:17]
    o = msg / (den + 1e-16) + b_ref[...]
    m = jnp.max(o, axis=1, keepdims=True)
    ex = jnp.exp(o - m)
    out_ref[...] = o - m - jnp.log(jnp.sum(ex, axis=1, keepdims=True))


_tc3 = pl.pallas_call(
    _tc3_body,
    grid=(N // BN,),
    in_specs=[
        pl.BlockSpec((2, BN, ACC2), lambda i: (0, i, 0)),
        pl.BlockSpec((1, D2), lambda i: (0, 0)),
    ],
    out_specs=pl.BlockSpec((BN, D2), lambda i: (i, 0)),
    out_shape=jax.ShapeDtypeStruct((N, D2), jnp.float32),
)



_MESH = plsc.VectorSubcoreMesh(core_axis_name="c", subcore_axis_name="s")


def _sc1_body(src_hbm, dst_hbm, p_hbm, zeros_hbm, out_hbm,
              acc_sh, src_va, dst_va, src_vb, dst_vb,
              hg_a, dg_a, hg_b, dg_b, msg_v, sem):
    c = lax.axis_index("c")
    s = lax.axis_index("s")
    w = s * 2 + c
    r0 = s * TROWS
    ebase = w * EPW
    pltpu.sync_copy(zeros_hbm.at[pl.ds(r0, TROWS)], acc_sh.at[pl.ds(r0, TROWS)])
    plsc.subcore_barrier()

    iota = lax.iota(jnp.int32, 16)
    par = iota >> 3

    def fetch(i, src_v, dst_v, hg_v, dg_v):
        base = ebase + i * K
        pltpu.sync_copy(src_hbm.at[pl.ds(base, K)], src_v)
        pltpu.sync_copy(dst_hbm.at[pl.ds(base, K)], dst_v)
        pltpu.async_copy(p_hbm.at[src_v], hg_v, sem)
        pltpu.async_copy(p_hbm.at[dst_v], dg_v, sem)

    def drain(src_v, dst_v, hg_v, dg_v):
        pltpu.make_async_copy(p_hbm.at[src_v], hg_v, sem).wait()
        pltpu.make_async_copy(p_hbm.at[dst_v], dg_v, sem).wait()

    def work(dst_v, hg_v, dg_v):
        def quad(q, _2):
            for u in range(4):
                k = q * 4 + u
                adst16 = dg_v[k, pl.ds(D1 + 8, 16)]
                asrc16 = hg_v[k, pl.ds(D1, 16)]
                alpha = asrc16 + adst16
                alpha = jnp.where(alpha >= 0, alpha, alpha * NEG)
                e16 = jnp.exp(alpha)
                msg_v[k, pl.ds(0, 16)] = e16
                for v in range(4):
                    att = _take(e16, par + 2 * v)
                    msg_v[k, pl.ds(8 + 16 * v, 16)] = hg_v[k, pl.ds(16 * v, 16)] * att
            return 0

        lax.fori_loop(0, K // 4, quad, 0)
        pltpu.sync_copy(msg_v, acc_sh.at[dst_v], add=True)

    fetch(0, src_va, dst_va, hg_a, dg_a)

    def pair(t, _):
        i = t * 2
        fetch(i + 1, src_vb, dst_vb, hg_b, dg_b)
        drain(src_va, dst_va, hg_a, dg_a)
        work(dst_va, hg_a, dg_a)
        fetch(jnp.minimum(i + 2, NCHUNK - 1), src_va, dst_va, hg_a, dg_a)
        drain(src_vb, dst_vb, hg_b, dg_b)
        work(dst_vb, hg_b, dg_b)
        return 0

    lax.fori_loop(0, NCHUNK // 2, pair, 0)
    drain(src_va, dst_va, hg_a, dg_a)
    plsc.subcore_barrier()
    pltpu.sync_copy(acc_sh.at[pl.ds(r0, TROWS)], out_hbm.at[c, pl.ds(r0, TROWS)])


_sc1 = pl.kernel(
    _sc1_body,
    out_type=jax.ShapeDtypeStruct((2, NPAD, ACC1), jnp.float32),
    mesh=_MESH,
    scratch_types=[
        pltpu.VMEM_SHARED((NPAD, ACC1), jnp.float32),
        pltpu.VMEM((K,), jnp.int32),
        pltpu.VMEM((K,), jnp.int32),
        pltpu.VMEM((K,), jnp.int32),
        pltpu.VMEM((K,), jnp.int32),
        pltpu.VMEM((K, PW), jnp.float32),
        pltpu.VMEM((K, PW), jnp.float32),
        pltpu.VMEM((K, PW), jnp.float32),
        pltpu.VMEM((K, PW), jnp.float32),
        pltpu.VMEM((K, ACC1), jnp.float32),
        pltpu.SemaphoreType.DMA,
    ],
)


def _sc2_body(src_hbm, dst_hbm, p_hbm, zeros_hbm, out_hbm,
              acc_sh, src_va, dst_va, src_vb, dst_vb,
              zg_a, dg_a, zg_b, dg_b, msg_v, sem):
    c = lax.axis_index("c")
    s = lax.axis_index("s")
    w = s * 2 + c
    r0 = s * TROWS
    ebase = w * EPW
    pltpu.sync_copy(zeros_hbm.at[pl.ds(r0, TROWS)], acc_sh.at[pl.ds(r0, TROWS)])
    plsc.subcore_barrier()

    iota = lax.iota(jnp.int32, 16)
    lane0 = iota == 0
    zero16i = jnp.zeros((16,), jnp.int32)
    one16i = zero16i + 1

    def fetch(i, src_v, dst_v, zg_v, dg_v):
        base = ebase + i * K
        pltpu.sync_copy(src_hbm.at[pl.ds(base, K)], src_v)
        pltpu.sync_copy(dst_hbm.at[pl.ds(base, K)], dst_v)
        pltpu.async_copy(p_hbm.at[src_v], zg_v, sem)
        pltpu.async_copy(p_hbm.at[dst_v], dg_v, sem)

    def drain(src_v, dst_v, zg_v, dg_v):
        pltpu.make_async_copy(p_hbm.at[src_v], zg_v, sem).wait()
        pltpu.make_async_copy(p_hbm.at[dst_v], dg_v, sem).wait()

    def work(dst_v, zg_v, dg_v):
        def quad(q, _2):
            for u in range(4):
                k = q * 4 + u
                a_s = _take(zg_v[k, pl.ds(D2, 16)], zero16i)
                a_d = _take(dg_v[k, pl.ds(D2, 16)], one16i)
                alpha = a_s + a_d
                alpha = jnp.where(alpha >= 0, alpha, alpha * NEG)
                ev = jnp.exp(alpha)
                msg_v[k, pl.ds(0, 16)] = zg_v[k, pl.ds(0, 16)] * ev
                msg_v[k, pl.ds(16, 16)] = jnp.where(lane0, ev, 0.0)
            return 0

        lax.fori_loop(0, K // 4, quad, 0)
        pltpu.sync_copy(msg_v, acc_sh.at[dst_v], add=True)

    fetch(0, src_va, dst_va, zg_a, dg_a)

    def pair(t, _):
        i = t * 2
        fetch(i + 1, src_vb, dst_vb, zg_b, dg_b)
        drain(src_va, dst_va, zg_a, dg_a)
        work(dst_va, zg_a, dg_a)
        fetch(jnp.minimum(i + 2, NCHUNK - 1), src_va, dst_va, zg_a, dg_a)
        drain(src_vb, dst_vb, zg_b, dg_b)
        work(dst_vb, zg_b, dg_b)
        return 0

    lax.fori_loop(0, NCHUNK // 2, pair, 0)
    drain(src_va, dst_va, zg_a, dg_a)
    plsc.subcore_barrier()
    pltpu.sync_copy(acc_sh.at[pl.ds(r0, TROWS)], out_hbm.at[c, pl.ds(r0, TROWS)])


_sc2 = pl.kernel(
    _sc2_body,
    out_type=jax.ShapeDtypeStruct((2, NPAD, ACC2), jnp.float32),
    mesh=_MESH,
    scratch_types=[
        pltpu.VMEM_SHARED((NPAD, ACC2), jnp.float32),
        pltpu.VMEM((K,), jnp.int32),
        pltpu.VMEM((K,), jnp.int32),
        pltpu.VMEM((K,), jnp.int32),
        pltpu.VMEM((K,), jnp.int32),
        pltpu.VMEM((K, PW), jnp.float32),
        pltpu.VMEM((K, PW), jnp.float32),
        pltpu.VMEM((K, PW), jnp.float32),
        pltpu.VMEM((K, PW), jnp.float32),
        pltpu.VMEM((K, ACC2), jnp.float32),
        pltpu.SemaphoreType.DMA,
    ],
)



def kernel(x, edge_index, W1, att_src1, att_dst1, bias1,
           W2, att_src2, att_dst2, bias2):
    f32 = jnp.float32
    eye8 = jnp.eye(8, dtype=f32)
    a_src_m = (att_src1[:, :, None] * eye8[:, None, :]).reshape(D1, 8)
    a_dst_m = (att_dst1[:, :, None] * eye8[:, None, :]).reshape(D1, 8)
    a2 = jnp.concatenate(
        [att_src2.T, att_dst2.T, jnp.zeros((D2, 14), f32)], axis=1)

    p1 = _tc1(x, W1, a_src_m, a_dst_m)
    srcs = edge_index[0]
    dsts = edge_index[1]
    acc1 = _sc1(srcs, dsts, p1, jnp.zeros((NPAD, ACC1), f32))
    p2 = _tc2(acc1, W2, a2, bias1.reshape(1, D1))
    acc2 = _sc2(srcs, dsts, p2, jnp.zeros((NPAD, ACC2), f32))
    return _tc3(acc2, bias2.reshape(1, D2))

# --- scband reference (transcript-rebuilt; emitter-appended) ---
"""Pipeline reference for scband-gat-54073638256814 (READ-ONLY COPY).

The authoritative reference and input builder live on the scoring server;
editing this copy changes nothing except your own understanding.
"""

import jax, jax.numpy as jnp
import numpy as np

N = 10000
E = 320000
F_IN = 128
NUM_CHANNELS = 8
NUM_HEADS = 8
NUM_CLASSES = 16
NEG_SLOPE = 0.2


def setup_inputs(seed: int = 0) -> dict:
    key = jax.random.key(seed)
    ks = jax.random.split(key, 12)
    x = jax.random.normal(ks[0], (N, F_IN), dtype=jnp.float32)
    edge_index = jax.random.randint(ks[1], (2, E), 0, N, dtype=jnp.int32)
    # conv1 params: in=F_IN, out=NUM_CHANNELS, heads=NUM_HEADS, concat=True
    W1 = jax.random.normal(ks[2], (F_IN, NUM_HEADS * NUM_CHANNELS), dtype=jnp.float32) * 0.1
    att_src1 = jax.random.normal(ks[3], (NUM_HEADS, NUM_CHANNELS), dtype=jnp.float32) * 0.1
    att_dst1 = jax.random.normal(ks[4], (NUM_HEADS, NUM_CHANNELS), dtype=jnp.float32) * 0.1
    bias1 = jnp.zeros((NUM_HEADS * NUM_CHANNELS,), dtype=jnp.float32)
    # conv2 params: in=NUM_HEADS*NUM_CHANNELS, out=NUM_CLASSES, heads=1, concat=False
    W2 = jax.random.normal(ks[5], (NUM_HEADS * NUM_CHANNELS, NUM_CLASSES), dtype=jnp.float32) * 0.1
    att_src2 = jax.random.normal(ks[6], (1, NUM_CLASSES), dtype=jnp.float32) * 0.1
    att_dst2 = jax.random.normal(ks[7], (1, NUM_CLASSES), dtype=jnp.float32) * 0.1
    bias2 = jnp.zeros((NUM_CLASSES,), dtype=jnp.float32)
    return {
        "x": x,
        "edge_index": edge_index,
        "W1": W1,
        "att_src1": att_src1,
        "att_dst1": att_dst1,
        "bias1": bias1,
        "W2": W2,
        "att_src2": att_src2,
        "att_dst2": att_dst2,
        "bias2": bias2,
    }


def _gat_conv(x, edge_index, W, att_src, att_dst, bias, heads, out_ch, concat):
    # PyG GATConv (v1) semantics, eval mode (dropout inactive).
    src = edge_index[0]
    dst = edge_index[1]
    h = (x @ W).reshape(-1, heads, out_ch)  # [N, H, C]
    a_src = (h * att_src).sum(axis=-1)  # [N, H]
    a_dst = (h * att_dst).sum(axis=-1)  # [N, H]
    alpha = a_src[src] + a_dst[dst]  # [E, H] gather
    alpha = jax.nn.leaky_relu(alpha, NEG_SLOPE)
    # softmax over incoming edges per destination node
    m = jax.ops.segment_max(alpha, dst, num_segments=N)
    m = jnp.where(jnp.isfinite(m), m, 0.0)
    e = jnp.exp(alpha - m[dst])
    denom = jax.ops.segment_sum(e, dst, num_segments=N)
    att = e / (denom[dst] + 1e-16)  # [E, H]
    msg = h[src] * att[:, :, None]  # gather + weight
    out = jax.ops.segment_sum(msg, dst, num_segments=N)  # scatter-add [N, H, C]
    if concat:
        out = out.reshape(-1, heads * out_ch)
    else:
        out = out.mean(axis=1)
    return out + bias


def reference(x, edge_index, W1, att_src1, att_dst1, bias1, W2, att_src2, att_dst2, bias2):
    h = _gat_conv(x, edge_index, W1, att_src1, att_dst1, bias1, NUM_HEADS, NUM_CHANNELS, True)
    h = jax.nn.elu(h)
    # dropout is identity in eval mode
    out = _gat_conv(h, edge_index, W2, att_src2, att_dst2, bias2, 1, NUM_CLASSES, False)
    return jax.nn.log_softmax(out, axis=1)

if __name__ == "__main__":
    import jax
    _d = setup_inputs()
    print(jax.jit(kernel)(*tuple(_d.values())))

</pallas_src>

<mosaic_0001>
#map = affine_map<(d0, d1) -> (0)>
#map1 = affine_map<(d0, d1) -> (0, 0)>
#map2 = affine_map<(d0, d1) -> (0, 0, 0)>
module attributes {stable_mosaic.version = 14 : i64} {
  func.func @_sc1_body(%arg0: i32, %arg1: i32, %arg2: memref<320000xi32, #tpu.memory_space<hbm>>, %arg3: memref<320000xi32, #tpu.memory_space<hbm>>, %arg4: memref<10000x128xf32, #tpu.memory_space<hbm>>, %arg5: memref<10240x72xf32, #tpu.memory_space<hbm>>, %arg6: memref<2x10240x72xf32, #tpu.memory_space<hbm>>, %arg7: memref<10240x72xf32, #tpu.memory_space<vmem_shared>>, %arg8: memref<40xi32, #tpu.memory_space<vmem>>, %arg9: memref<40xi32, #tpu.memory_space<vmem>>, %arg10: memref<40xi32, #tpu.memory_space<vmem>>, %arg11: memref<40xi32, #tpu.memory_space<vmem>>, %arg12: memref<40x128xf32, #tpu.memory_space<vmem>>, %arg13: memref<40x128xf32, #tpu.memory_space<vmem>>, %arg14: memref<40x128xf32, #tpu.memory_space<vmem>>, %arg15: memref<40x128xf32, #tpu.memory_space<vmem>>, %arg16: memref<40x72xf32, #tpu.memory_space<vmem>>, %arg17: memref<!tpu.dma_semaphore, #tpu.memory_space<semaphore_mem>>) attributes {dimension_semantics = [#tpu.dimension_semantics<core_parallel>, #tpu.dimension_semantics<subcore_parallel>], iteration_bounds = array<i64: 2, 16>, scalar_prefetch = 0 : i64, scratch_operands = 11 : i64, tpu.core_type = #tpu.core_type<sc_vector_subcore>, window_params = [{transform_indices = #map}, {transform_indices = #map}, {transform_indices = #map1}, {transform_indices = #map1}, {transform_indices = #map2}]} {
    %mul3A = arith.constant 2 : i32
    %mul3A_0 = arith.muli %arg1, %mul3A : i32
    %add3A = arith.addi %mul3A_0, %arg0 : i32
    %mul3A_1 = arith.constant 640 : i32
    %mul3A_2 = arith.muli %arg1, %mul3A_1 : i32
    %mul3A_3 = arith.constant 10000 : i32
    %mul3A_4 = arith.muli %add3A, %mul3A_3 : i32
    "tpu.region"() ({
      %run_scoped3A = tpu.sem_alloc : memref<!tpu.dma_semaphore, #tpu.memory_space<semaphore_mem>>
      %dma_start3A_26 = arith.constant 0 : i32
      %dma_start3A_27 = tpu.memref_slice %arg7[%mul3A_2, %dma_start3A_26] : memref<10240x72xf32, #tpu.memory_space<vmem_shared>> -> memref<640x72xf32, #tpu.memory_space<vmem_shared>>
      %dma_start3A_28 = arith.constant 0 : i32
      %dma_start3A_29 = tpu.memref_slice %arg5[%mul3A_2, %dma_start3A_28] : memref<10240x72xf32, #tpu.memory_space<hbm>> -> memref<640x72xf32, #tpu.memory_space<hbm>>
      tpu.enqueue_dma source(%dma_start3A_29 : memref<640x72xf32, #tpu.memory_space<hbm>>) target(%dma_start3A_27 : memref<640x72xf32, #tpu.memory_space<vmem_shared>>) target_semaphore(%run_scoped3A : memref<!tpu.dma_semaphore, #tpu.memory_space<semaphore_mem>>)
      %dma_wait3A_30 = arith.constant 0 : i32
      %dma_wait3A_31 = tpu.memref_slice %arg7[%mul3A_2, %dma_wait3A_30] : memref<10240x72xf32, #tpu.memory_space<vmem_shared>> -> memref<640x72xf32, #tpu.memory_space<vmem_shared>>
      %dma_wait3A_32 = arith.constant 0 : i32
      %dma_wait3A_33 = tpu.memref_slice %arg5[%mul3A_2, %dma_wait3A_32] : memref<10240x72xf32, #tpu.memory_space<hbm>> -> memref<640x72xf32, #tpu.memory_space<hbm>>
      tpu.wait_dma2 semaphore(%run_scoped3A : memref<!tpu.dma_semaphore, #tpu.memory_space<semaphore_mem>>) src(%dma_wait3A_33 : memref<640x72xf32, #tpu.memory_space<hbm>>) dst(%dma_wait3A_31 : memref<640x72xf32, #tpu.memory_space<vmem_shared>>)
      tpu.yield
    }) : () -> ()
    %barrier3A = arith.constant 0 : index
    tpu.barrier barrier_id(%barrier3A)
    %iota3A = tpu.iota {dimensions = array<i32: 0>} : vector<16xi32>
    %shift_right_arithmetic3A = arith.constant 3 : i32
    %shift_right_arithmetic3A_5 = vector.broadcast %shift_right_arithmetic3A : i32 to vector<16xi32>
    %shift_right_arithmetic3A_6 = arith.shrsi %iota3A, %shift_right_arithmetic3A_5 : vector<16xi32>
    %add3A_7 = arith.constant 0 : i32
    %add3A_8 = arith.addi %mul3A_4, %add3A_7 : i32
    "tpu.region"() ({
      %run_scoped3A = tpu.sem_alloc : memref<!tpu.dma_semaphore, #tpu.memory_space<semaphore_mem>>
      %dma_start3A_26 = tpu.memref_slice %arg2[%add3A_8] : memref<320000xi32, #tpu.memory_space<hbm>> -> memref<40xi32, #tpu.memory_space<hbm>>
      %dma_start3A_27 = tpu.memref_slice %arg2[%add3A_8] : memref<320000xi32, #tpu.memory_space<hbm>> -> memref<40xi32, #tpu.memory_space<hbm>>
      tpu.enqueue_dma source(%dma_start3A_27 : memref<40xi32, #tpu.memory_space<hbm>>) target(%arg8 : memref<40xi32, #tpu.memory_space<vmem>>) target_semaphore(%run_scoped3A : memref<!tpu.dma_semaphore, #tpu.memory_space<semaphore_mem>>)
      %dma_wait3A_28 = tpu.memref_slice %arg2[%add3A_8] : memref<320000xi32, #tpu.memory_space<hbm>> -> memref<40xi32, #tpu.memory_space<hbm>>
      %dma_wait3A_29 = tpu.memref_slice %arg2[%add3A_8] : memref<320000xi32, #tpu.memory_space<hbm>> -> memref<40xi32, #tpu.memory_space<hbm>>
      tpu.wait_dma2 semaphore(%run_scoped3A : memref<!tpu.dma_semaphore, #tpu.memory_space<semaphore_mem>>) src(%dma_wait3A_29 : memref<40xi32, #tpu.memory_space<hbm>>) dst(%arg8 : memref<40xi32, #tpu.memory_space<vmem>>)
      tpu.yield
    }) : () -> ()
    "tpu.region"() ({
      %run_scoped3A = tpu.sem_alloc : memref<!tpu.dma_semaphore, #tpu.memory_space<semaphore_mem>>
      %dma_start3A_26 = tpu.memref_slice %arg3[%add3A_8] : memref<320000xi32, #tpu.memory_space<hbm>> -> memref<40xi32, #tpu.memory_space<hbm>>
      %dma_start3A_27 = tpu.memref_slice %arg3[%add3A_8] : memref<320000xi32, #tpu.memory_space<hbm>> -> memref<40xi32, #tpu.memory_space<hbm>>
      tpu.enqueue_dma source(%dma_start3A_27 : memref<40xi32, #tpu.memory_space<hbm>>) target(%arg9 : memref<40xi32, #tpu.memory_space<vmem>>) target_semaphore(%run_scoped3A : memref<!tpu.dma_semaphore, #tpu.memory_space<semaphore_mem>>)
      %dma_wait3A_28 = tpu.memref_slice %arg3[%add3A_8] : memref<320000xi32, #tpu.memory_space<hbm>> -> memref<40xi32, #tpu.memory_space<hbm>>
      %dma_wait3A_29 = tpu.memref_slice %arg3[%add3A_8] : memref<320000xi32, #tpu.memory_space<hbm>> -> memref<40xi32, #tpu.memory_space<hbm>>
      tpu.wait_dma2 semaphore(%run_scoped3A : memref<!tpu.dma_semaphore, #tpu.memory_space<semaphore_mem>>) src(%dma_wait3A_29 : memref<40xi32, #tpu.memory_space<hbm>>) dst(%arg9 : memref<40xi32, #tpu.memory_space<vmem>>)
      tpu.yield
    }) : () -> ()
    %dma_start3A = arith.constant 0 : i32
    %dma_start3A_9 = arith.constant 0 : i32
    %dma_start3A_10 = tpu.memref_slice %arg4[%dma_start3A, %dma_start3A_9] : memref<10000x128xf32, #tpu.memory_space<hbm>> -> memref<10000x128xf32, #tpu.memory_space<hbm>>
    tpu.enqueue_indirect_dma source(%dma_start3A_10 : memref<10000x128xf32, #tpu.memory_space<hbm>>) target(%arg12 : memref<40x128xf32, #tpu.memory_space<vmem>>) offsets(%arg8 : memref<40xi32, #tpu.memory_space<vmem>>) semaphore(%arg17 : memref<!tpu.dma_semaphore, #tpu.memory_space<semaphore_mem>>)
    %dma_start3A_11 = arith.constant 0 : i32
    %dma_start3A_12 = arith.constant 0 : i32
    %dma_start3A_13 = tpu.memref_slice %arg4[%dma_start3A_11, %dma_start3A_12] : memref<10000x128xf32, #tpu.memory_space<hbm>> -> memref<10000x128xf32, #tpu.memory_space<hbm>>
    tpu.enqueue_indirect_dma source(%dma_start3A_13 : memref<10000x128xf32, #tpu.memory_space<hbm>>) target(%arg13 : memref<40x128xf32, #tpu.memory_space<vmem>>) offsets(%arg9 : memref<40xi32, #tpu.memory_space<vmem>>) semaphore(%arg17 : memref<!tpu.dma_semaphore, #tpu.memory_space<semaphore_mem>>)
    %scan3A = arith.constant 0 : i32
    %scan3A_14 = arith.constant 0 : i32
    %scan3A_15 = arith.constant 125 : i32
    %scan3A_16 = arith.addi %scan3A_14, %scan3A_15 : i32
    %scan3A_17 = arith.constant 1 : i32
    %scan3A_18 = scf.for %scan3A_26 = %scan3A_14 to %scan3A_16 step %scan3A_17 iter_args(%scan3A_27 = %scan3A) -> (i32)  : i32 {
      %mul3A_28 = arith.constant 2 : i32
      %mul3A_29 = arith.muli %scan3A_26, %mul3A_28 : i32
      %add3A_30 = arith.constant 1 : i32
      %add3A_31 = arith.addi %mul3A_29, %add3A_30 : i32
      %mul3A_32 = arith.constant 40 : i32
      %mul3A_33 = arith.muli %add3A_31, %mul3A_32 : i32
      %add3A_34 = arith.addi %mul3A_4, %mul3A_33 : i32
      "tpu.region"() ({
        %run_scoped3A = tpu.sem_alloc : memref<!tpu.dma_semaphore, #tpu.memory_space<semaphore_mem>>
        %dma_start3A_80 = tpu.memref_slice %arg2[%add3A_34] : memref<320000xi32, #tpu.memory_space<hbm>> -> memref<40xi32, #tpu.memory_space<hbm>>
        %dma_start3A_81 = tpu.memref_slice %arg2[%add3A_34] : memref<320000xi32, #tpu.memory_space<hbm>> -> memref<40xi32, #tpu.memory_space<hbm>>
        tpu.enqueue_dma source(%dma_start3A_81 : memref<40xi32, #tpu.memory_space<hbm>>) target(%arg10 : memref<40xi32, #tpu.memory_space<vmem>>) target_semaphore(%run_scoped3A : memref<!tpu.dma_semaphore, #tpu.memory_space<semaphore_mem>>)
        %dma_wait3A_82 = tpu.memref_slice %arg2[%add3A_34] : memref<320000xi32, #tpu.memory_space<hbm>> -> memref<40xi32, #tpu.memory_space<hbm>>
        %dma_wait3A_83 = tpu.memref_slice %arg2[%add3A_34] : memref<320000xi32, #tpu.memory_space<hbm>> -> memref<40xi32, #tpu.memory_space<hbm>>
        tpu.wait_dma2 semaphore(%run_scoped3A : memref<!tpu.dma_semaphore, #tpu.memory_space<semaphore_mem>>) src(%dma_wait3A_83 : memref<40xi32, #tpu.memory_space<hbm>>) dst(%arg10 : memref<40xi32, #tpu.memory_space<vmem>>)
        tpu.yield
      }) : () -> ()
      "tpu.region"() ({
        %run_scoped3A = tpu.sem_alloc : memref<!tpu.dma_semaphore, #tpu.memory_space<semaphore_mem>>
        %dma_start3A_80 = tpu.memref_slice %arg3[%add3A_34] : memref<320000xi32, #tpu.memory_space<hbm>> -> memref<40xi32, #tpu.memory_space<hbm>>
        %dma_start3A_81 = tpu.memref_slice %arg3[%add3A_34] : memref<320000xi32, #tpu.memory_space<hbm>> -> memref<40xi32, #tpu.memory_space<hbm>>
        tpu.enqueue_dma source(%dma_start3A_81 : memref<40xi32, #tpu.memory_space<hbm>>) target(%arg11 : memref<40xi32, #tpu.memory_space<vmem>>) target_semaphore(%run_scoped3A : memref<!tpu.dma_semaphore, #tpu.memory_space<semaphore_mem>>)
        %dma_wait3A_82 = tpu.memref_slice %arg3[%add3A_34] : memref<320000xi32, #tpu.memory_space<hbm>> -> memref<40xi32, #tpu.memory_space<hbm>>
        %dma_wait3A_83 = tpu.memref_slice %arg3[%add3A_34] : memref<320000xi32, #tpu.memory_space<hbm>> -> memref<40xi32, #tpu.memory_space<hbm>>
        tpu.wait_dma2 semaphore(%run_scoped3A : memref<!tpu.dma_semaphore, #tpu.memory_space<semaphore_mem>>) src(%dma_wait3A_83 : memref<40xi32, #tpu.memory_space<hbm>>) dst(%arg11 : memref<40xi32, #tpu.memory_space<vmem>>)
        tpu.yield
      }) : () -> ()
      %dma_start3A_35 = arith.constant 0 : i32
      %dma_start3A_36 = arith.constant 0 : i32
      %dma_start3A_37 = tpu.memref_slice %arg4[%dma_start3A_35, %dma_start3A_36] : memref<10000x128xf32, #tpu.memory_space<hbm>> -> memref<10000x128xf32, #tpu.memory_space<hbm>>
      tpu.enqueue_indirect_dma source(%dma_start3A_37 : memref<10000x128xf32, #tpu.memory_space<hbm>>) target(%arg14 : memref<40x128xf32, #tpu.memory_space<vmem>>) offsets(%arg10 : memref<40xi32, #tpu.memory_space<vmem>>) semaphore(%arg17 : memref<!tpu.dma_semaphore, #tpu.memory_space<semaphore_mem>>)
      %dma_start3A_38 = arith.constant 0 : i32
      %dma_start3A_39 = arith.constant 0 : i32
      %dma_start3A_40 = tpu.memref_slice %arg4[%dma_start3A_38, %dma_start3A_39] : memref<10000x128xf32, #tpu.memory_space<hbm>> -> memref<10000x128xf32, #tpu.memory_space<hbm>>
      tpu.enqueue_indirect_dma source(%dma_start3A_40 : memref<10000x128xf32, #tpu.memory_space<hbm>>) target(%arg15 : memref<40x128xf32, #tpu.memory_space<vmem>>) offsets(%arg11 : memref<40xi32, #tpu.memory_space<vmem>>) semaphore(%arg17 : memref<!tpu.dma_semaphore, #tpu.memory_space<semaphore_mem>>)
      %dma_wait3A_41 = arith.constant 0 : i32
      %dma_wait3A_42 = arith.constant 0 : i32
      %dma_wait3A_43 = tpu.memref_slice %arg4[%dma_wait3A_41, %dma_wait3A_42] : memref<10000x128xf32, #tpu.memory_space<hbm>> -> memref<10000x128xf32, #tpu.memory_space<hbm>>
      tpu.wait_indirect_dma semaphore(%arg17 : memref<!tpu.dma_semaphore, #tpu.memory_space<semaphore_mem>>) src(%dma_wait3A_43 : memref<10000x128xf32, #tpu.memory_space<hbm>>) dst(%arg12 : memref<40x128xf32, #tpu.memory_space<vmem>>)
      %dma_wait3A_44 = arith.constant 0 : i32
      %dma_wait3A_45 = arith.constant 0 : i32
      %dma_wait3A_46 = tpu.memref_slice %arg4[%dma_wait3A_44, %dma_wait3A_45] : memref<10000x128xf32, #tpu.memory_space<hbm>> -> memref<10000x128xf32, #tpu.memory_space<hbm>>
      tpu.wait_indirect_dma semaphore(%arg17 : memref<!tpu.dma_semaphore, #tpu.memory_space<semaphore_mem>>) src(%dma_wait3A_46 : memref<10000x128xf32, #tpu.memory_space<hbm>>) dst(%arg13 : memref<40x128xf32, #tpu.memory_space<vmem>>)
      %scan3A_47 = arith.constant 0 : i32
      %scan3A_48 = arith.constant 0 : i32
      %scan3A_49 = arith.constant 10 : i32
      %scan3A_50 = arith.addi %scan3A_48, %scan3A_49 : i32
      %scan3A_51 = arith.constant 1 : i32
      %scan3A_52 = scf.for %scan3A_80 = %scan3A_48 to %scan3A_50 step %scan3A_51 iter_args(%scan3A_81 = %scan3A_47) -> (i32)  : i32 {
        %mul3A_82 = arith.constant 4 : i32
        %mul3A_83 = arith.muli %scan3A_80, %mul3A_82 : i32
        %add3A_84 = arith.constant 0 : i32
        %add3A_85 = arith.addi %mul3A_83, %add3A_84 : i32
        %get3A = arith.index_cast %add3A_85 : i32 to index
        %get3A_86 = arith.constant 72 : index
        %get3A_87 = tpu.vector_load %arg13[%get3A, %get3A_86] {strides = array<i32>} : memref<40x128xf32, #tpu.memory_space<vmem>>, vector<1x16xf32>,
        %get3A_88 = vector.shape_cast %get3A_87 : vector<1x16xf32> to vector<16xf32>
        %get3A_89 = arith.index_cast %add3A_85 : i32 to index
        %get3A_90 = arith.constant 64 : index
        %get3A_91 = tpu.vector_load %arg12[%get3A_89, %get3A_90] {strides = array<i32>} : memref<40x128xf32, #tpu.memory_space<vmem>>, vector<1x16xf32>,
        %get3A_92 = vector.shape_cast %get3A_91 : vector<1x16xf32> to vector<16xf32>
        %add3A_93 = arith.addf %get3A_92, %get3A_88 : vector<16xf32>
        %ge3A = arith.constant 0.000000e+00 : f32
        %ge3A_94 = vector.broadcast %ge3A : f32 to vector<16xf32>
        %ge3A_95 = arith.cmpf oge, %add3A_93, %ge3A_94 : vector<16xf32>
        %mul3A_96 = arith.constant 2.000000e-01 : f32
        %mul3A_97 = vector.broadcast %mul3A_96 : f32 to vector<16xf32>
        %mul3A_98 = arith.mulf %add3A_93, %mul3A_97 : vector<16xf32>
        %select_n3A = arith.select %ge3A_95, %add3A_93, %mul3A_98 : vector<16xi1>, vector<16xf32>
        %exp3A = math.exp %select_n3A : vector<16xf32>
        %swap3A = arith.index_cast %add3A_85 : i32 to index
        %swap3A_99 = arith.constant 0 : index
        %swap3A_100 = tpu.vector_load %arg16[%swap3A, %swap3A_99] {strides = array<i32>} : memref<40x72xf32, #tpu.memory_space<vmem>>, vector<1x16xf32>,
        %swap3A_101 = vector.shape_cast %swap3A_100 : vector<1x16xf32> to vector<16xf32>
        %swap3A_102 = vector.shape_cast %exp3A : vector<16xf32> to vector<1x16xf32>
        tpu.vector_store %arg16[%swap3A, %swap3A_99], %swap3A_102 {strides = array<i32>} : memref<40x72xf32, #tpu.memory_space<vmem>>, vector<1x16xf32>,
        %add3A_103 = arith.constant 0 : i32
        %add3A_104 = vector.broadcast %add3A_103 : i32 to vector<16xi32>
        %add3A_105 = arith.addi %shift_right_arithmetic3A_6, %add3A_104 : vector<16xi32>
        %broadcast_in_dim3A = vector.shape_cast %add3A_105 : vector<16xi32> to vector<16x1xi32>
        %gather3A = vector.shape_cast %broadcast_in_dim3A : vector<16x1xi32> to vector<16xi32>
        %gather3A_106 = tpu.dynamic_gather %exp3A[%gather3A] in [0] : vector<16xf32>, vector<16xi32> -> vector<16xf32>
        %get3A_107 = arith.index_cast %add3A_85 : i32 to index
        %get3A_108 = arith.constant 0 : index
        %get3A_109 = tpu.vector_load %arg12[%get3A_107, %get3A_108] {strides = array<i32>} : memref<40x128xf32, #tpu.memory_space<vmem>>, vector<1x16xf32>,
        %get3A_110 = vector.shape_cast %get3A_109 : vector<1x16xf32> to vector<16xf32>
        %mul3A_111 = arith.mulf %get3A_110, %gather3A_106 : vector<16xf32>
        %swap3A_112 = arith.index_cast %add3A_85 : i32 to index
        %swap3A_113 = arith.constant 8 : index
        %swap3A_114 = tpu.vector_load %arg16[%swap3A_112, %swap3A_113] {strides = array<i32>} : memref<40x72xf32, #tpu.memory_space<vmem>>, vector<1x16xf32>,
        %swap3A_115 = vector.shape_cast %swap3A_114 : vector<1x16xf32> to vector<16xf32>
        %swap3A_116 = vector.shape_cast %mul3A_111 : vector<16xf32> to vector<1x16xf32>
        tpu.vector_store %arg16[%swap3A_112, %swap3A_113], %swap3A_116 {strides = array<i32>} : memref<40x72xf32, #tpu.memory_space<vmem>>, vector<1x16xf32>,
        %add3A_117 = arith.constant 2 : i32
        %add3A_118 = vector.broadcast %add3A_117 : i32 to vector<16xi32>
        %add3A_119 = arith.addi %shift_right_arithmetic3A_6, %add3A_118 : vector<16xi32>
        %broadcast_in_dim3A_120 = vector.shape_cast %add3A_119 : vector<16xi32> to vector<16x1xi32>
        %gather3A_121 = vector.shape_cast %broadcast_in_dim3A_120 : vector<16x1xi32> to vector<16xi32>
        %gather3A_122 = tpu.dynamic_gather %exp3A[%gather3A_121] in [0] : vector<16xf32>, vector<16xi32> -> vector<16xf32>
        %get3A_123 = arith.index_cast %add3A_85 : i32 to index
        %get3A_124 = arith.constant 16 : index
        %get3A_125 = tpu.vector_load %arg12[%get3A_123, %get3A_124] {strides = array<i32>} : memref<40x128xf32, #tpu.memory_space<vmem>>, vector<1x16xf32>,
        %get3A_126 = vector.shape_cast %get3A_125 : vector<1x16xf32> to vector<16xf32>
        %mul3A_127 = arith.mulf %get3A_126, %gather3A_122 : vector<16xf32>
        %swap3A_128 = arith.index_cast %add3A_85 : i32 to index
        %swap3A_129 = arith.constant 24 : index
        %swap3A_130 = tpu.vector_load %arg16[%swap3A_128, %swap3A_129] {strides = array<i32>} : memref<40x72xf32, #tpu.memory_space<vmem>>, vector<1x16xf32>,
        %swap3A_131 = vector.shape_cast %swap3A_130 : vector<1x16xf32> to vector<16xf32>
        %swap3A_132 = vector.shape_cast %mul3A_127 : vector<16xf32> to vector<1x16xf32>
        tpu.vector_store %arg16[%swap3A_128, %swap3A_129], %swap3A_132 {strides = array<i32>} : memref<40x72xf32, #tpu.memory_space<vmem>>, vector<1x16xf32>,
        %add3A_133 = arith.constant 4 : i32
        %add3A_134 = vector.broadcast %add3A_133 : i32 to vector<16xi32>
        %add3A_135 = arith.addi %shift_right_arithmetic3A_6, %add3A_134 : vector<16xi32>
        %broadcast_in_dim3A_136 = vector.shape_cast %add3A_135 : vector<16xi32> to vector<16x1xi32>
        %gather3A_137 = vector.shape_cast %broadcast_in_dim3A_136 : vector<16x1xi32> to vector<16xi32>
        %gather3A_138 = tpu.dynamic_gather %exp3A[%gather3A_137] in [0] : vector<16xf32>, vector<16xi32> -> vector<16xf32>
        %get3A_139 = arith.index_cast %add3A_85 : i32 to index
        %get3A_140 = arith.constant 32 : index
        %get3A_141 = tpu.vector_load %arg12[%get3A_139, %get3A_140] {strides = array<i32>} : memref<40x128xf32, #tpu.memory_space<vmem>>, vector<1x16xf32>,
        %get3A_142 = vector.shape_cast %get3A_141 : vector<1x16xf32> to vector<16xf32>
        %mul3A_143 = arith.mulf %get3A_142, %gather3A_138 : vector<16xf32>
        %swap3A_144 = arith.index_cast %add3A_85 : i32 to index
        %swap3A_145 = arith.constant 40 : index
        %swap3A_146 = tpu.vector_load %arg16[%swap3A_144, %swap3A_145] {strides = array<i32>} : memref<40x72xf32, #tpu.memory_space<vmem>>, vector<1x16xf32>,
        %swap3A_147 = vector.shape_cast %swap3A_146 : vector<1x16xf32> to vector<16xf32>
        %swap3A_148 = vector.shape_cast %mul3A_143 : vector<16xf32> to vector<1x16xf32>
        tpu.vector_store %arg16[%swap3A_144, %swap3A_145], %swap3A_148 {strides = array<i32>} : memref<40x72xf32, #tpu.memory_space<vmem>>, vector<1x16xf32>,
        %add3A_149 = arith.constant 6 : i32
        %add3A_150 = vector.broadcast %add3A_149 : i32 to vector<16xi32>
        %add3A_151 = arith.addi %shift_right_arithmetic3A_6, %add3A_150 : vector<16xi32>
        %broadcast_in_dim3A_152 = vector.shape_cast %add3A_151 : vector<16xi32> to vector<16x1xi32>
        %gather3A_153 = vector.shape_cast %broadcast_in_dim3A_152 : vector<16x1xi32> to vector<16xi32>
        %gather3A_154 = tpu.dynamic_gather %exp3A[%gather3A_153] in [0] : vector<16xf32>, vector<16xi32> -> vector<16xf32>
        %get3A_155 = arith.index_cast %add3A_85 : i32 to index
        %get3A_156 = arith.constant 48 : index
        %get3A_157 = tpu.vector_load %arg12[%get3A_155, %get3A_156] {strides = array<i32>} : memref<40x128xf32, #tpu.memory_space<vmem>>, vector<1x16xf32>,
        %get3A_158 = vector.shape_cast %get3A_157 : vector<1x16xf32> to vector<16xf32>
        %mul3A_159 = arith.mulf %get3A_158, %gather3A_154 : vector<16xf32>
        %swap3A_160 = arith.index_cast %add3A_85 : i32 to index
        %swap3A_161 = arith.constant 56 : index
        %swap3A_162 = tpu.vector_load %arg16[%swap3A_160, %swap3A_161] {strides = array<i32>} : memref<40x72xf32, #tpu.memory_space<vmem>>, vector<1x16xf32>,
        %swap3A_163 = vector.shape_cast %swap3A_162 : vector<1x16xf32> to vector<16xf32>
        %swap3A_164 = vector.shape_cast %mul3A_159 : vector<16xf32> to vector<1x16xf32>
        tpu.vector_store %arg16[%swap3A_160, %swap3A_161], %swap3A_164 {strides = array<i32>} : memref<40x72xf32, #tpu.memory_space<vmem>>, vector<1x16xf32>,
        %mul3A_165 = arith.constant 4 : i32
        %mul3A_166 = arith.muli %scan3A_80, %mul3A_165 : i32
        %add3A_167 = arith.constant 1 : i32
        %add3A_168 = arith.addi %mul3A_166, %add3A_167 : i32
        %get3A_169 = arith.index_cast %add3A_168 : i32 to index
        %get3A_170 = arith.constant 72 : index
        %get3A_171 = tpu.vector_load %arg13[%get3A_169, %get3A_170] {strides = array<i32>} : memref<40x128xf32, #tpu.memory_space<vmem>>, vector<1x16xf32>,
        %get3A_172 = vector.shape_cast %get3A_171 : vector<1x16xf32> to vector<16xf32>
        %get3A_173 = arith.index_cast %add3A_168 : i32 to index
        %get3A_174 = arith.constant 64 : index
        %get3A_175 = tpu.vector_load %arg12[%get3A_173, %get3A_174] {strides = array<i32>} : memref<40x128xf32, #tpu.memory_space<vmem>>, vector<1x16xf32>,
        %get3A_176 = vector.shape_cast %get3A_175 : vector<1x16xf32> to vector<16xf32>
        %add3A_177 = arith.addf %get3A_176, %get3A_172 : vector<16xf32>
        %ge3A_178 = arith.constant 0.000000e+00 : f32
        %ge3A_179 = vector.broadcast %ge3A_178 : f32 to vector<16xf32>
        %ge3A_180 = arith.cmpf oge, %add3A_177, %ge3A_179 : vector<16xf32>
        %mul3A_181 = arith.constant 2.000000e-01 : f32
        %mul3A_182 = vector.broadcast %mul3A_181 : f32 to vector<16xf32>
        %mul3A_183 = arith.mulf %add3A_177, %mul3A_182 : vector<16xf32>
        %select_n3A_184 = arith.select %ge3A_180, %add3A_177, %mul3A_183 : vector<16xi1>, vector<16xf32>
        %exp3A_185 = math.exp %select_n3A_184 : vector<16xf32>
        %swap3A_186 = arith.index_cast %add3A_168 : i32 to index
        %swap3A_187 = arith.constant 0 : index
        %swap3A_188 = tpu.vector_load %arg16[%swap3A_186, %swap3A_187] {strides = array<i32>} : memref<40x72xf32, #tpu.memory_space<vmem>>, vector<1x16xf32>,
        %swap3A_189 = vector.shape_cast %swap3A_188 : vector<1x16xf32> to vector<16xf32>
        %swap3A_190 = vector.shape_cast %exp3A_185 : vector<16xf32> to vector<1x16xf32>
        tpu.vector_store %arg16[%swap3A_186, %swap3A_187], %swap3A_190 {strides = array<i32>} : memref<40x72xf32, #tpu.memory_space<vmem>>, vector<1x16xf32>,
        %add3A_191 = arith.constant 0 : i32
        %add3A_192 = vector.broadcast %add3A_191 : i32 to vector<16xi32>
        %add3A_193 = arith.addi %shift_right_arithmetic3A_6, %add3A_192 : vector<16xi32>
        %broadcast_in_dim3A_194 = vector.shape_cast %add3A_193 : vector<16xi32> to vector<16x1xi32>
        %gather3A_195 = vector.shape_cast %broadcast_in_dim3A_194 : vector<16x1xi32> to vector<16xi32>
        %gather3A_196 = tpu.dynamic_gather %exp3A_185[%gather3A_195] in [0] : vector<16xf32>, vector<16xi32> -> vector<16xf32>
        %get3A_197 = arith.index_cast %add3A_168 : i32 to index
        %get3A_198 = arith.constant 0 : index
        %get3A_199 = tpu.vector_load %arg12[%get3A_197, %get3A_198] {strides = array<i32>} : memref<40x128xf32, #tpu.memory_space<vmem>>, vector<1x16xf32>,
        %get3A_200 = vector.shape_cast %get3A_199 : vector<1x16xf32> to vector<16xf32>
        %mul3A_201 = arith.mulf %get3A_200, %gather3A_196 : vector<16xf32>
        %swap3A_202 = arith.index_cast %add3A_168 : i32 to index
        %swap3A_203 = arith.constant 8 : index
        %swap3A_204 = tpu.vector_load %arg16[%swap3A_202, %swap3A_203] {strides = array<i32>} : memref<40x72xf32, #tpu.memory_space<vmem>>, vector<1x16xf32>,
        %swap3A_205 = vector.shape_cast %swap3A_204 : vector<1x16xf32> to vector<16xf32>
        %swap3A_206 = vector.shape_cast %mul3A_201 : vector<16xf32> to vector<1x16xf32>
        tpu.vector_store %arg16[%swap3A_202, %swap3A_203], %swap3A_206 {strides = array<i32>} : memref<40x72xf32, #tpu.memory_space<vmem>>, vector<1x16xf32>,
        %add3A_207 = arith.constant 2 : i32
        %add3A_208 = vector.broadcast %add3A_207 : i32 to vector<16xi32>
        %add3A_209 = arith.addi %shift_right_arithmetic3A_6, %add3A_208 : vector<16xi32>
        %broadcast_in_dim3A_210 = vector.shape_cast %add3A_209 : vector<16xi32> to vector<16x1xi32>
        %gather3A_211 = vector.shape_cast %broadcast_in_dim3A_210 : vector<16x1xi32> to vector<16xi32>
        %gather3A_212 = tpu.dynamic_gather %exp3A_185[%gather3A_211] in [0] : vector<16xf32>, vector<16xi32> -> vector<16xf32>
        %get3A_213 = arith.index_cast %add3A_168 : i32 to index
        %get3A_214 = arith.constant 16 : index
        %get3A_215 = tpu.vector_load %arg12[%get3A_213, %get3A_214] {strides = array<i32>} : memref<40x128xf32, #tpu.memory_space<vmem>>, vector<1x16xf32>,
        %get3A_216 = vector.shape_cast %get3A_215 : vector<1x16xf32> to vector<16xf32>
        %mul3A_217 = arith.mulf %get3A_216, %gather3A_212 : vector<16xf32>
        %swap3A_218 = arith.index_cast %add3A_168 : i32 to index
        %swap3A_219 = arith.constant 24 : index
        %swap3A_220 = tpu.vector_load %arg16[%swap3A_218, %swap3A_219] {strides = array<i32>} : memref<40x72xf32, #tpu.memory_space<vmem>>, vector<1x16xf32>,
        %swap3A_221 = vector.shape_cast %swap3A_220 : vector<1x16xf32> to vector<16xf32>
        %swap3A_222 = vector.shape_cast %mul3A_217 : vector<16xf32> to vector<1x16xf32>
        tpu.vector_store %arg16[%swap3A_218, %swap3A_219], %swap3A_222 {strides = array<i32>} : memref<40x72xf32, #tpu.memory_space<vmem>>, vector<1x16xf32>,
        %add3A_223 = arith.constant 4 : i32
        %add3A_224 = vector.broadcast %add3A_223 : i32 to vector<16xi32>
        %add3A_225 = arith.addi %shift_right_arithmetic3A_6, %add3A_224 : vector<16xi32>
        %broadcast_in_dim3A_226 = vector.shape_cast %add3A_225 : vector<16xi32> to vector<16x1xi32>
        %gather3A_227 = vector.shape_cast %broadcast_in_dim3A_226 : vector<16x1xi32> to vector<16xi32>
        %gather3A_228 = tpu.dynamic_gather %exp3A_185[%gather3A_227] in [0] : vector<16xf32>, vector<16xi32> -> vector<16xf32>
        %get3A_229 = arith.index_cast %add3A_168 : i32 to index
        %get3A_230 = arith.constant 32 : index
        %get3A_231 = tpu.vector_load %arg12[%get3A_229, %get3A_230] {strides = array<i32>} : memref<40x128xf32, #tpu.memory_space<vmem>>, vector<1x16xf32>,
        %get3A_232 = vector.shape_cast %get3A_231 : vector<1x16xf32> to vector<16xf32>
        %mul3A_233 = arith.mulf %get3A_232, %gather3A_228 : vector<16xf32>
        %swap3A_234 = arith.index_cast %add3A_168 : i32 to index
        %swap3A_235 = arith.constant 40 : index
        %swap3A_236 = tpu.vector_load %arg16[%swap3A_234, %swap3A_235] {strides = array<i32>} : memref<40x72xf32, #tpu.memory_space<vmem>>, vector<1x16xf32>,
        %swap3A_237 = vector.shape_cast %swap3A_236 : vector<1x16xf32> to vector<16xf32>
        %swap3A_238 = vector.shape_cast %mul3A_233 : vector<16xf32> to vector<1x16xf32>
        tpu.vector_store %arg16[%swap3A_234, %swap3A_235], %swap3A_238 {strides = array<i32>} : memref<40x72xf32, #tpu.memory_space<vmem>>, vector<1x16xf32>,
        %add3A_239 = arith.constant 6 : i32
        %add3A_240 = vector.broadcast %add3A_239 : i32 to vector<16xi32>
        %add3A_241 = arith.addi %shift_right_arithmetic3A_6, %add3A_240 : vector<16xi32>
        %broadcast_in_dim3A_242 = vector.shape_cast %add3A_241 : vector<16xi32> to vector<16x1xi32>
        %gather3A_243 = vector.shape_cast %broadcast_in_dim3A_242 : vector<16x1xi32> to vector<16xi32>
        %gather3A_244 = tpu.dynamic_gather %exp3A_185[%gather3A_243] in [0] : vector<16xf32>, vector<16xi32> -> vector<16xf32>
        %get3A_245 = arith.index_cast %add3A_168 : i32 to index
        %get3A_246 = arith.constant 48 : index
        %get3A_247 = tpu.vector_load %arg12[%get3A_245, %get3A_246] {strides = array<i32>} : memref<40x128xf32, #tpu.memory_space<vmem>>, vector<1x16xf32>,
        %get3A_248 = vector.shape_cast %get3A_247 : vector<1x16xf32> to vector<16xf32>
        %mul3A_249 = arith.mulf %get3A_248, %gather3A_244 : vector<16xf32>
        %swap3A_250 = arith.index_cast %add3A_168 : i32 to index
        %swap3A_251 = arith.constant 56 : index
        %swap3A_252 = tpu.vector_load %arg16[%swap3A_250, %swap3A_251] {strides = array<i32>} : memref<40x72xf32, #tpu.memory_space<vmem>>, vector<1x16xf32>,
        %swap3A_253 = vector.shape_cast %swap3A_252 : vector<1x16xf32> to vector<16xf32>
        %swap3A_254 = vector.shape_cast %mul3A_249 : vector<16xf32> to vector<1x16xf32>
        tpu.vector_store %arg16[%swap3A_250, %swap3A_251], %swap3A_254 {strides = array<i32>} : memref<40x72xf32, #tpu.memory_space<vmem>>, vector<1x16xf32>,
        %mul3A_255 = arith.constant 4 : i32
        %mul3A_256 = arith.muli %scan3A_80, %mul3A_255 : i32
        %add3A_257 = arith.constant 2 : i32
        %add3A_258 = arith.addi %mul3A_256, %add3A_257 : i32
        %get3A_259 = arith.index_cast %add3A_258 : i32 to index
        %get3A_260 = arith.constant 72 : index
        %get3A_261 = tpu.vector_load %arg13[%get3A_259, %get3A_260] {strides = array<i32>} : memref<40x128xf32, #tpu.memory_space<vmem>>, vector<1x16xf32>,
        %get3A_262 = vector.shape_cast %get3A_261 : vector<1x16xf32> to vector<16xf32>
        %get3A_263 = arith.index_cast %add3A_258 : i32 to index
        %get3A_264 = arith.constant 64 : index
        %get3A_265 = tpu.vector_load %arg12[%get3A_263, %get3A_264] {strides = array<i32>} : memref<40x128xf32, #tpu.memory_space<vmem>>, vector<1x16xf32>,
        %get3A_266 = vector.shape_cast %get3A_265 : vector<1x16xf32> to vector<16xf32>
        %add3A_267 = arith.addf %get3A_266, %get3A_262 : vector<16xf32>
        %ge3A_268 = arith.constant 0.000000e+00 : f32
        %ge3A_269 = vector.broadcast %ge3A_268 : f32 to vector<16xf32>
        %ge3A_270 = arith.cmpf oge, %add3A_267, %ge3A_269 : vector<16xf32>
        %mul3A_271 = arith.constant 2.000000e-01 : f32
        %mul3A_272 = vector.broadcast %mul3A_271 : f32 to vector<16xf32>
        %mul3A_273 = arith.mulf %add3A_267, %mul3A_272 : vector<16xf32>
        %select_n3A_274 = arith.select %ge3A_270, %add3A_267, %mul3A_273 : vector<16xi1>, vector<16xf32>
        %exp3A_275 = math.exp %select_n3A_274 : vector<16xf32>
        %swap3A_276 = arith.index_cast %add3A_258 : i32 to index
        %swap3A_277 = arith.constant 0 : index
        %swap3A_278 = tpu.vector_load %arg16[%swap3A_276, %swap3A_277] {strides = array<i32>} : memref<40x72xf32, #tpu.memory_space<vmem>>, vector<1x16xf32>,
        %swap3A_279 = vector.shape_cast %swap3A_278 : vector<1x16xf32> to vector<16xf32>
        %swap3A_280 = vector.shape_cast %exp3A_275 : vector<16xf32> to vector<1x16xf32>
        tpu.vector_store %arg16[%swap3A_276, %swap3A_277], %swap3A_280 {strides = array<i32>} : memref<40x72xf32, #tpu.memory_space<vmem>>, vector<1x16xf32>,
        %add3A_281 = arith.constant 0 : i32
        %add3A_282 = vector.broadcast %add3A_281 : i32 to vector<16xi32>
        %add3A_283 = arith.addi %shift_right_arithmetic3A_6, %add3A_282 : vector<16xi32>
        %broadcast_in_dim3A_284 = vector.shape_cast %add3A_283 : vector<16xi32> to vector<16x1xi32>
        %gather3A_285 = vector.shape_cast %broadcast_in_dim3A_284 : vector<16x1xi32> to vector<16xi32>
        %gather3A_286 = tpu.dynamic_gather %exp3A_275[%gather3A_285] in [0] : vector<16xf32>, vector<16xi32> -> vector<16xf32>
        %get3A_287 = arith.index_cast %add3A_258 : i32 to index
        %get3A_288 = arith.constant 0 : index
        %get3A_289 = tpu.vector_load %arg12[%get3A_287, %get3A_288] {strides = array<i32>} : memref<40x128xf32, #tpu.memory_space<vmem>>, vector<1x16xf32>,
        %get3A_290 = vector.shape_cast %get3A_289 : vector<1x16xf32> to vector<16xf32>
        %mul3A_291 = arith.mulf %get3A_290, %gather3A_286 : vector<16xf32>
        %swap3A_292 = arith.index_cast %add3A_258 : i32 to index
        %swap3A_293 = arith.constant 8 : index
        %swap3A_294 = tpu.vector_load %arg16[%swap3A_292, %swap3A_293] {strides = array<i32>} : memref<40x72xf32, #tpu.memory_space<vmem>>, vector<1x16xf32>,
        %swap3A_295 = vector.shape_cast %swap3A_294 : vector<1x16xf32> to vector<16xf32>
        %swap3A_296 = vector.shape_cast %mul3A_291 : vector<16xf32> to vector<1x16xf32>
        tpu.vector_store %arg16[%swap3A_292, %swap3A_293], %swap3A_296 {strides = array<i32>} : memref<40x72xf32, #tpu.memory_space<vmem>>, vector<1x16xf32>,
        %add3A_297 = arith.constant 2 : i32
        %add3A_298 = vector.broadcast %add3A_297 : i32 to vector<16xi32>
        %add3A_299 = arith.addi %shift_right_arithmetic3A_6, %add3A_298 : vector<16xi32>
        %broadcast_in_dim3A_300 = vector.shape_cast %add3A_299 : vector<16xi32> to vector<16x1xi32>
        %gather3A_301 = vector.shape_cast %broadcast_in_dim3A_300 : vector<16x1xi32> to vector<16xi32>
        %gather3A_302 = tpu.dynamic_gather %exp3A_275[%gather3A_301] in [0] : vector<16xf32>, vector<16xi32> -> vector<16xf32>
        %get3A_303 = arith.index_cast %add3A_258 : i32 to index
        %get3A_304 = arith.constant 16 : index
        %get3A_305 = tpu.vector_load %arg12[%get3A_303, %get3A_304] {strides = array<i32>} : memref<40x128xf32, #tpu.memory_space<vmem>>, vector<1x16xf32>,
        %get3A_306 = vector.shape_cast %get3A_305 : vector<1x16xf32> to vector<16xf32>
        %mul3A_307 = arith.mulf %get3A_306, %gather3A_302 : vector<16xf32>
        %swap3A_308 = arith.index_cast %add3A_258 : i32 to index
        %swap3A_309 = arith.constant 24 : index
        %swap3A_310 = tpu.vector_load %arg16[%swap3A_308, %swap3A_309] {strides = array<i32>} : memref<40x72xf32, #tpu.memory_space<vmem>>, vector<1x16xf32>,
        %swap3A_311 = vector.shape_cast %swap3A_310 : vector<1x16xf32> to vector<16xf32>
        %swap3A_312 = vector.shape_cast %mul3A_307 : vector<16xf32> to vector<1x16xf32>
        tpu.vector_store %arg16[%swap3A_308, %swap3A_309], %swap3A_312 {strides = array<i32>} : memref<40x72xf32, #tpu.memory_space<vmem>>, vector<1x16xf32>,
        %add3A_313 = arith.constant 4 : i32
        %add3A_314 = vector.broadcast %add3A_313 : i32 to vector<16xi32>
        %add3A_315 = arith.addi %shift_right_arithmetic3A_6, %add3A_314 : vector<16xi32>
        %broadcast_in_dim3A_316 = vector.shape_cast %add3A_315 : vector<16xi32> to vector<16x1xi32>
        %gather3A_317 = vector.shape_cast %broadcast_in_dim3A_316 : vector<16x1xi32> to vector<16xi32>
        %gather3A_318 = tpu.dynamic_gather %exp3A_275[%gather3A_317] in [0] : vector<16xf32>, vector<16xi32> -> vector<16xf32>
        %get3A_319 = arith.index_cast %add3A_258 : i32 to index
        %get3A_320 = arith.constant 32 : index
        %get3A_321 = tpu.vector_load %arg12[%get3A_319, %get3A_320] {strides = array<i32>} : memref<40x128xf32, #tpu.memory_space<vmem>>, vector<1x16xf32>,
        %get3A_322 = vector.shape_cast %get3A_321 : vector<1x16xf32> to vector<16xf32>
        %mul3A_323 = arith.mulf %get3A_322, %gather3A_318 : vector<16xf32>
        %swap3A_324 = arith.index_cast %add3A_258 : i32 to index
        %swap3A_325 = arith.constant 40 : index
        %swap3A_326 = tpu.vector_load %arg16[%swap3A_324, %swap3A_325] {strides = array<i32>} : memref<40x72xf32, #tpu.memory_space<vmem>>, vector<1x16xf32>,
        %swap3A_327 = vector.shape_cast %swap3A_326 : vector<1x16xf32> to vector<16xf32>
        %swap3A_328 = vector.shape_cast %mul3A_323 : vector<16xf32> to vector<1x16xf32>
        tpu.vector_store %arg16[%swap3A_324, %swap3A_325], %swap3A_328 {strides = array<i32>} : memref<40x72xf32, #tpu.memory_space<vmem>>, vector<1x16xf32>,
        %add3A_329 = arith.constant 6 : i32
        %add3A_330 = vector.broadcast %add3A_329 : i32 to vector<16xi32>
        %add3A_331 = arith.addi %shift_right_arithmetic3A_6, %add3A_330 : vector<16xi32>
        %broadcast_in_dim3A_332 = vector.shape_cast %add3A_331 : vector<16xi32> to vector<16x1xi32>
        %gather3A_333 = vector.shape_cast %broadcast_in_dim3A_332 : vector<16x1xi32> to vector<16xi32>
        %gather3A_334 = tpu.dynamic_gather %exp3A_275[%gather3A_333] in [0] : vector<16xf32>, vector<16xi32> -> vector<16xf32>
        %get3A_335 = arith.index_cast %add3A_258 : i32 to index
        %get3A_336 = arith.constant 48 : index
        %get3A_337 = tpu.vector_load %arg12[%get3A_335, %get3A_336] {strides = array<i32>} : memref<40x128xf32, #tpu.memory_space<vmem>>, vector<1x16xf32>,
        %get3A_338 = vector.shape_cast %get3A_337 : vector<1x16xf32> to vector<16xf32>
        %mul3A_339 = arith.mulf %get3A_338, %gather3A_334 : vector<16xf32>
        %swap3A_340 = arith.index_cast %add3A_258 : i32 to index
        %swap3A_341 = arith.constant 56 : index
        %swap3A_342 = tpu.vector_load %arg16[%swap3A_340, %swap3A_341] {strides = array<i32>} : memref<40x72xf32, #tpu.memory_space<vmem>>, vector<1x16xf32>,
        %swap3A_343 = vector.shape_cast %swap3A_342 : vector<1x16xf32> to vector<16xf32>
        %swap3A_344 = vector.shape_cast %mul3A_339 : vector<16xf32> to vector<1x16xf32>
        tpu.vector_store %arg16[%swap3A_340, %swap3A_341], %swap3A_344 {strides = array<i32>} : memref<40x72xf32, #tpu.memory_space<vmem>>, vector<1x16xf32>,
        %mul3A_345 = arith.constant 4 : i32
        %mul3A_346 = arith.muli %scan3A_80, %mul3A_345 : i32
        %add3A_347 = arith.constant 3 : i32
        %add3A_348 = arith.addi %mul3A_346, %add3A_347 : i32
        %get3A_349 = arith.index_cast %add3A_348 : i32 to index
        %get3A_350 = arith.constant 72 : index
        %get3A_351 = tpu.vector_load %arg13[%get3A_349, %get3A_350] {strides = array<i32>} : memref<40x128xf32, #tpu.memory_space<vmem>>, vector<1x16xf32>,
        %get3A_352 = vector.shape_cast %get3A_351 : vector<1x16xf32> to vector<16xf32>
        %get3A_353 = arith.index_cast %add3A_348 : i32 to index
        %get3A_354 = arith.constant 64 : index
        %get3A_355 = tpu.vector_load %arg12[%get3A_353, %get3A_354] {strides = array<i32>} : memref<40x128xf32, #tpu.memory_space<vmem>>, vector<1x16xf32>,
        %get3A_356 = vector.shape_cast %get3A_355 : vector<1x16xf32> to vector<16xf32>
        %add3A_357 = arith.addf %get3A_356, %get3A_352 : vector<16xf32>
        %ge3A_358 = arith.constant 0.000000e+00 : f32
        %ge3A_359 = vector.broadcast %ge3A_358 : f32 to vector<16xf32>
        %ge3A_360 = arith.cmpf oge, %add3A_357, %ge3A_359 : vector<16xf32>
        %mul3A_361 = arith.constant 2.000000e-01 : f32
        %mul3A_362 = vector.broadcast %mul3A_361 : f32 to vector<16xf32>
        %mul3A_363 = arith.mulf %add3A_357, %mul3A_362 : vector<16xf32>
        %select_n3A_364 = arith.select %ge3A_360, %add3A_357, %mul3A_363 : vector<16xi1>, vector<16xf32>
        %exp3A_365 = math.exp %select_n3A_364 : vector<16xf32>
        %swap3A_366 = arith.index_cast %add3A_348 : i32 to index
        %swap3A_367 = arith.constant 0 : index
        %swap3A_368 = tpu.vector_load %arg16[%swap3A_366, %swap3A_367] {strides = array<i32>} : memref<40x72xf32, #tpu.memory_space<vmem>>, vector<1x16xf32>,
        %swap3A_369 = vector.shape_cast %swap3A_368 : vector<1x16xf32> to vector<16xf32>
        %swap3A_370 = vector.shape_cast %exp3A_365 : vector<16xf32> to vector<1x16xf32>
        tpu.vector_store %arg16[%swap3A_366, %swap3A_367], %swap3A_370 {strides = array<i32>} : memref<40x72xf32, #tpu.memory_space<vmem>>, vector<1x16xf32>,
        %add3A_371 = arith.constant 0 : i32
        %add3A_372 = vector.broadcast %add3A_371 : i32 to vector<16xi32>
        %add3A_373 = arith.addi %shift_right_arithmetic3A_6, %add3A_372 : vector<16xi32>
        %broadcast_in_dim3A_374 = vector.shape_cast %add3A_373 : vector<16xi32> to vector<16x1xi32>
        %gather3A_375 = vector.shape_cast %broadcast_in_dim3A_374 : vector<16x1xi32> to vector<16xi32>
        %gather3A_376 = tpu.dynamic_gather %exp3A_365[%gather3A_375] in [0] : vector<16xf32>, vector<16xi32> -> vector<16xf32>
        %get3A_377 = arith.index_cast %add3A_348 : i32 to index
        %get3A_378 = arith.constant 0 : index
        %get3A_379 = tpu.vector_load %arg12[%get3A_377, %get3A_378] {strides = array<i32>} : memref<40x128xf32, #tpu.memory_space<vmem>>, vector<1x16xf32>,
        %get3A_380 = vector.shape_cast %get3A_379 : vector<1x16xf32> to vector<16xf32>
        %mul3A_381 = arith.mulf %get3A_380, %gather3A_376 : vector<16xf32>
        %swap3A_382 = arith.index_cast %add3A_348 : i32 to index
        %swap3A_383 = arith.constant 8 : index
        %swap3A_384 = tpu.vector_load %arg16[%swap3A_382, %swap3A_383] {strides = array<i32>} : memref<40x72xf32, #tpu.memory_space<vmem>>, vector<1x16xf32>,
        %swap3A_385 = vector.shape_cast %swap3A_384 : vector<1x16xf32> to vector<16xf32>
        %swap3A_386 = vector.shape_cast %mul3A_381 : vector<16xf32> to vector<1x16xf32>
        tpu.vector_store %arg16[%swap3A_382, %swap3A_383], %swap3A_386 {strides = array<i32>} : memref<40x72xf32, #tpu.memory_space<vmem>>, vector<1x16xf32>,
        %add3A_387 = arith.constant 2 : i32
        %add3A_388 = vector.broadcast %add3A_387 : i32 to vector<16xi32>
        %add3A_389 = arith.addi %shift_right_arithmetic3A_6, %add3A_388 : vector<16xi32>
        %broadcast_in_dim3A_390 = vector.shape_cast %add3A_389 : vector<16xi32> to vector<16x1xi32>
        %gather3A_391 = vector.shape_cast %broadcast_in_dim3A_390 : vector<16x1xi32> to vector<16xi32>
        %gather3A_392 = tpu.dynamic_gather %exp3A_365[%gather3A_391] in [0] : vector<16xf32>, vector<16xi32> -> vector<16xf32>
        %get3A_393 = arith.index_cast %add3A_348 : i32 to index
        %get3A_394 = arith.constant 16 : index
        %get3A_395 = tpu.vector_load %arg12[%get3A_393, %get3A_394] {strides = array<i32>} : memref<40x128xf32, #tpu.memory_space<vmem>>, vector<1x16xf32>,
        %get3A_396 = vector.shape_cast %get3A_395 : vector<1x16xf32> to vector<16xf32>
        %mul3A_397 = arith.mulf %get3A_396, %gather3A_392 : vector<16xf32>
        %swap3A_398 = arith.index_cast %add3A_348 : i32 to index
        %swap3A_399 = arith.constant 24 : index
        %swap3A_400 = tpu.vector_load %arg16[%swap3A_398, %swap3A_399] {strides = array<i32>} : memref<40x72xf32, #tpu.memory_space<vmem>>, vector<1x16xf32>,
        %swap3A_401 = vector.shape_cast %swap3A_400 : vector<1x16xf32> to vector<16xf32>
        %swap3A_402 = vector.shape_cast %mul3A_397 : vector<16xf32> to vector<1x16xf32>
        tpu.vector_store %arg16[%swap3A_398, %swap3A_399], %swap3A_402 {strides = array<i32>} : memref<40x72xf32, #tpu.memory_space<vmem>>, vector<1x16xf32>,
        %add3A_403 = arith.constant 4 : i32
        %add3A_404 = vector.broadcast %add3A_403 : i32 to vector<16xi32>
        %add3A_405 = arith.addi %shift_right_arithmetic3A_6, %add3A_404 : vector<16xi32>
        %broadcast_in_dim3A_406 = vector.shape_cast %add3A_405 : vector<16xi32> to vector<16x1xi32>
        %gather3A_407 = vector.shape_cast %broadcast_in_dim3A_406 : vector<16x1xi32> to vector<16xi32>
        %gather3A_408 = tpu.dynamic_gather %exp3A_365[%gather3A_407] in [0] : vector<16xf32>, vector<16xi32> -> vector<16xf32>
        %get3A_409 = arith.index_cast %add3A_348 : i32 to index
        %get3A_410 = arith.constant 32 : index
        %get3A_411 = tpu.vector_load %arg12[%get3A_409, %get3A_410] {strides = array<i32>} : memref<40x128xf32, #tpu.memory_space<vmem>>, vector<1x16xf32>,
        %get3A_412 = vector.shape_cast %get3A_411 : vector<1x16xf32> to vector<16xf32>
        %mul3A_413 = arith.mulf %get3A_412, %gather3A_408 : vector<16xf32>
        %swap3A_414 = arith.index_cast %add3A_348 : i32 to index
        %swap3A_415 = arith.constant 40 : index
        %swap3A_416 = tpu.vector_load %arg16[%swap3A_414, %swap3A_415] {strides = array<i32>} : memref<40x72xf32, #tpu.memory_space<vmem>>, vector<1x16xf32>,
        %swap3A_417 = vector.shape_cast %swap3A_416 : vector<1x16xf32> to vector<16xf32>
        %swap3A_418 = vector.shape_cast %mul3A_413 : vector<16xf32> to vector<1x16xf32>
        tpu.vector_store %arg16[%swap3A_414, %swap3A_415], %swap3A_418 {strides = array<i32>} : memref<40x72xf32, #tpu.memory_space<vmem>>, vector<1x16xf32>,
        %add3A_419 = arith.constant 6 : i32
        %add3A_420 = vector.broadcast %add3A_419 : i32 to vector<16xi32>
        %add3A_421 = arith.addi %shift_right_arithmetic3A_6, %add3A_420 : vector<16xi32>
        %broadcast_in_dim3A_422 = vector.shape_cast %add3A_421 : vector<16xi32> to vector<16x1xi32>
        %gather3A_423 = vector.shape_cast %broadcast_in_dim3A_422 : vector<16x1xi32> to vector<16xi32>
        %gather3A_424 = tpu.dynamic_gather %exp3A_365[%gather3A_423] in [0] : vector<16xf32>, vector<16xi32> -> vector<16xf32>
        %get3A_425 = arith.index_cast %add3A_348 : i32 to index
        %get3A_426 = arith.constant 48 : index
        %get3A_427 = tpu.vector_load %arg12[%get3A_425, %get3A_426] {strides = array<i32>} : memref<40x128xf32, #tpu.memory_space<vmem>>, vector<1x16xf32>,
        %get3A_428 = vector.shape_cast %get3A_427 : vector<1x16xf32> to vector<16xf32>
        %mul3A_429 = arith.mulf %get3A_428, %gather3A_424 : vector<16xf32>
        %swap3A_430 = arith.index_cast %add3A_348 : i32 to index
        %swap3A_431 = arith.constant 56 : index
        %swap3A_432 = tpu.vector_load %arg16[%swap3A_430, %swap3A_431] {strides = array<i32>} : memref<40x72xf32, #tpu.memory_space<vmem>>, vector<1x16xf32>,
        %swap3A_433 = vector.shape_cast %swap3A_432 : vector<1x16xf32> to vector<16xf32>
        %swap3A_434 = vector.shape_cast %mul3A_429 : vector<16xf32> to vector<1x16xf32>
        tpu.vector_store %arg16[%swap3A_430, %swap3A_431], %swap3A_434 {strides = array<i32>} : memref<40x72xf32, #tpu.memory_space<vmem>>, vector<1x16xf32>,
        %scan3A_435 = arith.constant 0 : i32
        scf.yield %scan3A_435 : i32
      }
      %scan3A_53 = arith.constant 10 : i32
      "tpu.region"() ({
        %run_scoped3A = tpu.sem_alloc : memref<!tpu.dma_semaphore, #tpu.memory_space<semaphore_mem>>
        %dma_start3A_80 = arith.constant 0 : i32
        %dma_start3A_81 = arith.constant 0 : i32
        %dma_start3A_82 = tpu.memref_slice %arg7[%dma_start3A_80, %dma_start3A_81] : memref<10240x72xf32, #tpu.memory_space<vmem_shared>> -> memref<10240x72xf32, #tpu.memory_space<vmem_shared>>
        tpu.enqueue_indirect_dma source(%arg16 : memref<40x72xf32, #tpu.memory_space<vmem>>) target(%dma_start3A_82 : memref<10240x72xf32, #tpu.memory_space<vmem_shared>>) offsets(%arg9 : memref<40xi32, #tpu.memory_space<vmem>>) semaphore(%run_scoped3A : memref<!tpu.dma_semaphore, #tpu.memory_space<semaphore_mem>>) {add = true}
        %dma_wait3A_83 = arith.constant 0 : i32
        %dma_wait3A_84 = arith.constant 0 : i32
        %dma_wait3A_85 = tpu.memref_slice %arg7[%dma_wait3A_83, %dma_wait3A_84] : memref<10240x72xf32, #tpu.memory_space<vmem_shared>> -> memref<10240x72xf32, #tpu.memory_space<vmem_shared>>
        tpu.wait_indirect_dma semaphore(%run_scoped3A : memref<!tpu.dma_semaphore, #tpu.memory_space<semaphore_mem>>) src(%arg16 : memref<40x72xf32, #tpu.memory_space<vmem>>) dst(%dma_wait3A_85 : memref<10240x72xf32, #tpu.memory_space<vmem_shared>>)
        tpu.yield
      }) : () -> ()
      %add3A_54 = arith.constant 2 : i32
      %add3A_55 = arith.addi %mul3A_29, %add3A_54 : i32
      %min3A = arith.constant 249 : i32
      %min3A_56 = arith.minsi %add3A_55, %min3A : i32
      %mul3A_57 = arith.constant 40 : i32
      %mul3A_58 = arith.muli %min3A_56, %mul3A_57 : i32
      %add3A_59 = arith.addi %mul3A_4, %mul3A_58 : i32
      "tpu.region"() ({
        %run_scoped3A = tpu.sem_alloc : memref<!tpu.dma_semaphore, #tpu.memory_space<semaphore_mem>>
        %dma_start3A_80 = tpu.memref_slice %arg2[%add3A_59] : memref<320000xi32, #tpu.memory_space<hbm>> -> memref<40xi32, #tpu.memory_space<hbm>>
        %dma_start3A_81 = tpu.memref_slice %arg2[%add3A_59] : memref<320000xi32, #tpu.memory_space<hbm>> -> memref<40xi32, #tpu.memory_space<hbm>>
        tpu.enqueue_dma source(%dma_start3A_81 : memref<40xi32, #tpu.memory_space<hbm>>) target(%arg8 : memref<40xi32, #tpu.memory_space<vmem>>) target_semaphore(%run_scoped3A : memref<!tpu.dma_semaphore, #tpu.memory_space<semaphore_mem>>)
        %dma_wait3A_82 = tpu.memref_slice %arg2[%add3A_59] : memref<320000xi32, #tpu.memory_space<hbm>> -> memref<40xi32, #tpu.memory_space<hbm>>
        %dma_wait3A_83 = tpu.memref_slice %arg2[%add3A_59] : memref<320000xi32, #tpu.memory_space<hbm>> -> memref<40xi32, #tpu.memory_space<hbm>>
        tpu.wait_dma2 semaphore(%run_scoped3A : memref<!tpu.dma_semaphore, #tpu.memory_space<semaphore_mem>>) src(%dma_wait3A_83 : memref<40xi32, #tpu.memory_space<hbm>>) dst(%arg8 : memref<40xi32, #tpu.memory_space<vmem>>)
        tpu.yield
      }) : () -> ()
      "tpu.region"() ({
        %run_scoped3A = tpu.sem_alloc : memref<!tpu.dma_semaphore, #tpu.memory_space<semaphore_mem>>
        %dma_start3A_80 = tpu.memref_slice %arg3[%add3A_59] : memref<320000xi32, #tpu.memory_space<hbm>> -> memref<40xi32, #tpu.memory_space<hbm>>
        %dma_start3A_81 = tpu.memref_slice %arg3[%add3A_59] : memref<320000xi32, #tpu.memory_space<hbm>> -> memref<40xi32, #tpu.memory_space<hbm>>
        tpu.enqueue_dma source(%dma_start3A_81 : memref<40xi32, #tpu.memory_space<hbm>>) target(%arg9 : memref<40xi32, #tpu.memory_space<vmem>>) target_semaphore(%run_scoped3A : memref<!tpu.dma_semaphore, #tpu.memory_space<semaphore_mem>>)
        %dma_wait3A_82 = tpu.memref_slice %arg3[%add3A_59] : memref<320000xi32, #tpu.memory_space<hbm>> -> memref<40xi32, #tpu.memory_space<hbm>>
        %dma_wait3A_83 = tpu.memref_slice %arg3[%add3A_59] : memref<320000xi32, #tpu.memory_space<hbm>> -> memref<40xi32, #tpu.memory_space<hbm>>
        tpu.wait_dma2 semaphore(%run_scoped3A : memref<!tpu.dma_semaphore, #tpu.memory_space<semaphore_mem>>) src(%dma_wait3A_83 : memref<40xi32, #tpu.memory_space<hbm>>) dst(%arg9 : memref<40xi32, #tpu.memory_space<vmem>>)
        tpu.yield
      }) : () -> ()
      %dma_start3A_60 = arith.constant 0 : i32
      %dma_start3A_61 = arith.constant 0 : i32
      %dma_start3A_62 = tpu.memref_slice %arg4[%dma_start3A_60, %dma_start3A_61] : memref<10000x128xf32, #tpu.memory_space<hbm>> -> memref<10000x128xf32, #tpu.memory_space<hbm>>
      tpu.enqueue_indirect_dma source(%dma_start3A_62 : memref<10000x128xf32, #tpu.memory_space<hbm>>) target(%arg12 : memref<40x128xf32, #tpu.memory_space<vmem>>) offsets(%arg8 : memref<40xi32, #tpu.memory_space<vmem>>) semaphore(%arg17 : memref<!tpu.dma_semaphore, #tpu.memory_space<semaphore_mem>>)
      %dma_start3A_63 = arith.constant 0 : i32
      %dma_start3A_64 = arith.constant 0 : i32
      %dma_start3A_65 = tpu.memref_slice %arg4[%dma_start3A_63, %dma_start3A_64] : memref<10000x128xf32, #tpu.memory_space<hbm>> -> memref<10000x128xf32, #tpu.memory_space<hbm>>
      tpu.enqueue_indirect_dma source(%dma_start3A_65 : memref<10000x128xf32, #tpu.memory_space<hbm>>) target(%arg13 : memref<40x128xf32, #tpu.memory_space<vmem>>) offsets(%arg9 : memref<40xi32, #tpu.memory_space<vmem>>) semaphore(%arg17 : memref<!tpu.dma_semaphore, #tpu.memory_space<semaphore_mem>>)
      %dma_wait3A_66 = arith.constant 0 : i32
      %dma_wait3A_67 = arith.constant 0 : i32
      %dma_wait3A_68 = tpu.memref_slice %arg4[%dma_wait3A_66, %dma_wait3A_67] : memref<10000x128xf32, #tpu.memory_space<hbm>> -> memref<10000x128xf32, #tpu.memory_space<hbm>>
      tpu.wait_indirect_dma semaphore(%arg17 : memref<!tpu.dma_semaphore, #tpu.memory_space<semaphore_mem>>) src(%dma_wait3A_68 : memref<10000x128xf32, #tpu.memory_space<hbm>>) dst(%arg14 : memref<40x128xf32, #tpu.memory_space<vmem>>)
      %dma_wait3A_69 = arith.constant 0 : i32
      %dma_wait3A_70 = arith.constant 0 : i32
      %dma_wait3A_71 = tpu.memref_slice %arg4[%dma_wait3A_69, %dma_wait3A_70] : memref<10000x128xf32, #tpu.memory_space<hbm>> -> memref<10000x128xf32, #tpu.memory_space<hbm>>
      tpu.wait_indirect_dma semaphore(%arg17 : memref<!tpu.dma_semaphore, #tpu.memory_space<semaphore_mem>>) src(%dma_wait3A_71 : memref<10000x128xf32, #tpu.memory_space<hbm>>) dst(%arg15 : memref<40x128xf32, #tpu.memory_space<vmem>>)
      %scan3A_72 = arith.constant 0 : i32
      %scan3A_73 = arith.constant 0 : i32
      %scan3A_74 = arith.constant 10 : i32
      %scan3A_75 = arith.addi %scan3A_73, %scan3A_74 : i32
      %scan3A_76 = arith.constant 1 : i32
      %scan3A_77 = scf.for %scan3A_80 = %scan3A_73 to %scan3A_75 step %scan3A_76 iter_args(%scan3A_81 = %scan3A_72) -> (i32)  : i32 {
        %mul3A_82 = arith.constant 4 : i32
        %mul3A_83 = arith.muli %scan3A_80, %mul3A_82 : i32
        %add3A_84 = arith.constant 0 : i32
        %add3A_85 = arith.addi %mul3A_83, %add3A_84 : i32
        %get3A = arith.index_cast %add3A_85 : i32 to index
        %get3A_86 = arith.constant 72 : index
        %get3A_87 = tpu.vector_load %arg15[%get3A, %get3A_86] {strides = array<i32>} : memref<40x128xf32, #tpu.memory_space<vmem>>, vector<1x16xf32>,
        %get3A_88 = vector.shape_cast %get3A_87 : vector<1x16xf32> to vector<16xf32>
        %get3A_89 = arith.index_cast %add3A_85 : i32 to index
        %get3A_90 = arith.constant 64 : index
        %get3A_91 = tpu.vector_load %arg14[%get3A_89, %get3A_90] {strides = array<i32>} : memref<40x128xf32, #tpu.memory_space<vmem>>, vector<1x16xf32>,
        %get3A_92 = vector.shape_cast %get3A_91 : vector<1x16xf32> to vector<16xf32>
        %add3A_93 = arith.addf %get3A_92, %get3A_88 : vector<16xf32>
        %ge3A = arith.constant 0.000000e+00 : f32
        %ge3A_94 = vector.broadcast %ge3A : f32 to vector<16xf32>
        %ge3A_95 = arith.cmpf oge, %add3A_93, %ge3A_94 : vector<16xf32>
        %mul3A_96 = arith.constant 2.000000e-01 : f32
        %mul3A_97 = vector.broadcast %mul3A_96 : f32 to vector<16xf32>
        %mul3A_98 = arith.mulf %add3A_93, %mul3A_97 : vector<16xf32>
        %select_n3A = arith.select %ge3A_95, %add3A_93, %mul3A_98 : vector<16xi1>, vector<16xf32>
        %exp3A = math.exp %select_n3A : vector<16xf32>
        %swap3A = arith.index_cast %add3A_85 : i32 to index
        %swap3A_99 = arith.constant 0 : index
        %swap3A_100 = tpu.vector_load %arg16[%swap3A, %swap3A_99] {strides = array<i32>} : memref<40x72xf32, #tpu.memory_space<vmem>>, vector<1x16xf32>,
        %swap3A_101 = vector.shape_cast %swap3A_100 : vector<1x16xf32> to vector<16xf32>
        %swap3A_102 = vector.shape_cast %exp3A : vector<16xf32> to vector<1x16xf32>
        tpu.vector_store %arg16[%swap3A, %swap3A_99], %swap3A_102 {strides = array<i32>} : memref<40x72xf32, #tpu.memory_space<vmem>>, vector<1x16xf32>,
        %add3A_103 = arith.constant 0 : i32
        %add3A_104 = vector.broadcast %add3A_103 : i32 to vector<16xi32>
        %add3A_105 = arith.addi %shift_right_arithmetic3A_6, %add3A_104 : vector<16xi32>
        %broadcast_in_dim3A = vector.shape_cast %add3A_105 : vector<16xi32> to vector<16x1xi32>
        %gather3A = vector.shape_cast %broadcast_in_dim3A : vector<16x1xi32> to vector<16xi32>
        %gather3A_106 = tpu.dynamic_gather %exp3A[%gather3A] in [0] : vector<16xf32>, vector<16xi32> -> vector<16xf32>
        %get3A_107 = arith.index_cast %add3A_85 : i32 to index
        %get3A_108 = arith.constant 0 : index
        %get3A_109 = tpu.vector_load %arg14[%get3A_107, %get3A_108] {strides = array<i32>} : memref<40x128xf32, #tpu.memory_space<vmem>>, vector<1x16xf32>,
        %get3A_110 = vector.shape_cast %get3A_109 : vector<1x16xf32> to vector<16xf32>
        %mul3A_111 = arith.mulf %get3A_110, %gather3A_106 : vector<16xf32>
        %swap3A_112 = arith.index_cast %add3A_85 : i32 to index
        %swap3A_113 = arith.constant 8 : index
        %swap3A_114 = tpu.vector_load %arg16[%swap3A_112, %swap3A_113] {strides = array<i32>} : memref<40x72xf32, #tpu.memory_space<vmem>>, vector<1x16xf32>,
        %swap3A_115 = vector.shape_cast %swap3A_114 : vector<1x16xf32> to vector<16xf32>
        %swap3A_116 = vector.shape_cast %mul3A_111 : vector<16xf32> to vector<1x16xf32>
        tpu.vector_store %arg16[%swap3A_112, %swap3A_113], %swap3A_116 {strides = array<i32>} : memref<40x72xf32, #tpu.memory_space<vmem>>, vector<1x16xf32>,
        %add3A_117 = arith.constant 2 : i32
        %add3A_118 = vector.broadcast %add3A_117 : i32 to vector<16xi32>
        %add3A_119 = arith.addi %shift_right_arithmetic3A_6, %add3A_118 : vector<16xi32>
        %broadcast_in_dim3A_120 = vector.shape_cast %add3A_119 : vector<16xi32> to vector<16x1xi32>
        %gather3A_121 = vector.shape_cast %broadcast_in_dim3A_120 : vector<16x1xi32> to vector<16xi32>
        %gather3A_122 = tpu.dynamic_gather %exp3A[%gather3A_121] in [0] : vector<16xf32>, vector<16xi32> -> vector<16xf32>
        %get3A_123 = arith.index_cast %add3A_85 : i32 to index
        %get3A_124 = arith.constant 16 : index
        %get3A_125 = tpu.vector_load %arg14[%get3A_123, %get3A_124] {strides = array<i32>} : memref<40x128xf32, #tpu.memory_space<vmem>>, vector<1x16xf32>,
        %get3A_126 = vector.shape_cast %get3A_125 : vector<1x16xf32> to vector<16xf32>
        %mul3A_127 = arith.mulf %get3A_126, %gather3A_122 : vector<16xf32>
        %swap3A_128 = arith.index_cast %add3A_85 : i32 to index
        %swap3A_129 = arith.constant 24 : index
        %swap3A_130 = tpu.vector_load %arg16[%swap3A_128, %swap3A_129] {strides = array<i32>} : memref<40x72xf32, #tpu.memory_space<vmem>>, vector<1x16xf32>,
        %swap3A_131 = vector.shape_cast %swap3A_130 : vector<1x16xf32> to vector<16xf32>
        %swap3A_132 = vector.shape_cast %mul3A_127 : vector<16xf32> to vector<1x16xf32>
        tpu.vector_store %arg16[%swap3A_128, %swap3A_129], %swap3A_132 {strides = array<i32>} : memref<40x72xf32, #tpu.memory_space<vmem>>, vector<1x16xf32>,
        %add3A_133 = arith.constant 4 : i32
        %add3A_134 = vector.broadcast %add3A_133 : i32 to vector<16xi32>
        %add3A_135 = arith.addi %shift_right_arithmetic3A_6, %add3A_134 : vector<16xi32>
        %broadcast_in_dim3A_136 = vector.shape_cast %add3A_135 : vector<16xi32> to vector<16x1xi32>
        %gather3A_137 = vector.shape_cast %broadcast_in_dim3A_136 : vector<16x1xi32> to vector<16xi32>
        %gather3A_138 = tpu.dynamic_gather %exp3A[%gather3A_137] in [0] : vector<16xf32>, vector<16xi32> -> vector<16xf32>
        %get3A_139 = arith.index_cast %add3A_85 : i32 to index
        %get3A_140 = arith.constant 32 : index
        %get3A_141 = tpu.vector_load %arg14[%get3A_139, %get3A_140] {strides = array<i32>} : memref<40x128xf32, #tpu.memory_space<vmem>>, vector<1x16xf32>,
        %get3A_142 = vector.shape_cast %get3A_141 : vector<1x16xf32> to vector<16xf32>
        %mul3A_143 = arith.mulf %get3A_142, %gather3A_138 : vector<16xf32>
        %swap3A_144 = arith.index_cast %add3A_85 : i32 to index
        %swap3A_145 = arith.constant 40 : index
        %swap3A_146 = tpu.vector_load %arg16[%swap3A_144, %swap3A_145] {strides = array<i32>} : memref<40x72xf32, #tpu.memory_space<vmem>>, vector<1x16xf32>,
        %swap3A_147 = vector.shape_cast %swap3A_146 : vector<1x16xf32> to vector<16xf32>
        %swap3A_148 = vector.shape_cast %mul3A_143 : vector<16xf32> to vector<1x16xf32>
        tpu.vector_store %arg16[%swap3A_144, %swap3A_145], %swap3A_148 {strides = array<i32>} : memref<40x72xf32, #tpu.memory_space<vmem>>, vector<1x16xf32>,
        %add3A_149 = arith.constant 6 : i32
        %add3A_150 = vector.broadcast %add3A_149 : i32 to vector<16xi32>
        %add3A_151 = arith.addi %shift_right_arithmetic3A_6, %add3A_150 : vector<16xi32>
        %broadcast_in_dim3A_152 = vector.shape_cast %add3A_151 : vector<16xi32> to vector<16x1xi32>
        %gather3A_153 = vector.shape_cast %broadcast_in_dim3A_152 : vector<16x1xi32> to vector<16xi32>
        %gather3A_154 = tpu.dynamic_gather %exp3A[%gather3A_153] in [0] : vector<16xf32>, vector<16xi32> -> vector<16xf32>
        %get3A_155 = arith.index_cast %add3A_85 : i32 to index
        %get3A_156 = arith.constant 48 : index
        %get3A_157 = tpu.vector_load %arg14[%get3A_155, %get3A_156] {strides = array<i32>} : memref<40x128xf32, #tpu.memory_space<vmem>>, vector<1x16xf32>,
        %get3A_158 = vector.shape_cast %get3A_157 : vector<1x16xf32> to vector<16xf32>
        %mul3A_159 = arith.mulf %get3A_158, %gather3A_154 : vector<16xf32>
        %swap3A_160 = arith.index_cast %add3A_85 : i32 to index
        %swap3A_161 = arith.constant 56 : index
        %swap3A_162 = tpu.vector_load %arg16[%swap3A_160, %swap3A_161] {strides = array<i32>} : memref<40x72xf32, #tpu.memory_space<vmem>>, vector<1x16xf32>,
        %swap3A_163 = vector.shape_cast %swap3A_162 : vector<1x16xf32> to vector<16xf32>
        %swap3A_164 = vector.shape_cast %mul3A_159 : vector<16xf32> to vector<1x16xf32>
        tpu.vector_store %arg16[%swap3A_160, %swap3A_161], %swap3A_164 {strides = array<i32>} : memref<40x72xf32, #tpu.memory_space<vmem>>, vector<1x16xf32>,
        %mul3A_165 = arith.constant 4 : i32
        %mul3A_166 = arith.muli %scan3A_80, %mul3A_165 : i32
        %add3A_167 = arith.constant 1 : i32
        %add3A_168 = arith.addi %mul3A_166, %add3A_167 : i32
        %get3A_169 = arith.index_cast %add3A_168 : i32 to index
        %get3A_170 = arith.constant 72 : index
        %get3A_171 = tpu.vector_load %arg15[%get3A_169, %get3A_170] {strides = array<i32>} : memref<40x128xf32, #tpu.memory_space<vmem>>, vector<1x16xf32>,
        %get3A_172 = vector.shape_cast %get3A_171 : vector<1x16xf32> to vector<16xf32>
        %get3A_173 = arith.index_cast %add3A_168 : i32 to index
        %get3A_174 = arith.constant 64 : index
        %get3A_175 = tpu.vector_load %arg14[%get3A_173, %get3A_174] {strides = array<i32>} : memref<40x128xf32, #tpu.memory_space<vmem>>, vector<1x16xf32>,
        %get3A_176 = vector.shape_cast %get3A_175 : vector<1x16xf32> to vector<16xf32>
        %add3A_177 = arith.addf %get3A_176, %get3A_172 : vector<16xf32>
        %ge3A_178 = arith.constant 0.000000e+00 : f32
        %ge3A_179 = vector.broadcast %ge3A_178 : f32 to vector<16xf32>
        %ge3A_180 = arith.cmpf oge, %add3A_177, %ge3A_179 : vector<16xf32>
        %mul3A_181 = arith.constant 2.000000e-01 : f32
        %mul3A_182 = vector.broadcast %mul3A_181 : f32 to vector<16xf32>
        %mul3A_183 = arith.mulf %add3A_177, %mul3A_182 : vector<16xf32>
        %select_n3A_184 = arith.select %ge3A_180, %add3A_177, %mul3A_183 : vector<16xi1>, vector<16xf32>
        %exp3A_185 = math.exp %select_n3A_184 : vector<16xf32>
        %swap3A_186 = arith.index_cast %add3A_168 : i32 to index
        %swap3A_187 = arith.constant 0 : index
        %swap3A_188 = tpu.vector_load %arg16[%swap3A_186, %swap3A_187] {strides = array<i32>} : memref<40x72xf32, #tpu.memory_space<vmem>>, vector<1x16xf32>,
        %swap3A_189 = vector.shape_cast %swap3A_188 : vector<1x16xf32> to vector<16xf32>
        %swap3A_190 = vector.shape_cast %exp3A_185 : vector<16xf32> to vector<1x16xf32>
        tpu.vector_store %arg16[%swap3A_186, %swap3A_187], %swap3A_190 {strides = array<i32>} : memref<40x72xf32, #tpu.memory_space<vmem>>, vector<1x16xf32>,
        %add3A_191 = arith.constant 0 : i32
        %add3A_192 = vector.broadcast %add3A_191 : i32 to vector<16xi32>
        %add3A_193 = arith.addi %shift_right_arithmetic3A_6, %add3A_192 : vector<16xi32>
        %broadcast_in_dim3A_194 = vector.shape_cast %add3A_193 : vector<16xi32> to vector<16x1xi32>
        %gather3A_195 = vector.shape_cast %broadcast_in_dim3A_194 : vector<16x1xi32> to vector<16xi32>
        %gather3A_196 = tpu.dynamic_gather %exp3A_185[%gather3A_195] in [0] : vector<16xf32>, vector<16xi32> -> vector<16xf32>
        %get3A_197 = arith.index_cast %add3A_168 : i32 to index
        %get3A_198 = arith.constant 0 : index
        %get3A_199 = tpu.vector_load %arg14[%get3A_197, %get3A_198] {strides = array<i32>} : memref<40x128xf32, #tpu.memory_space<vmem>>, vector<1x16xf32>,
        %get3A_200 = vector.shape_cast %get3A_199 : vector<1x16xf32> to vector<16xf32>
        %mul3A_201 = arith.mulf %get3A_200, %gather3A_196 : vector<16xf32>
        %swap3A_202 = arith.index_cast %add3A_168 : i32 to index
        %swap3A_203 = arith.constant 8 : index
        %swap3A_204 = tpu.vector_load %arg16[%swap3A_202, %swap3A_203] {strides = array<i32>} : memref<40x72xf32, #tpu.memory_space<vmem>>, vector<1x16xf32>,
        %swap3A_205 = vector.shape_cast %swap3A_204 : vector<1x16xf32> to vector<16xf32>
        %swap3A_206 = vector.shape_cast %mul3A_201 : vector<16xf32> to vector<1x16xf32>
        tpu.vector_store %arg16[%swap3A_202, %swap3A_203], %swap3A_206 {strides = array<i32>} : memref<40x72xf32, #tpu.memory_space<vmem>>, vector<1x16xf32>,
        %add3A_207 = arith.constant 2 : i32
        %add3A_208 = vector.broadcast %add3A_207 : i32 to vector<16xi32>
        %add3A_209 = arith.addi %shift_right_arithmetic3A_6, %add3A_208 : vector<16xi32>
        %broadcast_in_dim3A_210 = vector.shape_cast %add3A_209 : vector<16xi32> to vector<16x1xi32>
        %gather3A_211 = vector.shape_cast %broadcast_in_dim3A_210 : vector<16x1xi32> to vector<16xi32>
        %gather3A_212 = tpu.dynamic_gather %exp3A_185[%gather3A_211] in [0] : vector<16xf32>, vector<16xi32> -> vector<16xf32>
        %get3A_213 = arith.index_cast %add3A_168 : i32 to index
        %get3A_214 = arith.constant 16 : index
        %get3A_215 = tpu.vector_load %arg14[%get3A_213, %get3A_214] {strides = array<i32>} : memref<40x128xf32, #tpu.memory_space<vmem>>, vector<1x16xf32>,
        %get3A_216 = vector.shape_cast %get3A_215 : vector<1x16xf32> to vector<16xf32>
        %mul3A_217 = arith.mulf %get3A_216, %gather3A_212 : vector<16xf32>
        %swap3A_218 = arith.index_cast %add3A_168 : i32 to index
        %swap3A_219 = arith.constant 24 : index
        %swap3A_220 = tpu.vector_load %arg16[%swap3A_218, %swap3A_219] {strides = array<i32>} : memref<40x72xf32, #tpu.memory_space<vmem>>, vector<1x16xf32>,
        %swap3A_221 = vector.shape_cast %swap3A_220 : vector<1x16xf32> to vector<16xf32>
        %swap3A_222 = vector.shape_cast %mul3A_217 : vector<16xf32> to vector<1x16xf32>
        tpu.vector_store %arg16[%swap3A_218, %swap3A_219], %swap3A_222 {strides = array<i32>} : memref<40x72xf32, #tpu.memory_space<vmem>>, vector<1x16xf32>,
        %add3A_223 = arith.constant 4 : i32
        %add3A_224 = vector.broadcast %add3A_223 : i32 to vector<16xi32>
        %add3A_225 = arith.addi %shift_right_arithmetic3A_6, %add3A_224 : vector<16xi32>
        %broadcast_in_dim3A_226 = vector.shape_cast %add3A_225 : vector<16xi32> to vector<16x1xi32>
        %gather3A_227 = vector.shape_cast %broadcast_in_dim3A_226 : vector<16x1xi32> to vector<16xi32>
        %gather3A_228 = tpu.dynamic_gather %exp3A_185[%gather3A_227] in [0] : vector<16xf32>, vector<16xi32> -> vector<16xf32>
        %get3A_229 = arith.index_cast %add3A_168 : i32 to index
        %get3A_230 = arith.constant 32 : index
        %get3A_231 = tpu.vector_load %arg14[%get3A_229, %get3A_230] {strides = array<i32>} : memref<40x128xf32, #tpu.memory_space<vmem>>, vector<1x16xf32>,
        %get3A_232 = vector.shape_cast %get3A_231 : vector<1x16xf32> to vector<16xf32>
        %mul3A_233 = arith.mulf %get3A_232, %gather3A_228 : vector<16xf32>
        %swap3A_234 = arith.index_cast %add3A_168 : i32 to index
        %swap3A_235 = arith.constant 40 : index
        %swap3A_236 = tpu.vector_load %arg16[%swap3A_234, %swap3A_235] {strides = array<i32>} : memref<40x72xf32, #tpu.memory_space<vmem>>, vector<1x16xf32>,
        %swap3A_237 = vector.shape_cast %swap3A_236 : vector<1x16xf32> to vector<16xf32>
        %swap3A_238 = vector.shape_cast %mul3A_233 : vector<16xf32> to vector<1x16xf32>
        tpu.vector_store %arg16[%swap3A_234, %swap3A_235], %swap3A_238 {strides = array<i32>} : memref<40x72xf32, #tpu.memory_space<vmem>>, vector<1x16xf32>,
        %add3A_239 = arith.constant 6 : i32
        %add3A_240 = vector.broadcast %add3A_239 : i32 to vector<16xi32>
        %add3A_241 = arith.addi %shift_right_arithmetic3A_6, %add3A_240 : vector<16xi32>
        %broadcast_in_dim3A_242 = vector.shape_cast %add3A_241 : vector<16xi32> to vector<16x1xi32>
        %gather3A_243 = vector.shape_cast %broadcast_in_dim3A_242 : vector<16x1xi32> to vector<16xi32>
        %gather3A_244 = tpu.dynamic_gather %exp3A_185[%gather3A_243] in [0] : vector<16xf32>, vector<16xi32> -> vector<16xf32>
        %get3A_245 = arith.index_cast %add3A_168 : i32 to index
        %get3A_246 = arith.constant 48 : index
        %get3A_247 = tpu.vector_load %arg14[%get3A_245, %get3A_246] {strides = array<i32>} : memref<40x128xf32, #tpu.memory_space<vmem>>, vector<1x16xf32>,
        %get3A_248 = vector.shape_cast %get3A_247 : vector<1x16xf32> to vector<16xf32>
        %mul3A_249 = arith.mulf %get3A_248, %gather3A_244 : vector<16xf32>
        %swap3A_250 = arith.index_cast %add3A_168 : i32 to index
        %swap3A_251 = arith.constant 56 : index
        %swap3A_252 = tpu.vector_load %arg16[%swap3A_250, %swap3A_251] {strides = array<i32>} : memref<40x72xf32, #tpu.memory_space<vmem>>, vector<1x16xf32>,
        %swap3A_253 = vector.shape_cast %swap3A_252 : vector<1x16xf32> to vector<16xf32>
        %swap3A_254 = vector.shape_cast %mul3A_249 : vector<16xf32> to vector<1x16xf32>
        tpu.vector_store %arg16[%swap3A_250, %swap3A_251], %swap3A_254 {strides = array<i32>} : memref<40x72xf32, #tpu.memory_space<vmem>>, vector<1x16xf32>,
        %mul3A_255 = arith.constant 4 : i32
        %mul3A_256 = arith.muli %scan3A_80, %mul3A_255 : i32
        %add3A_257 = arith.constant 2 : i32
        %add3A_258 = arith.addi %mul3A_256, %add3A_257 : i32
        %get3A_259 = arith.index_cast %add3A_258 : i32 to index
        %get3A_260 = arith.constant 72 : index
        %get3A_261 = tpu.vector_load %arg15[%get3A_259, %get3A_260] {strides = array<i32>} : memref<40x128xf32, #tpu.memory_space<vmem>>, vector<1x16xf32>,
        %get3A_262 = vector.shape_cast %get3A_261 : vector<1x16xf32> to vector<16xf32>
        %get3A_263 = arith.index_cast %add3A_258 : i32 to index
        %get3A_264 = arith.constant 64 : index
        %get3A_265 = tpu.vector_load %arg14[%get3A_263, %get3A_264] {strides = array<i32>} : memref<40x128xf32, #tpu.memory_space<vmem>>, vector<1x16xf32>,
        %get3A_266 = vector.shape_cast %get3A_265 : vector<1x16xf32> to vector<16xf32>
        %add3A_267 = arith.addf %get3A_266, %get3A_262 : vector<16xf32>
        %ge3A_268 = arith.constant 0.000000e+00 : f32
        %ge3A_269 = vector.broadcast %ge3A_268 : f32 to vector<16xf32>
        %ge3A_270 = arith.cmpf oge, %add3A_267, %ge3A_269 : vector<16xf32>
        %mul3A_271 = arith.constant 2.000000e-01 : f32
        %mul3A_272 = vector.broadcast %mul3A_271 : f32 to vector<16xf32>
        %mul3A_273 = arith.mulf %add3A_267, %mul3A_272 : vector<16xf32>
        %select_n3A_274 = arith.select %ge3A_270, %add3A_267, %mul3A_273 : vector<16xi1>, vector<16xf32>
        %exp3A_275 = math.exp %select_n3A_274 : vector<16xf32>
        %swap3A_276 = arith.index_cast %add3A_258 : i32 to index
        %swap3A_277 = arith.constant 0 : index
        %swap3A_278 = tpu.vector_load %arg16[%swap3A_276, %swap3A_277] {strides = array<i32>} : memref<40x72xf32, #tpu.memory_space<vmem>>, vector<1x16xf32>,
        %swap3A_279 = vector.shape_cast %swap3A_278 : vector<1x16xf32> to vector<16xf32>
        %swap3A_280 = vector.shape_cast %exp3A_275 : vector<16xf32> to vector<1x16xf32>
        tpu.vector_store %arg16[%swap3A_276, %swap3A_277], %swap3A_280 {strides = array<i32>} : memref<40x72xf32, #tpu.memory_space<vmem>>, vector<1x16xf32>,
        %add3A_281 = arith.constant 0 : i32
        %add3A_282 = vector.broadcast %add3A_281 : i32 to vector<16xi32>
        %add3A_283 = arith.addi %shift_right_arithmetic3A_6, %add3A_282 : vector<16xi32>
        %broadcast_in_dim3A_284 = vector.shape_cast %add3A_283 : vector<16xi32> to vector<16x1xi32>
        %gather3A_285 = vector.shape_cast %broadcast_in_dim3A_284 : vector<16x1xi32> to vector<16xi32>
        %gather3A_286 = tpu.dynamic_gather %exp3A_275[%gather3A_285] in [0] : vector<16xf32>, vector<16xi32> -> vector<16xf32>
        %get3A_287 = arith.index_cast %add3A_258 : i32 to index
        %get3A_288 = arith.constant 0 : index
        %get3A_289 = tpu.vector_load %arg14[%get3A_287, %get3A_288] {strides = array<i32>} : memref<40x128xf32, #tpu.memory_space<vmem>>, vector<1x16xf32>,
        %get3A_290 = vector.shape_cast %get3A_289 : vector<1x16xf32> to vector<16xf32>
        %mul3A_291 = arith.mulf %get3A_290, %gather3A_286 : vector<16xf32>
        %swap3A_292 = arith.index_cast %add3A_258 : i32 to index
        %swap3A_293 = arith.constant 8 : index
        %swap3A_294 = tpu.vector_load %arg16[%swap3A_292, %swap3A_293] {strides = array<i32>} : memref<40x72xf32, #tpu.memory_space<vmem>>, vector<1x16xf32>,
        %swap3A_295 = vector.shape_cast %swap3A_294 : vector<1x16xf32> to vector<16xf32>
        %swap3A_296 = vector.shape_cast %mul3A_291 : vector<16xf32> to vector<1x16xf32>
        tpu.vector_store %arg16[%swap3A_292, %swap3A_293], %swap3A_296 {strides = array<i32>} : memref<40x72xf32, #tpu.memory_space<vmem>>, vector<1x16xf32>,
        %add3A_297 = arith.constant 2 : i32
        %add3A_298 = vector.broadcast %add3A_297 : i32 to vector<16xi32>
        %add3A_299 = arith.addi %shift_right_arithmetic3A_6, %add3A_298 : vector<16xi32>
        %broadcast_in_dim3A_300 = vector.shape_cast %add3A_299 : vector<16xi32> to vector<16x1xi32>
        %gather3A_301 = vector.shape_cast %broadcast_in_dim3A_300 : vector<16x1xi32> to vector<16xi32>
        %gather3A_302 = tpu.dynamic_gather %exp3A_275[%gather3A_301] in [0] : vector<16xf32>, vector<16xi32> -> vector<16xf32>
        %get3A_303 = arith.index_cast %add3A_258 : i32 to index
        %get3A_304 = arith.constant 16 : index
        %get3A_305 = tpu.vector_load %arg14[%get3A_303, %get3A_304] {strides = array<i32>} : memref<40x128xf32, #tpu.memory_space<vmem>>, vector<1x16xf32>,
        %get3A_306 = vector.shape_cast %get3A_305 : vector<1x16xf32> to vector<16xf32>
        %mul3A_307 = arith.mulf %get3A_306, %gather3A_302 : vector<16xf32>
        %swap3A_308 = arith.index_cast %add3A_258 : i32 to index
        %swap3A_309 = arith.constant 24 : index
        %swap3A_310 = tpu.vector_load %arg16[%swap3A_308, %swap3A_309] {strides = array<i32>} : memref<40x72xf32, #tpu.memory_space<vmem>>, vector<1x16xf32>,
        %swap3A_311 = vector.shape_cast %swap3A_310 : vector<1x16xf32> to vector<16xf32>
        %swap3A_312 = vector.shape_cast %mul3A_307 : vector<16xf32> to vector<1x16xf32>
        tpu.vector_store %arg16[%swap3A_308, %swap3A_309], %swap3A_312 {strides = array<i32>} : memref<40x72xf32, #tpu.memory_space<vmem>>, vector<1x16xf32>,
        %add3A_313 = arith.constant 4 : i32
        %add3A_314 = vector.broadcast %add3A_313 : i32 to vector<16xi32>
        %add3A_315 = arith.addi %shift_right_arithmetic3A_6, %add3A_314 : vector<16xi32>
        %broadcast_in_dim3A_316 = vector.shape_cast %add3A_315 : vector<16xi32> to vector<16x1xi32>
        %gather3A_317 = vector.shape_cast %broadcast_in_dim3A_316 : vector<16x1xi32> to vector<16xi32>
        %gather3A_318 = tpu.dynamic_gather %exp3A_275[%gather3A_317] in [0] : vector<16xf32>, vector<16xi32> -> vector<16xf32>
        %get3A_319 = arith.index_cast %add3A_258 : i32 to index
        %get3A_320 = arith.constant 32 : index
        %get3A_321 = tpu.vector_load %arg14[%get3A_319, %get3A_320] {strides = array<i32>} : memref<40x128xf32, #tpu.memory_space<vmem>>, vector<1x16xf32>,
        %get3A_322 = vector.shape_cast %get3A_321 : vector<1x16xf32> to vector<16xf32>
        %mul3A_323 = arith.mulf %get3A_322, %gather3A_318 : vector<16xf32>
        %swap3A_324 = arith.index_cast %add3A_258 : i32 to index
        %swap3A_325 = arith.constant 40 : index
        %swap3A_326 = tpu.vector_load %arg16[%swap3A_324, %swap3A_325] {strides = array<i32>} : memref<40x72xf32, #tpu.memory_space<vmem>>, vector<1x16xf32>,
        %swap3A_327 = vector.shape_cast %swap3A_326 : vector<1x16xf32> to vector<16xf32>
        %swap3A_328 = vector.shape_cast %mul3A_323 : vector<16xf32> to vector<1x16xf32>
        tpu.vector_store %arg16[%swap3A_324, %swap3A_325], %swap3A_328 {strides = array<i32>} : memref<40x72xf32, #tpu.memory_space<vmem>>, vector<1x16xf32>,
        %add3A_329 = arith.constant 6 : i32
        %add3A_330 = vector.broadcast %add3A_329 : i32 to vector<16xi32>
        %add3A_331 = arith.addi %shift_right_arithmetic3A_6, %add3A_330 : vector<16xi32>
        %broadcast_in_dim3A_332 = vector.shape_cast %add3A_331 : vector<16xi32> to vector<16x1xi32>
        %gather3A_333 = vector.shape_cast %broadcast_in_dim3A_332 : vector<16x1xi32> to vector<16xi32>
        %gather3A_334 = tpu.dynamic_gather %exp3A_275[%gather3A_333] in [0] : vector<16xf32>, vector<16xi32> -> vector<16xf32>
        %get3A_335 = arith.index_cast %add3A_258 : i32 to index
        %get3A_336 = arith.constant 48 : index
        %get3A_337 = tpu.vector_load %arg14[%get3A_335, %get3A_336] {strides = array<i32>} : memref<40x128xf32, #tpu.memory_space<vmem>>, vector<1x16xf32>,
        %get3A_338 = vector.shape_cast %get3A_337 : vector<1x16xf32> to vector<16xf32>
        %mul3A_339 = arith.mulf %get3A_338, %gather3A_334 : vector<16xf32>
        %swap3A_340 = arith.index_cast %add3A_258 : i32 to index
        %swap3A_341 = arith.constant 56 : index
        %swap3A_342 = tpu.vector_load %arg16[%swap3A_340, %swap3A_341] {strides = array<i32>} : memref<40x72xf32, #tpu.memory_space<vmem>>, vector<1x16xf32>,
        %swap3A_343 = vector.shape_cast %swap3A_342 : vector<1x16xf32> to vector<16xf32>
        %swap3A_344 = vector.shape_cast %mul3A_339 : vector<16xf32> to vector<1x16xf32>
        tpu.vector_store %arg16[%swap3A_340, %swap3A_341], %swap3A_344 {strides = array<i32>} : memref<40x72xf32, #tpu.memory_space<vmem>>, vector<1x16xf32>,
        %mul3A_345 = arith.constant 4 : i32
        %mul3A_346 = arith.muli %scan3A_80, %mul3A_345 : i32
        %add3A_347 = arith.constant 3 : i32
        %add3A_348 = arith.addi %mul3A_346, %add3A_347 : i32
        %get3A_349 = arith.index_cast %add3A_348 : i32 to index
        %get3A_350 = arith.constant 72 : index
        %get3A_351 = tpu.vector_load %arg15[%get3A_349, %get3A_350] {strides = array<i32>} : memref<40x128xf32, #tpu.memory_space<vmem>>, vector<1x16xf32>,
        %get3A_352 = vector.shape_cast %get3A_351 : vector<1x16xf32> to vector<16xf32>
        %get3A_353 = arith.index_cast %add3A_348 : i32 to index
        %get3A_354 = arith.constant 64 : index
        %get3A_355 = tpu.vector_load %arg14[%get3A_353, %get3A_354] {strides = array<i32>} : memref<40x128xf32, #tpu.memory_space<vmem>>, vector<1x16xf32>,
        %get3A_356 = vector.shape_cast %get3A_355 : vector<1x16xf32> to vector<16xf32>
        %add3A_357 = arith.addf %get3A_356, %get3A_352 : vector<16xf32>
        %ge3A_358 = arith.constant 0.000000e+00 : f32
        %ge3A_359 = vector.broadcast %ge3A_358 : f32 to vector<16xf32>
        %ge3A_360 = arith.cmpf oge, %add3A_357, %ge3A_359 : vector<16xf32>
        %mul3A_361 = arith.constant 2.000000e-01 : f32
        %mul3A_362 = vector.broadcast %mul3A_361 : f32 to vector<16xf32>
        %mul3A_363 = arith.mulf %add3A_357, %mul3A_362 : vector<16xf32>
        %select_n3A_364 = arith.select %ge3A_360, %add3A_357, %mul3A_363 : vector<16xi1>, vector<16xf32>
        %exp3A_365 = math.exp %select_n3A_364 : vector<16xf32>
        %swap3A_366 = arith.index_cast %add3A_348 : i32 to index
        %swap3A_367 = arith.constant 0 : index
        %swap3A_368 = tpu.vector_load %arg16[%swap3A_366, %swap3A_367] {strides = array<i32>} : memref<40x72xf32, #tpu.memory_space<vmem>>, vector<1x16xf32>,
        %swap3A_369 = vector.shape_cast %swap3A_368 : vector<1x16xf32> to vector<16xf32>
        %swap3A_370 = vector.shape_cast %exp3A_365 : vector<16xf32> to vector<1x16xf32>
        tpu.vector_store %arg16[%swap3A_366, %swap3A_367], %swap3A_370 {strides = array<i32>} : memref<40x72xf32, #tpu.memory_space<vmem>>, vector<1x16xf32>,
        %add3A_371 = arith.constant 0 : i32
        %add3A_372 = vector.broadcast %add3A_371 : i32 to vector<16xi32>
        %add3A_373 = arith.addi %shift_right_arithmetic3A_6, %add3A_372 : vector<16xi32>
        %broadcast_in_dim3A_374 = vector.shape_cast %add3A_373 : vector<16xi32> to vector<16x1xi32>
        %gather3A_375 = vector.shape_cast %broadcast_in_dim3A_374 : vector<16x1xi32> to vector<16xi32>
        %gather3A_376 = tpu.dynamic_gather %exp3A_365[%gather3A_375] in [0] : vector<16xf32>, vector<16xi32> -> vector<16xf32>
        %get3A_377 = arith.index_cast %add3A_348 : i32 to index
        %get3A_378 = arith.constant 0 : index
        %get3A_379 = tpu.vector_load %arg14[%get3A_377, %get3A_378] {strides = array<i32>} : memref<40x128xf32, #tpu.memory_space<vmem>>, vector<1x16xf32>,
        %get3A_380 = vector.shape_cast %get3A_379 : vector<1x16xf32> to vector<16xf32>
        %mul3A_381 = arith.mulf %get3A_380, %gather3A_376 : vector<16xf32>
        %swap3A_382 = arith.index_cast %add3A_348 : i32 to index
        %swap3A_383 = arith.constant 8 : index
        %swap3A_384 = tpu.vector_load %arg16[%swap3A_382, %swap3A_383] {strides = array<i32>} : memref<40x72xf32, #tpu.memory_space<vmem>>, vector<1x16xf32>,
        %swap3A_385 = vector.shape_cast %swap3A_384 : vector<1x16xf32> to vector<16xf32>
        %swap3A_386 = vector.shape_cast %mul3A_381 : vector<16xf32> to vector<1x16xf32>
        tpu.vector_store %arg16[%swap3A_382, %swap3A_383], %swap3A_386 {strides = array<i32>} : memref<40x72xf32, #tpu.memory_space<vmem>>, vector<1x16xf32>,
        %add3A_387 = arith.constant 2 : i32
        %add3A_388 = vector.broadcast %add3A_387 : i32 to vector<16xi32>
        %add3A_389 = arith.addi %shift_right_arithmetic3A_6, %add3A_388 : vector<16xi32>
        %broadcast_in_dim3A_390 = vector.shape_cast %add3A_389 : vector<16xi32> to vector<16x1xi32>
        %gather3A_391 = vector.shape_cast %broadcast_in_dim3A_390 : vector<16x1xi32> to vector<16xi32>
        %gather3A_392 = tpu.dynamic_gather %exp3A_365[%gather3A_391] in [0] : vector<16xf32>, vector<16xi32> -> vector<16xf32>
        %get3A_393 = arith.index_cast %add3A_348 : i32 to index
        %get3A_394 = arith.constant 16 : index
        %get3A_395 = tpu.vector_load %arg14[%get3A_393, %get3A_394] {strides = array<i32>} : memref<40x128xf32, #tpu.memory_space<vmem>>, vector<1x16xf32>,
        %get3A_396 = vector.shape_cast %get3A_395 : vector<1x16xf32> to vector<16xf32>
        %mul3A_397 = arith.mulf %get3A_396, %gather3A_392 : vector<16xf32>
        %swap3A_398 = arith.index_cast %add3A_348 : i32 to index
        %swap3A_399 = arith.constant 24 : index
        %swap3A_400 = tpu.vector_load %arg16[%swap3A_398, %swap3A_399] {strides = array<i32>} : memref<40x72xf32, #tpu.memory_space<vmem>>, vector<1x16xf32>,
        %swap3A_401 = vector.shape_cast %swap3A_400 : vector<1x16xf32> to vector<16xf32>
        %swap3A_402 = vector.shape_cast %mul3A_397 : vector<16xf32> to vector<1x16xf32>
        tpu.vector_store %arg16[%swap3A_398, %swap3A_399], %swap3A_402 {strides = array<i32>} : memref<40x72xf32, #tpu.memory_space<vmem>>, vector<1x16xf32>,
        %add3A_403 = arith.constant 4 : i32
        %add3A_404 = vector.broadcast %add3A_403 : i32 to vector<16xi32>
        %add3A_405 = arith.addi %shift_right_arithmetic3A_6, %add3A_404 : vector<16xi32>
        %broadcast_in_dim3A_406 = vector.shape_cast %add3A_405 : vector<16xi32> to vector<16x1xi32>
        %gather3A_407 = vector.shape_cast %broadcast_in_dim3A_406 : vector<16x1xi32> to vector<16xi32>
        %gather3A_408 = tpu.dynamic_gather %exp3A_365[%gather3A_407] in [0] : vector<16xf32>, vector<16xi32> -> vector<16xf32>
        %get3A_409 = arith.index_cast %add3A_348 : i32 to index
        %get3A_410 = arith.constant 32 : index
        %get3A_411 = tpu.vector_load %arg14[%get3A_409, %get3A_410] {strides = array<i32>} : memref<40x128xf32, #tpu.memory_space<vmem>>, vector<1x16xf32>,
        %get3A_412 = vector.shape_cast %get3A_411 : vector<1x16xf32> to vector<16xf32>
        %mul3A_413 = arith.mulf %get3A_412, %gather3A_408 : vector<16xf32>
        %swap3A_414 = arith.index_cast %add3A_348 : i32 to index
        %swap3A_415 = arith.constant 40 : index
        %swap3A_416 = tpu.vector_load %arg16[%swap3A_414, %swap3A_415] {strides = array<i32>} : memref<40x72xf32, #tpu.memory_space<vmem>>, vector<1x16xf32>,
        %swap3A_417 = vector.shape_cast %swap3A_416 : vector<1x16xf32> to vector<16xf32>
        %swap3A_418 = vector.shape_cast %mul3A_413 : vector<16xf32> to vector<1x16xf32>
        tpu.vector_store %arg16[%swap3A_414, %swap3A_415], %swap3A_418 {strides = array<i32>} : memref<40x72xf32, #tpu.memory_space<vmem>>, vector<1x16xf32>,
        %add3A_419 = arith.constant 6 : i32
        %add3A_420 = vector.broadcast %add3A_419 : i32 to vector<16xi32>
        %add3A_421 = arith.addi %shift_right_arithmetic3A_6, %add3A_420 : vector<16xi32>
        %broadcast_in_dim3A_422 = vector.shape_cast %add3A_421 : vector<16xi32> to vector<16x1xi32>
        %gather3A_423 = vector.shape_cast %broadcast_in_dim3A_422 : vector<16x1xi32> to vector<16xi32>
        %gather3A_424 = tpu.dynamic_gather %exp3A_365[%gather3A_423] in [0] : vector<16xf32>, vector<16xi32> -> vector<16xf32>
        %get3A_425 = arith.index_cast %add3A_348 : i32 to index
        %get3A_426 = arith.constant 48 : index
        %get3A_427 = tpu.vector_load %arg14[%get3A_425, %get3A_426] {strides = array<i32>} : memref<40x128xf32, #tpu.memory_space<vmem>>, vector<1x16xf32>,
        %get3A_428 = vector.shape_cast %get3A_427 : vector<1x16xf32> to vector<16xf32>
        %mul3A_429 = arith.mulf %get3A_428, %gather3A_424 : vector<16xf32>
        %swap3A_430 = arith.index_cast %add3A_348 : i32 to index
        %swap3A_431 = arith.constant 56 : index
        %swap3A_432 = tpu.vector_load %arg16[%swap3A_430, %swap3A_431] {strides = array<i32>} : memref<40x72xf32, #tpu.memory_space<vmem>>, vector<1x16xf32>,
        %swap3A_433 = vector.shape_cast %swap3A_432 : vector<1x16xf32> to vector<16xf32>
        %swap3A_434 = vector.shape_cast %mul3A_429 : vector<16xf32> to vector<1x16xf32>
        tpu.vector_store %arg16[%swap3A_430, %swap3A_431], %swap3A_434 {strides = array<i32>} : memref<40x72xf32, #tpu.memory_space<vmem>>, vector<1x16xf32>,
        %scan3A_435 = arith.constant 0 : i32
        scf.yield %scan3A_435 : i32
      }
      %scan3A_78 = arith.constant 10 : i32
      "tpu.region"() ({
        %run_scoped3A = tpu.sem_alloc : memref<!tpu.dma_semaphore, #tpu.memory_space<semaphore_mem>>
        %dma_start3A_80 = arith.constant 0 : i32
        %dma_start3A_81 = arith.constant 0 : i32
        %dma_start3A_82 = tpu.memref_slice %arg7[%dma_start3A_80, %dma_start3A_81] : memref<10240x72xf32, #tpu.memory_space<vmem_shared>> -> memref<10240x72xf32, #tpu.memory_space<vmem_shared>>
        tpu.enqueue_indirect_dma source(%arg16 : memref<40x72xf32, #tpu.memory_space<vmem>>) target(%dma_start3A_82 : memref<10240x72xf32, #tpu.memory_space<vmem_shared>>) offsets(%arg11 : memref<40xi32, #tpu.memory_space<vmem>>) semaphore(%run_scoped3A : memref<!tpu.dma_semaphore, #tpu.memory_space<semaphore_mem>>) {add = true}
        %dma_wait3A_83 = arith.constant 0 : i32
        %dma_wait3A_84 = arith.constant 0 : i32
        %dma_wait3A_85 = tpu.memref_slice %arg7[%dma_wait3A_83, %dma_wait3A_84] : memref<10240x72xf32, #tpu.memory_space<vmem_shared>> -> memref<10240x72xf32, #tpu.memory_space<vmem_shared>>
        tpu.wait_indirect_dma semaphore(%run_scoped3A : memref<!tpu.dma_semaphore, #tpu.memory_space<semaphore_mem>>) src(%arg16 : memref<40x72xf32, #tpu.memory_space<vmem>>) dst(%dma_wait3A_85 : memref<10240x72xf32, #tpu.memory_space<vmem_shared>>)
        tpu.yield
      }) : () -> ()
      %scan3A_79 = arith.constant 0 : i32
      scf.yield %scan3A_79 : i32
    }
    %scan3A_19 = arith.constant 125 : i32
    %dma_wait3A = arith.constant 0 : i32
    %dma_wait3A_20 = arith.constant 0 : i32
    %dma_wait3A_21 = tpu.memref_slice %arg4[%dma_wait3A, %dma_wait3A_20] : memref<10000x128xf32, #tpu.memory_space<hbm>> -> memref<10000x128xf32, #tpu.memory_space<hbm>>
    tpu.wait_indirect_dma semaphore(%arg17 : memref<!tpu.dma_semaphore, #tpu.memory_space<semaphore_mem>>) src(%dma_wait3A_21 : memref<10000x128xf32, #tpu.memory_space<hbm>>) dst(%arg12 : memref<40x128xf32, #tpu.memory_space<vmem>>)
    %dma_wait3A_22 = arith.constant 0 : i32
    %dma_wait3A_23 = arith.constant 0 : i32
    %dma_wait3A_24 = tpu.memref_slice %arg4[%dma_wait3A_22, %dma_wait3A_23] : memref<10000x128xf32, #tpu.memory_space<hbm>> -> memref<10000x128xf32, #tpu.memory_space<hbm>>
    tpu.wait_indirect_dma semaphore(%arg17 : memref<!tpu.dma_semaphore, #tpu.memory_space<semaphore_mem>>) src(%dma_wait3A_24 : memref<10000x128xf32, #tpu.memory_space<hbm>>) dst(%arg13 : memref<40x128xf32, #tpu.memory_space<vmem>>)
    %barrier3A_25 = arith.constant 0 : index
    tpu.barrier barrier_id(%barrier3A_25)
    "tpu.region"() ({
      %run_scoped3A = tpu.sem_alloc : memref<!tpu.dma_semaphore, #tpu.memory_space<semaphore_mem>>
      %dma_start3A_26 = arith.constant 0 : i32
      %dma_start3A_27 = tpu.memref_slice %arg6[%arg0, %mul3A_2, %dma_start3A_26] : memref<2x10240x72xf32, #tpu.memory_space<hbm>> -> memref<1x640x72xf32, #tpu.memory_space<hbm>>
      %dma_start3A_28 = tpu.memref_squeeze %dma_start3A_27 : memref<1x640x72xf32, #tpu.memory_space<hbm>> -> memref<640x72xf32, #tpu.memory_space<hbm>>
      %dma_start3A_29 = arith.constant 0 : i32
      %dma_start3A_30 = tpu.memref_slice %arg7[%mul3A_2, %dma_start3A_29] : memref<10240x72xf32, #tpu.memory_space<vmem_shared>> -> memref<640x72xf32, #tpu.memory_space<vmem_shared>>
      tpu.enqueue_dma source(%dma_start3A_30 : memref<640x72xf32, #tpu.memory_space<vmem_shared>>) target(%dma_start3A_28 : memref<640x72xf32, #tpu.memory_space<hbm>>) target_semaphore(%run_scoped3A : memref<!tpu.dma_semaphore, #tpu.memory_space<semaphore_mem>>)
      %dma_wait3A_31 = arith.constant 0 : i32
      %dma_wait3A_32 = tpu.memref_slice %arg6[%arg0, %mul3A_2, %dma_wait3A_31] : memref<2x10240x72xf32, #tpu.memory_space<hbm>> -> memref<1x640x72xf32, #tpu.memory_space<hbm>>
      %dma_wait3A_33 = tpu.memref_squeeze %dma_wait3A_32 : memref<1x640x72xf32, #tpu.memory_space<hbm>> -> memref<640x72xf32, #tpu.memory_space<hbm>>
      %dma_wait3A_34 = arith.constant 0 : i32
      %dma_wait3A_35 = tpu.memref_slice %arg7[%mul3A_2, %dma_wait3A_34] : memref<10240x72xf32, #tpu.memory_space<vmem_shared>> -> memref<640x72xf32, #tpu.memory_space<vmem_shared>>
      tpu.wait_dma2 semaphore(%run_scoped3A : memref<!tpu.dma_semaphore, #tpu.memory_space<semaphore_mem>>) src(%dma_wait3A_35 : memref<640x72xf32, #tpu.memory_space<vmem_shared>>) dst(%dma_wait3A_33 : memref<640x72xf32, #tpu.memory_space<hbm>>)
      tpu.yield
    }) : () -> ()
    return
  }
}

#map = affine_map<(d0, d1) -> (0)>
#map1 = affine_map<(d0, d1) -> (0, 0)>
#map2 = affine_map<(d0, d1) -> (0, 0, 0)>
module attributes {stable_mosaic.version = 14 : i64} {
  func.func @_sc2_body(%arg0: i32, %arg1: i32, %arg2: memref<320000xi32, #tpu.memory_space<hbm>>, %arg3: memref<320000xi32, #tpu.memory_space<hbm>>, %arg4: memref<10000x128xf32, #tpu.memory_space<hbm>>, %arg5: memref<10240x32xf32, #tpu.memory_space<hbm>>, %arg6: memref<2x10240x32xf32, #tpu.memory_space<hbm>>, %arg7: memref<10240x32xf32, #tpu.memory_space<vmem_shared>>, %arg8: memref<40xi32, #tpu.memory_space<vmem>>, %arg9: memref<40xi32, #tpu.memory_space<vmem>>, %arg10: memref<40xi32, #tpu.memory_space<vmem>>, %arg11: memref<40xi32, #tpu.memory_space<vmem>>, %arg12: memref<40x128xf32, #tpu.memory_space<vmem>>, %arg13: memref<40x128xf32, #tpu.memory_space<vmem>>, %arg14: memref<40x128xf32, #tpu.memory_space<vmem>>, %arg15: memref<40x128xf32, #tpu.memory_space<vmem>>, %arg16: memref<40x32xf32, #tpu.memory_space<vmem>>, %arg17: memref<!tpu.dma_semaphore, #tpu.memory_space<semaphore_mem>>) attributes {dimension_semantics = [#tpu.dimension_semantics<core_parallel>, #tpu.dimension_semantics<subcore_parallel>], iteration_bounds = array<i64: 2, 16>, scalar_prefetch = 0 : i64, scratch_operands = 11 : i64, tpu.core_type = #tpu.core_type<sc_vector_subcore>, window_params = [{transform_indices = #map}, {transform_indices = #map}, {transform_indices = #map1}, {transform_indices = #map1}, {transform_indices = #map2}]} {
    %mul3A = arith.constant 2 : i32
    %mul3A_0 = arith.muli %arg1, %mul3A : i32
    %add3A = arith.addi %mul3A_0, %arg0 : i32
    %mul3A_1 = arith.constant 640 : i32
    %mul3A_2 = arith.muli %arg1, %mul3A_1 : i32
    %mul3A_3 = arith.constant 10000 : i32
    %mul3A_4 = arith.muli %add3A, %mul3A_3 : i32
    "tpu.region"() ({
      %run_scoped3A = tpu.sem_alloc : memref<!tpu.dma_semaphore, #tpu.memory_space<semaphore_mem>>
      %dma_start3A_30 = arith.constant 0 : i32
      %dma_start3A_31 = tpu.memref_slice %arg7[%mul3A_2, %dma_start3A_30] : memref<10240x32xf32, #tpu.memory_space<vmem_shared>> -> memref<640x32xf32, #tpu.memory_space<vmem_shared>>
      %dma_start3A_32 = arith.constant 0 : i32
      %dma_start3A_33 = tpu.memref_slice %arg5[%mul3A_2, %dma_start3A_32] : memref<10240x32xf32, #tpu.memory_space<hbm>> -> memref<640x32xf32, #tpu.memory_space<hbm>>
      tpu.enqueue_dma source(%dma_start3A_33 : memref<640x32xf32, #tpu.memory_space<hbm>>) target(%dma_start3A_31 : memref<640x32xf32, #tpu.memory_space<vmem_shared>>) target_semaphore(%run_scoped3A : memref<!tpu.dma_semaphore, #tpu.memory_space<semaphore_mem>>)
      %dma_wait3A_34 = arith.constant 0 : i32
      %dma_wait3A_35 = tpu.memref_slice %arg7[%mul3A_2, %dma_wait3A_34] : memref<10240x32xf32, #tpu.memory_space<vmem_shared>> -> memref<640x32xf32, #tpu.memory_space<vmem_shared>>
      %dma_wait3A_36 = arith.constant 0 : i32
      %dma_wait3A_37 = tpu.memref_slice %arg5[%mul3A_2, %dma_wait3A_36] : memref<10240x32xf32, #tpu.memory_space<hbm>> -> memref<640x32xf32, #tpu.memory_space<hbm>>
      tpu.wait_dma2 semaphore(%run_scoped3A : memref<!tpu.dma_semaphore, #tpu.memory_space<semaphore_mem>>) src(%dma_wait3A_37 : memref<640x32xf32, #tpu.memory_space<hbm>>) dst(%dma_wait3A_35 : memref<640x32xf32, #tpu.memory_space<vmem_shared>>)
      tpu.yield
    }) : () -> ()
    %barrier3A = arith.constant 0 : index
    tpu.barrier barrier_id(%barrier3A)
    %iota3A = tpu.iota {dimensions = array<i32: 0>} : vector<16xi32>
    %eq3A = arith.constant 0 : i32
    %eq3A_5 = vector.broadcast %eq3A : i32 to vector<16xi32>
    %eq3A_6 = arith.cmpi eq, %iota3A, %eq3A_5 : vector<16xi32>
    %broadcast_in_dim3A = arith.constant 0 : i32
    %broadcast_in_dim3A_7 = vector.broadcast %broadcast_in_dim3A : i32 to vector<16xi32>
    %add3A_8 = arith.constant 1 : i32
    %add3A_9 = vector.broadcast %add3A_8 : i32 to vector<16xi32>
    %add3A_10 = arith.addi %broadcast_in_dim3A_7, %add3A_9 : vector<16xi32>
    %add3A_11 = arith.constant 0 : i32
    %add3A_12 = arith.addi %mul3A_4, %add3A_11 : i32
    "tpu.region"() ({
      %run_scoped3A = tpu.sem_alloc : memref<!tpu.dma_semaphore, #tpu.memory_space<semaphore_mem>>
      %dma_start3A_30 = tpu.memref_slice %arg2[%add3A_12] : memref<320000xi32, #tpu.memory_space<hbm>> -> memref<40xi32, #tpu.memory_space<hbm>>
      %dma_start3A_31 = tpu.memref_slice %arg2[%add3A_12] : memref<320000xi32, #tpu.memory_space<hbm>> -> memref<40xi32, #tpu.memory_space<hbm>>
      tpu.enqueue_dma source(%dma_start3A_31 : memref<40xi32, #tpu.memory_space<hbm>>) target(%arg8 : memref<40xi32, #tpu.memory_space<vmem>>) target_semaphore(%run_scoped3A : memref<!tpu.dma_semaphore, #tpu.memory_space<semaphore_mem>>)
      %dma_wait3A_32 = tpu.memref_slice %arg2[%add3A_12] : memref<320000xi32, #tpu.memory_space<hbm>> -> memref<40xi32, #tpu.memory_space<hbm>>
      %dma_wait3A_33 = tpu.memref_slice %arg2[%add3A_12] : memref<320000xi32, #tpu.memory_space<hbm>> -> memref<40xi32, #tpu.memory_space<hbm>>
      tpu.wait_dma2 semaphore(%run_scoped3A : memref<!tpu.dma_semaphore, #tpu.memory_space<semaphore_mem>>) src(%dma_wait3A_33 : memref<40xi32, #tpu.memory_space<hbm>>) dst(%arg8 : memref<40xi32, #tpu.memory_space<vmem>>)
      tpu.yield
    }) : () -> ()
    "tpu.region"() ({
      %run_scoped3A = tpu.sem_alloc : memref<!tpu.dma_semaphore, #tpu.memory_space<semaphore_mem>>
      %dma_start3A_30 = tpu.memref_slice %arg3[%add3A_12] : memref<320000xi32, #tpu.memory_space<hbm>> -> memref<40xi32, #tpu.memory_space<hbm>>
      %dma_start3A_31 = tpu.memref_slice %arg3[%add3A_12] : memref<320000xi32, #tpu.memory_space<hbm>> -> memref<40xi32, #tpu.memory_space<hbm>>
      tpu.enqueue_dma source(%dma_start3A_31 : memref<40xi32, #tpu.memory_space<hbm>>) target(%arg9 : memref<40xi32, #tpu.memory_space<vmem>>) target_semaphore(%run_scoped3A : memref<!tpu.dma_semaphore, #tpu.memory_space<semaphore_mem>>)
      %dma_wait3A_32 = tpu.memref_slice %arg3[%add3A_12] : memref<320000xi32, #tpu.memory_space<hbm>> -> memref<40xi32, #tpu.memory_space<hbm>>
      %dma_wait3A_33 = tpu.memref_slice %arg3[%add3A_12] : memref<320000xi32, #tpu.memory_space<hbm>> -> memref<40xi32, #tpu.memory_space<hbm>>
      tpu.wait_dma2 semaphore(%run_scoped3A : memref<!tpu.dma_semaphore, #tpu.memory_space<semaphore_mem>>) src(%dma_wait3A_33 : memref<40xi32, #tpu.memory_space<hbm>>) dst(%arg9 : memref<40xi32, #tpu.memory_space<vmem>>)
      tpu.yield
    }) : () -> ()
    %dma_start3A = arith.constant 0 : i32
    %dma_start3A_13 = arith.constant 0 : i32
    %dma_start3A_14 = tpu.memref_slice %arg4[%dma_start3A, %dma_start3A_13] : memref<10000x128xf32, #tpu.memory_space<hbm>> -> memref<10000x128xf32, #tpu.memory_space<hbm>>
    tpu.enqueue_indirect_dma source(%dma_start3A_14 : memref<10000x128xf32, #tpu.memory_space<hbm>>) target(%arg12 : memref<40x128xf32, #tpu.memory_space<vmem>>) offsets(%arg8 : memref<40xi32, #tpu.memory_space<vmem>>) semaphore(%arg17 : memref<!tpu.dma_semaphore, #tpu.memory_space<semaphore_mem>>)
    %dma_start3A_15 = arith.constant 0 : i32
    %dma_start3A_16 = arith.constant 0 : i32
    %dma_start3A_17 = tpu.memref_slice %arg4[%dma_start3A_15, %dma_start3A_16] : memref<10000x128xf32, #tpu.memory_space<hbm>> -> memref<10000x128xf32, #tpu.memory_space<hbm>>
    tpu.enqueue_indirect_dma source(%dma_start3A_17 : memref<10000x128xf32, #tpu.memory_space<hbm>>) target(%arg13 : memref<40x128xf32, #tpu.memory_space<vmem>>) offsets(%arg9 : memref<40xi32, #tpu.memory_space<vmem>>) semaphore(%arg17 : memref<!tpu.dma_semaphore, #tpu.memory_space<semaphore_mem>>)
    %scan3A = arith.constant 0 : i32
    %scan3A_18 = arith.constant 0 : i32
    %scan3A_19 = arith.constant 125 : i32
    %scan3A_20 = arith.addi %scan3A_18, %scan3A_19 : i32
    %scan3A_21 = arith.constant 1 : i32
    %scan3A_22 = scf.for %scan3A_30 = %scan3A_18 to %scan3A_20 step %scan3A_21 iter_args(%scan3A_31 = %scan3A) -> (i32)  : i32 {
      %mul3A_32 = arith.constant 2 : i32
      %mul3A_33 = arith.muli %scan3A_30, %mul3A_32 : i32
      %add3A_34 = arith.constant 1 : i32
      %add3A_35 = arith.addi %mul3A_33, %add3A_34 : i32
      %mul3A_36 = arith.constant 40 : i32
      %mul3A_37 = arith.muli %add3A_35, %mul3A_36 : i32
      %add3A_38 = arith.addi %mul3A_4, %mul3A_37 : i32
      "tpu.region"() ({
        %run_scoped3A = tpu.sem_alloc : memref<!tpu.dma_semaphore, #tpu.memory_space<semaphore_mem>>
        %dma_start3A_84 = tpu.memref_slice %arg2[%add3A_38] : memref<320000xi32, #tpu.memory_space<hbm>> -> memref<40xi32, #tpu.memory_space<hbm>>
        %dma_start3A_85 = tpu.memref_slice %arg2[%add3A_38] : memref<320000xi32, #tpu.memory_space<hbm>> -> memref<40xi32, #tpu.memory_space<hbm>>
        tpu.enqueue_dma source(%dma_start3A_85 : memref<40xi32, #tpu.memory_space<hbm>>) target(%arg10 : memref<40xi32, #tpu.memory_space<vmem>>) target_semaphore(%run_scoped3A : memref<!tpu.dma_semaphore, #tpu.memory_space<semaphore_mem>>)
        %dma_wait3A_86 = tpu.memref_slice %arg2[%add3A_38] : memref<320000xi32, #tpu.memory_space<hbm>> -> memref<40xi32, #tpu.memory_space<hbm>>
        %dma_wait3A_87 = tpu.memref_slice %arg2[%add3A_38] : memref<320000xi32, #tpu.memory_space<hbm>> -> memref<40xi32, #tpu.memory_space<hbm>>
        tpu.wait_dma2 semaphore(%run_scoped3A : memref<!tpu.dma_semaphore, #tpu.memory_space<semaphore_mem>>) src(%dma_wait3A_87 : memref<40xi32, #tpu.memory_space<hbm>>) dst(%arg10 : memref<40xi32, #tpu.memory_space<vmem>>)
        tpu.yield
      }) : () -> ()
      "tpu.region"() ({
        %run_scoped3A = tpu.sem_alloc : memref<!tpu.dma_semaphore, #tpu.memory_space<semaphore_mem>>
        %dma_start3A_84 = tpu.memref_slice %arg3[%add3A_38] : memref<320000xi32, #tpu.memory_space<hbm>> -> memref<40xi32, #tpu.memory_space<hbm>>
        %dma_start3A_85 = tpu.memref_slice %arg3[%add3A_38] : memref<320000xi32, #tpu.memory_space<hbm>> -> memref<40xi32, #tpu.memory_space<hbm>>
        tpu.enqueue_dma source(%dma_start3A_85 : memref<40xi32, #tpu.memory_space<hbm>>) target(%arg11 : memref<40xi32, #tpu.memory_space<vmem>>) target_semaphore(%run_scoped3A : memref<!tpu.dma_semaphore, #tpu.memory_space<semaphore_mem>>)
        %dma_wait3A_86 = tpu.memref_slice %arg3[%add3A_38] : memref<320000xi32, #tpu.memory_space<hbm>> -> memref<40xi32, #tpu.memory_space<hbm>>
        %dma_wait3A_87 = tpu.memref_slice %arg3[%add3A_38] : memref<320000xi32, #tpu.memory_space<hbm>> -> memref<40xi32, #tpu.memory_space<hbm>>
        tpu.wait_dma2 semaphore(%run_scoped3A : memref<!tpu.dma_semaphore, #tpu.memory_space<semaphore_mem>>) src(%dma_wait3A_87 : memref<40xi32, #tpu.memory_space<hbm>>) dst(%arg11 : memref<40xi32, #tpu.memory_space<vmem>>)
        tpu.yield
      }) : () -> ()
      %dma_start3A_39 = arith.constant 0 : i32
      %dma_start3A_40 = arith.constant 0 : i32
      %dma_start3A_41 = tpu.memref_slice %arg4[%dma_start3A_39, %dma_start3A_40] : memref<10000x128xf32, #tpu.memory_space<hbm>> -> memref<10000x128xf32, #tpu.memory_space<hbm>>
      tpu.enqueue_indirect_dma source(%dma_start3A_41 : memref<10000x128xf32, #tpu.memory_space<hbm>>) target(%arg14 : memref<40x128xf32, #tpu.memory_space<vmem>>) offsets(%arg10 : memref<40xi32, #tpu.memory_space<vmem>>) semaphore(%arg17 : memref<!tpu.dma_semaphore, #tpu.memory_space<semaphore_mem>>)
      %dma_start3A_42 = arith.constant 0 : i32
      %dma_start3A_43 = arith.constant 0 : i32
      %dma_start3A_44 = tpu.memref_slice %arg4[%dma_start3A_42, %dma_start3A_43] : memref<10000x128xf32, #tpu.memory_space<hbm>> -> memref<10000x128xf32, #tpu.memory_space<hbm>>
      tpu.enqueue_indirect_dma source(%dma_start3A_44 : memref<10000x128xf32, #tpu.memory_space<hbm>>) target(%arg15 : memref<40x128xf32, #tpu.memory_space<vmem>>) offsets(%arg11 : memref<40xi32, #tpu.memory_space<vmem>>) semaphore(%arg17 : memref<!tpu.dma_semaphore, #tpu.memory_space<semaphore_mem>>)
      %dma_wait3A_45 = arith.constant 0 : i32
      %dma_wait3A_46 = arith.constant 0 : i32
      %dma_wait3A_47 = tpu.memref_slice %arg4[%dma_wait3A_45, %dma_wait3A_46] : memref<10000x128xf32, #tpu.memory_space<hbm>> -> memref<10000x128xf32, #tpu.memory_space<hbm>>
      tpu.wait_indirect_dma semaphore(%arg17 : memref<!tpu.dma_semaphore, #tpu.memory_space<semaphore_mem>>) src(%dma_wait3A_47 : memref<10000x128xf32, #tpu.memory_space<hbm>>) dst(%arg12 : memref<40x128xf32, #tpu.memory_space<vmem>>)
      %dma_wait3A_48 = arith.constant 0 : i32
      %dma_wait3A_49 = arith.constant 0 : i32
      %dma_wait3A_50 = tpu.memref_slice %arg4[%dma_wait3A_48, %dma_wait3A_49] : memref<10000x128xf32, #tpu.memory_space<hbm>> -> memref<10000x128xf32, #tpu.memory_space<hbm>>
      tpu.wait_indirect_dma semaphore(%arg17 : memref<!tpu.dma_semaphore, #tpu.memory_space<semaphore_mem>>) src(%dma_wait3A_50 : memref<10000x128xf32, #tpu.memory_space<hbm>>) dst(%arg13 : memref<40x128xf32, #tpu.memory_space<vmem>>)
      %scan3A_51 = arith.constant 0 : i32
      %scan3A_52 = arith.constant 0 : i32
      %scan3A_53 = arith.constant 10 : i32
      %scan3A_54 = arith.addi %scan3A_52, %scan3A_53 : i32
      %scan3A_55 = arith.constant 1 : i32
      %scan3A_56 = scf.for %scan3A_84 = %scan3A_52 to %scan3A_54 step %scan3A_55 iter_args(%scan3A_85 = %scan3A_51) -> (i32)  : i32 {
        %mul3A_86 = arith.constant 4 : i32
        %mul3A_87 = arith.muli %scan3A_84, %mul3A_86 : i32
        %add3A_88 = arith.constant 0 : i32
        %add3A_89 = arith.addi %mul3A_87, %add3A_88 : i32
        %get3A = arith.index_cast %add3A_89 : i32 to index
        %get3A_90 = arith.constant 16 : index
        %get3A_91 = tpu.vector_load %arg12[%get3A, %get3A_90] {strides = array<i32>} : memref<40x128xf32, #tpu.memory_space<vmem>>, vector<1x16xf32>,
        %get3A_92 = vector.shape_cast %get3A_91 : vector<1x16xf32> to vector<16xf32>
        %broadcast_in_dim3A_93 = vector.shape_cast %broadcast_in_dim3A_7 : vector<16xi32> to vector<16x1xi32>
        %gather3A = vector.shape_cast %broadcast_in_dim3A_93 : vector<16x1xi32> to vector<16xi32>
        %gather3A_94 = tpu.dynamic_gather %get3A_92[%gather3A] in [0] : vector<16xf32>, vector<16xi32> -> vector<16xf32>
        %get3A_95 = arith.index_cast %add3A_89 : i32 to index
        %get3A_96 = arith.constant 16 : index
        %get3A_97 = tpu.vector_load %arg13[%get3A_95, %get3A_96] {strides = array<i32>} : memref<40x128xf32, #tpu.memory_space<vmem>>, vector<1x16xf32>,
        %get3A_98 = vector.shape_cast %get3A_97 : vector<1x16xf32> to vector<16xf32>
        %broadcast_in_dim3A_99 = vector.shape_cast %add3A_10 : vector<16xi32> to vector<16x1xi32>
        %gather3A_100 = vector.shape_cast %broadcast_in_dim3A_99 : vector<16x1xi32> to vector<16xi32>
        %gather3A_101 = tpu.dynamic_gather %get3A_98[%gather3A_100] in [0] : vector<16xf32>, vector<16xi32> -> vector<16xf32>
        %add3A_102 = arith.addf %gather3A_94, %gather3A_101 : vector<16xf32>
        %ge3A = arith.constant 0.000000e+00 : f32
        %ge3A_103 = vector.broadcast %ge3A : f32 to vector<16xf32>
        %ge3A_104 = arith.cmpf oge, %add3A_102, %ge3A_103 : vector<16xf32>
        %mul3A_105 = arith.constant 2.000000e-01 : f32
        %mul3A_106 = vector.broadcast %mul3A_105 : f32 to vector<16xf32>
        %mul3A_107 = arith.mulf %add3A_102, %mul3A_106 : vector<16xf32>
        %select_n3A = arith.select %ge3A_104, %add3A_102, %mul3A_107 : vector<16xi1>, vector<16xf32>
        %exp3A = math.exp %select_n3A : vector<16xf32>
        %get3A_108 = arith.index_cast %add3A_89 : i32 to index
        %get3A_109 = arith.constant 0 : index
        %get3A_110 = tpu.vector_load %arg12[%get3A_108, %get3A_109] {strides = array<i32>} : memref<40x128xf32, #tpu.memory_space<vmem>>, vector<1x16xf32>,
        %get3A_111 = vector.shape_cast %get3A_110 : vector<1x16xf32> to vector<16xf32>
        %mul3A_112 = arith.mulf %get3A_111, %exp3A : vector<16xf32>
        %swap3A = arith.index_cast %add3A_89 : i32 to index
        %swap3A_113 = arith.constant 0 : index
        %swap3A_114 = tpu.vector_load %arg16[%swap3A, %swap3A_113] {strides = array<i32>} : memref<40x32xf32, #tpu.memory_space<vmem>>, vector<1x16xf32>,
        %swap3A_115 = vector.shape_cast %swap3A_114 : vector<1x16xf32> to vector<16xf32>
        %swap3A_116 = vector.shape_cast %mul3A_112 : vector<16xf32> to vector<1x16xf32>
        tpu.vector_store %arg16[%swap3A, %swap3A_113], %swap3A_116 {strides = array<i32>} : memref<40x32xf32, #tpu.memory_space<vmem>>, vector<1x16xf32>,
        %jit3A = arith.constant 0.000000e+00 : f32
        %broadcast_in_dim3A_117 = vector.broadcast %jit3A : f32 to vector<16xf32>
        %select_n3A_118 = arith.select %eq3A_6, %exp3A, %broadcast_in_dim3A_117 : vector<16xi1>, vector<16xf32>
        %swap3A_119 = arith.index_cast %add3A_89 : i32 to index
        %swap3A_120 = arith.constant 16 : index
        %swap3A_121 = tpu.vector_load %arg16[%swap3A_119, %swap3A_120] {strides = array<i32>} : memref<40x32xf32, #tpu.memory_space<vmem>>, vector<1x16xf32>,
        %swap3A_122 = vector.shape_cast %swap3A_121 : vector<1x16xf32> to vector<16xf32>
        %swap3A_123 = vector.shape_cast %select_n3A_118 : vector<16xf32> to vector<1x16xf32>
        tpu.vector_store %arg16[%swap3A_119, %swap3A_120], %swap3A_123 {strides = array<i32>} : memref<40x32xf32, #tpu.memory_space<vmem>>, vector<1x16xf32>,
        %mul3A_124 = arith.constant 4 : i32
        %mul3A_125 = arith.muli %scan3A_84, %mul3A_124 : i32
        %add3A_126 = arith.constant 1 : i32
        %add3A_127 = arith.addi %mul3A_125, %add3A_126 : i32
        %get3A_128 = arith.index_cast %add3A_127 : i32 to index
        %get3A_129 = arith.constant 16 : index
        %get3A_130 = tpu.vector_load %arg12[%get3A_128, %get3A_129] {strides = array<i32>} : memref<40x128xf32, #tpu.memory_space<vmem>>, vector<1x16xf32>,
        %get3A_131 = vector.shape_cast %get3A_130 : vector<1x16xf32> to vector<16xf32>
        %broadcast_in_dim3A_132 = vector.shape_cast %broadcast_in_dim3A_7 : vector<16xi32> to vector<16x1xi32>
        %gather3A_133 = vector.shape_cast %broadcast_in_dim3A_132 : vector<16x1xi32> to vector<16xi32>
        %gather3A_134 = tpu.dynamic_gather %get3A_131[%gather3A_133] in [0] : vector<16xf32>, vector<16xi32> -> vector<16xf32>
        %get3A_135 = arith.index_cast %add3A_127 : i32 to index
        %get3A_136 = arith.constant 16 : index
        %get3A_137 = tpu.vector_load %arg13[%get3A_135, %get3A_136] {strides = array<i32>} : memref<40x128xf32, #tpu.memory_space<vmem>>, vector<1x16xf32>,
        %get3A_138 = vector.shape_cast %get3A_137 : vector<1x16xf32> to vector<16xf32>
        %broadcast_in_dim3A_139 = vector.shape_cast %add3A_10 : vector<16xi32> to vector<16x1xi32>
        %gather3A_140 = vector.shape_cast %broadcast_in_dim3A_139 : vector<16x1xi32> to vector<16xi32>
        %gather3A_141 = tpu.dynamic_gather %get3A_138[%gather3A_140] in [0] : vector<16xf32>, vector<16xi32> -> vector<16xf32>
        %add3A_142 = arith.addf %gather3A_134, %gather3A_141 : vector<16xf32>
        %ge3A_143 = arith.constant 0.000000e+00 : f32
        %ge3A_144 = vector.broadcast %ge3A_143 : f32 to vector<16xf32>
        %ge3A_145 = arith.cmpf oge, %add3A_142, %ge3A_144 : vector<16xf32>
        %mul3A_146 = arith.constant 2.000000e-01 : f32
        %mul3A_147 = vector.broadcast %mul3A_146 : f32 to vector<16xf32>
        %mul3A_148 = arith.mulf %add3A_142, %mul3A_147 : vector<16xf32>
        %select_n3A_149 = arith.select %ge3A_145, %add3A_142, %mul3A_148 : vector<16xi1>, vector<16xf32>
        %exp3A_150 = math.exp %select_n3A_149 : vector<16xf32>
        %get3A_151 = arith.index_cast %add3A_127 : i32 to index
        %get3A_152 = arith.constant 0 : index
        %get3A_153 = tpu.vector_load %arg12[%get3A_151, %get3A_152] {strides = array<i32>} : memref<40x128xf32, #tpu.memory_space<vmem>>, vector<1x16xf32>,
        %get3A_154 = vector.shape_cast %get3A_153 : vector<1x16xf32> to vector<16xf32>
        %mul3A_155 = arith.mulf %get3A_154, %exp3A_150 : vector<16xf32>
        %swap3A_156 = arith.index_cast %add3A_127 : i32 to index
        %swap3A_157 = arith.constant 0 : index
        %swap3A_158 = tpu.vector_load %arg16[%swap3A_156, %swap3A_157] {strides = array<i32>} : memref<40x32xf32, #tpu.memory_space<vmem>>, vector<1x16xf32>,
        %swap3A_159 = vector.shape_cast %swap3A_158 : vector<1x16xf32> to vector<16xf32>
        %swap3A_160 = vector.shape_cast %mul3A_155 : vector<16xf32> to vector<1x16xf32>
        tpu.vector_store %arg16[%swap3A_156, %swap3A_157], %swap3A_160 {strides = array<i32>} : memref<40x32xf32, #tpu.memory_space<vmem>>, vector<1x16xf32>,
        %jit3A_161 = arith.constant 0.000000e+00 : f32
        %broadcast_in_dim3A_162 = vector.broadcast %jit3A_161 : f32 to vector<16xf32>
        %select_n3A_163 = arith.select %eq3A_6, %exp3A_150, %broadcast_in_dim3A_162 : vector<16xi1>, vector<16xf32>
        %swap3A_164 = arith.index_cast %add3A_127 : i32 to index
        %swap3A_165 = arith.constant 16 : index
        %swap3A_166 = tpu.vector_load %arg16[%swap3A_164, %swap3A_165] {strides = array<i32>} : memref<40x32xf32, #tpu.memory_space<vmem>>, vector<1x16xf32>,
        %swap3A_167 = vector.shape_cast %swap3A_166 : vector<1x16xf32> to vector<16xf32>
        %swap3A_168 = vector.shape_cast %select_n3A_163 : vector<16xf32> to vector<1x16xf32>
        tpu.vector_store %arg16[%swap3A_164, %swap3A_165], %swap3A_168 {strides = array<i32>} : memref<40x32xf32, #tpu.memory_space<vmem>>, vector<1x16xf32>,
        %mul3A_169 = arith.constant 4 : i32
        %mul3A_170 = arith.muli %scan3A_84, %mul3A_169 : i32
        %add3A_171 = arith.constant 2 : i32
        %add3A_172 = arith.addi %mul3A_170, %add3A_171 : i32
        %get3A_173 = arith.index_cast %add3A_172 : i32 to index
        %get3A_174 = arith.constant 16 : index
        %get3A_175 = tpu.vector_load %arg12[%get3A_173, %get3A_174] {strides = array<i32>} : memref<40x128xf32, #tpu.memory_space<vmem>>, vector<1x16xf32>,
        %get3A_176 = vector.shape_cast %get3A_175 : vector<1x16xf32> to vector<16xf32>
        %broadcast_in_dim3A_177 = vector.shape_cast %broadcast_in_dim3A_7 : vector<16xi32> to vector<16x1xi32>
        %gather3A_178 = vector.shape_cast %broadcast_in_dim3A_177 : vector<16x1xi32> to vector<16xi32>
        %gather3A_179 = tpu.dynamic_gather %get3A_176[%gather3A_178] in [0] : vector<16xf32>, vector<16xi32> -> vector<16xf32>
        %get3A_180 = arith.index_cast %add3A_172 : i32 to index
        %get3A_181 = arith.constant 16 : index
        %get3A_182 = tpu.vector_load %arg13[%get3A_180, %get3A_181] {strides = array<i32>} : memref<40x128xf32, #tpu.memory_space<vmem>>, vector<1x16xf32>,
        %get3A_183 = vector.shape_cast %get3A_182 : vector<1x16xf32> to vector<16xf32>
        %broadcast_in_dim3A_184 = vector.shape_cast %add3A_10 : vector<16xi32> to vector<16x1xi32>
        %gather3A_185 = vector.shape_cast %broadcast_in_dim3A_184 : vector<16x1xi32> to vector<16xi32>
        %gather3A_186 = tpu.dynamic_gather %get3A_183[%gather3A_185] in [0] : vector<16xf32>, vector<16xi32> -> vector<16xf32>
        %add3A_187 = arith.addf %gather3A_179, %gather3A_186 : vector<16xf32>
        %ge3A_188 = arith.constant 0.000000e+00 : f32
        %ge3A_189 = vector.broadcast %ge3A_188 : f32 to vector<16xf32>
        %ge3A_190 = arith.cmpf oge, %add3A_187, %ge3A_189 : vector<16xf32>
        %mul3A_191 = arith.constant 2.000000e-01 : f32
        %mul3A_192 = vector.broadcast %mul3A_191 : f32 to vector<16xf32>
        %mul3A_193 = arith.mulf %add3A_187, %mul3A_192 : vector<16xf32>
        %select_n3A_194 = arith.select %ge3A_190, %add3A_187, %mul3A_193 : vector<16xi1>, vector<16xf32>
        %exp3A_195 = math.exp %select_n3A_194 : vector<16xf32>
        %get3A_196 = arith.index_cast %add3A_172 : i32 to index
        %get3A_197 = arith.constant 0 : index
        %get3A_198 = tpu.vector_load %arg12[%get3A_196, %get3A_197] {strides = array<i32>} : memref<40x128xf32, #tpu.memory_space<vmem>>, vector<1x16xf32>,
        %get3A_199 = vector.shape_cast %get3A_198 : vector<1x16xf32> to vector<16xf32>
        %mul3A_200 = arith.mulf %get3A_199, %exp3A_195 : vector<16xf32>
        %swap3A_201 = arith.index_cast %add3A_172 : i32 to index
        %swap3A_202 = arith.constant 0 : index
        %swap3A_203 = tpu.vector_load %arg16[%swap3A_201, %swap3A_202] {strides = array<i32>} : memref<40x32xf32, #tpu.memory_space<vmem>>, vector<1x16xf32>,
        %swap3A_204 = vector.shape_cast %swap3A_203 : vector<1x16xf32> to vector<16xf32>
        %swap3A_205 = vector.shape_cast %mul3A_200 : vector<16xf32> to vector<1x16xf32>
        tpu.vector_store %arg16[%swap3A_201, %swap3A_202], %swap3A_205 {strides = array<i32>} : memref<40x32xf32, #tpu.memory_space<vmem>>, vector<1x16xf32>,
        %jit3A_206 = arith.constant 0.000000e+00 : f32
        %broadcast_in_dim3A_207 = vector.broadcast %jit3A_206 : f32 to vector<16xf32>
        %select_n3A_208 = arith.select %eq3A_6, %exp3A_195, %broadcast_in_dim3A_207 : vector<16xi1>, vector<16xf32>
        %swap3A_209 = arith.index_cast %add3A_172 : i32 to index
        %swap3A_210 = arith.constant 16 : index
        %swap3A_211 = tpu.vector_load %arg16[%swap3A_209, %swap3A_210] {strides = array<i32>} : memref<40x32xf32, #tpu.memory_space<vmem>>, vector<1x16xf32>,
        %swap3A_212 = vector.shape_cast %swap3A_211 : vector<1x16xf32> to vector<16xf32>
        %swap3A_213 = vector.shape_cast %select_n3A_208 : vector<16xf32> to vector<1x16xf32>
        tpu.vector_store %arg16[%swap3A_209, %swap3A_210], %swap3A_213 {strides = array<i32>} : memref<40x32xf32, #tpu.memory_space<vmem>>, vector<1x16xf32>,
        %mul3A_214 = arith.constant 4 : i32
        %mul3A_215 = arith.muli %scan3A_84, %mul3A_214 : i32
        %add3A_216 = arith.constant 3 : i32
        %add3A_217 = arith.addi %mul3A_215, %add3A_216 : i32
        %get3A_218 = arith.index_cast %add3A_217 : i32 to index
        %get3A_219 = arith.constant 16 : index
        %get3A_220 = tpu.vector_load %arg12[%get3A_218, %get3A_219] {strides = array<i32>} : memref<40x128xf32, #tpu.memory_space<vmem>>, vector<1x16xf32>,
        %get3A_221 = vector.shape_cast %get3A_220 : vector<1x16xf32> to vector<16xf32>
        %broadcast_in_dim3A_222 = vector.shape_cast %broadcast_in_dim3A_7 : vector<16xi32> to vector<16x1xi32>
        %gather3A_223 = vector.shape_cast %broadcast_in_dim3A_222 : vector<16x1xi32> to vector<16xi32>
        %gather3A_224 = tpu.dynamic_gather %get3A_221[%gather3A_223] in [0] : vector<16xf32>, vector<16xi32> -> vector<16xf32>
        %get3A_225 = arith.index_cast %add3A_217 : i32 to index
        %get3A_226 = arith.constant 16 : index
        %get3A_227 = tpu.vector_load %arg13[%get3A_225, %get3A_226] {strides = array<i32>} : memref<40x128xf32, #tpu.memory_space<vmem>>, vector<1x16xf32>,
        %get3A_228 = vector.shape_cast %get3A_227 : vector<1x16xf32> to vector<16xf32>
        %broadcast_in_dim3A_229 = vector.shape_cast %add3A_10 : vector<16xi32> to vector<16x1xi32>
        %gather3A_230 = vector.shape_cast %broadcast_in_dim3A_229 : vector<16x1xi32> to vector<16xi32>
        %gather3A_231 = tpu.dynamic_gather %get3A_228[%gather3A_230] in [0] : vector<16xf32>, vector<16xi32> -> vector<16xf32>
        %add3A_232 = arith.addf %gather3A_224, %gather3A_231 : vector<16xf32>
        %ge3A_233 = arith.constant 0.000000e+00 : f32
        %ge3A_234 = vector.broadcast %ge3A_233 : f32 to vector<16xf32>
        %ge3A_235 = arith.cmpf oge, %add3A_232, %ge3A_234 : vector<16xf32>
        %mul3A_236 = arith.constant 2.000000e-01 : f32
        %mul3A_237 = vector.broadcast %mul3A_236 : f32 to vector<16xf32>
        %mul3A_238 = arith.mulf %add3A_232, %mul3A_237 : vector<16xf32>
        %select_n3A_239 = arith.select %ge3A_235, %add3A_232, %mul3A_238 : vector<16xi1>, vector<16xf32>
        %exp3A_240 = math.exp %select_n3A_239 : vector<16xf32>
        %get3A_241 = arith.index_cast %add3A_217 : i32 to index
        %get3A_242 = arith.constant 0 : index
        %get3A_243 = tpu.vector_load %arg12[%get3A_241, %get3A_242] {strides = array<i32>} : memref<40x128xf32, #tpu.memory_space<vmem>>, vector<1x16xf32>,
        %get3A_244 = vector.shape_cast %get3A_243 : vector<1x16xf32> to vector<16xf32>
        %mul3A_245 = arith.mulf %get3A_244, %exp3A_240 : vector<16xf32>
        %swap3A_246 = arith.index_cast %add3A_217 : i32 to index
        %swap3A_247 = arith.constant 0 : index
        %swap3A_248 = tpu.vector_load %arg16[%swap3A_246, %swap3A_247] {strides = array<i32>} : memref<40x32xf32, #tpu.memory_space<vmem>>, vector<1x16xf32>,
        %swap3A_249 = vector.shape_cast %swap3A_248 : vector<1x16xf32> to vector<16xf32>
        %swap3A_250 = vector.shape_cast %mul3A_245 : vector<16xf32> to vector<1x16xf32>
        tpu.vector_store %arg16[%swap3A_246, %swap3A_247], %swap3A_250 {strides = array<i32>} : memref<40x32xf32, #tpu.memory_space<vmem>>, vector<1x16xf32>,
        %jit3A_251 = arith.constant 0.000000e+00 : f32
        %broadcast_in_dim3A_252 = vector.broadcast %jit3A_251 : f32 to vector<16xf32>
        %select_n3A_253 = arith.select %eq3A_6, %exp3A_240, %broadcast_in_dim3A_252 : vector<16xi1>, vector<16xf32>
        %swap3A_254 = arith.index_cast %add3A_217 : i32 to index
        %swap3A_255 = arith.constant 16 : index
        %swap3A_256 = tpu.vector_load %arg16[%swap3A_254, %swap3A_255] {strides = array<i32>} : memref<40x32xf32, #tpu.memory_space<vmem>>, vector<1x16xf32>,
        %swap3A_257 = vector.shape_cast %swap3A_256 : vector<1x16xf32> to vector<16xf32>
        %swap3A_258 = vector.shape_cast %select_n3A_253 : vector<16xf32> to vector<1x16xf32>
        tpu.vector_store %arg16[%swap3A_254, %swap3A_255], %swap3A_258 {strides = array<i32>} : memref<40x32xf32, #tpu.memory_space<vmem>>, vector<1x16xf32>,
        %scan3A_259 = arith.constant 0 : i32
        scf.yield %scan3A_259 : i32
      }
      %scan3A_57 = arith.constant 10 : i32
      "tpu.region"() ({
        %run_scoped3A = tpu.sem_alloc : memref<!tpu.dma_semaphore, #tpu.memory_space<semaphore_mem>>
        %dma_start3A_84 = arith.constant 0 : i32
        %dma_start3A_85 = arith.constant 0 : i32
        %dma_start3A_86 = tpu.memref_slice %arg7[%dma_start3A_84, %dma_start3A_85] : memref<10240x32xf32, #tpu.memory_space<vmem_shared>> -> memref<10240x32xf32, #tpu.memory_space<vmem_shared>>
        tpu.enqueue_indirect_dma source(%arg16 : memref<40x32xf32, #tpu.memory_space<vmem>>) target(%dma_start3A_86 : memref<10240x32xf32, #tpu.memory_space<vmem_shared>>) offsets(%arg9 : memref<40xi32, #tpu.memory_space<vmem>>) semaphore(%run_scoped3A : memref<!tpu.dma_semaphore, #tpu.memory_space<semaphore_mem>>) {add = true}
        %dma_wait3A_87 = arith.constant 0 : i32
        %dma_wait3A_88 = arith.constant 0 : i32
        %dma_wait3A_89 = tpu.memref_slice %arg7[%dma_wait3A_87, %dma_wait3A_88] : memref<10240x32xf32, #tpu.memory_space<vmem_shared>> -> memref<10240x32xf32, #tpu.memory_space<vmem_shared>>
        tpu.wait_indirect_dma semaphore(%run_scoped3A : memref<!tpu.dma_semaphore, #tpu.memory_space<semaphore_mem>>) src(%arg16 : memref<40x32xf32, #tpu.memory_space<vmem>>) dst(%dma_wait3A_89 : memref<10240x32xf32, #tpu.memory_space<vmem_shared>>)
        tpu.yield
      }) : () -> ()
      %add3A_58 = arith.constant 2 : i32
      %add3A_59 = arith.addi %mul3A_33, %add3A_58 : i32
      %min3A = arith.constant 249 : i32
      %min3A_60 = arith.minsi %add3A_59, %min3A : i32
      %mul3A_61 = arith.constant 40 : i32
      %mul3A_62 = arith.muli %min3A_60, %mul3A_61 : i32
      %add3A_63 = arith.addi %mul3A_4, %mul3A_62 : i32
      "tpu.region"() ({
        %run_scoped3A = tpu.sem_alloc : memref<!tpu.dma_semaphore, #tpu.memory_space<semaphore_mem>>
        %dma_start3A_84 = tpu.memref_slice %arg2[%add3A_63] : memref<320000xi32, #tpu.memory_space<hbm>> -> memref<40xi32, #tpu.memory_space<hbm>>
        %dma_start3A_85 = tpu.memref_slice %arg2[%add3A_63] : memref<320000xi32, #tpu.memory_space<hbm>> -> memref<40xi32, #tpu.memory_space<hbm>>
        tpu.enqueue_dma source(%dma_start3A_85 : memref<40xi32, #tpu.memory_space<hbm>>) target(%arg8 : memref<40xi32, #tpu.memory_space<vmem>>) target_semaphore(%run_scoped3A : memref<!tpu.dma_semaphore, #tpu.memory_space<semaphore_mem>>)
        %dma_wait3A_86 = tpu.memref_slice %arg2[%add3A_63] : memref<320000xi32, #tpu.memory_space<hbm>> -> memref<40xi32, #tpu.memory_space<hbm>>
        %dma_wait3A_87 = tpu.memref_slice %arg2[%add3A_63] : memref<320000xi32, #tpu.memory_space<hbm>> -> memref<40xi32, #tpu.memory_space<hbm>>
        tpu.wait_dma2 semaphore(%run_scoped3A : memref<!tpu.dma_semaphore, #tpu.memory_space<semaphore_mem>>) src(%dma_wait3A_87 : memref<40xi32, #tpu.memory_space<hbm>>) dst(%arg8 : memref<40xi32, #tpu.memory_space<vmem>>)
        tpu.yield
      }) : () -> ()
      "tpu.region"() ({
        %run_scoped3A = tpu.sem_alloc : memref<!tpu.dma_semaphore, #tpu.memory_space<semaphore_mem>>
        %dma_start3A_84 = tpu.memref_slice %arg3[%add3A_63] : memref<320000xi32, #tpu.memory_space<hbm>> -> memref<40xi32, #tpu.memory_space<hbm>>
        %dma_start3A_85 = tpu.memref_slice %arg3[%add3A_63] : memref<320000xi32, #tpu.memory_space<hbm>> -> memref<40xi32, #tpu.memory_space<hbm>>
        tpu.enqueue_dma source(%dma_start3A_85 : memref<40xi32, #tpu.memory_space<hbm>>) target(%arg9 : memref<40xi32, #tpu.memory_space<vmem>>) target_semaphore(%run_scoped3A : memref<!tpu.dma_semaphore, #tpu.memory_space<semaphore_mem>>)
        %dma_wait3A_86 = tpu.memref_slice %arg3[%add3A_63] : memref<320000xi32, #tpu.memory_space<hbm>> -> memref<40xi32, #tpu.memory_space<hbm>>
        %dma_wait3A_87 = tpu.memref_slice %arg3[%add3A_63] : memref<320000xi32, #tpu.memory_space<hbm>> -> memref<40xi32, #tpu.memory_space<hbm>>
        tpu.wait_dma2 semaphore(%run_scoped3A : memref<!tpu.dma_semaphore, #tpu.memory_space<semaphore_mem>>) src(%dma_wait3A_87 : memref<40xi32, #tpu.memory_space<hbm>>) dst(%arg9 : memref<40xi32, #tpu.memory_space<vmem>>)
        tpu.yield
      }) : () -> ()
      %dma_start3A_64 = arith.constant 0 : i32
      %dma_start3A_65 = arith.constant 0 : i32
      %dma_start3A_66 = tpu.memref_slice %arg4[%dma_start3A_64, %dma_start3A_65] : memref<10000x128xf32, #tpu.memory_space<hbm>> -> memref<10000x128xf32, #tpu.memory_space<hbm>>
      tpu.enqueue_indirect_dma source(%dma_start3A_66 : memref<10000x128xf32, #tpu.memory_space<hbm>>) target(%arg12 : memref<40x128xf32, #tpu.memory_space<vmem>>) offsets(%arg8 : memref<40xi32, #tpu.memory_space<vmem>>) semaphore(%arg17 : memref<!tpu.dma_semaphore, #tpu.memory_space<semaphore_mem>>)
      %dma_start3A_67 = arith.constant 0 : i32
      %dma_start3A_68 = arith.constant 0 : i32
      %dma_start3A_69 = tpu.memref_slice %arg4[%dma_start3A_67, %dma_start3A_68] : memref<10000x128xf32, #tpu.memory_space<hbm>> -> memref<10000x128xf32, #tpu.memory_space<hbm>>
      tpu.enqueue_indirect_dma source(%dma_start3A_69 : memref<10000x128xf32, #tpu.memory_space<hbm>>) target(%arg13 : memref<40x128xf32, #tpu.memory_space<vmem>>) offsets(%arg9 : memref<40xi32, #tpu.memory_space<vmem>>) semaphore(%arg17 : memref<!tpu.dma_semaphore, #tpu.memory_space<semaphore_mem>>)
      %dma_wait3A_70 = arith.constant 0 : i32
      %dma_wait3A_71 = arith.constant 0 : i32
      %dma_wait3A_72 = tpu.memref_slice %arg4[%dma_wait3A_70, %dma_wait3A_71] : memref<10000x128xf32, #tpu.memory_space<hbm>> -> memref<10000x128xf32, #tpu.memory_space<hbm>>
      tpu.wait_indirect_dma semaphore(%arg17 : memref<!tpu.dma_semaphore, #tpu.memory_space<semaphore_mem>>) src(%dma_wait3A_72 : memref<10000x128xf32, #tpu.memory_space<hbm>>) dst(%arg14 : memref<40x128xf32, #tpu.memory_space<vmem>>)
      %dma_wait3A_73 = arith.constant 0 : i32
      %dma_wait3A_74 = arith.constant 0 : i32
      %dma_wait3A_75 = tpu.memref_slice %arg4[%dma_wait3A_73, %dma_wait3A_74] : memref<10000x128xf32, #tpu.memory_space<hbm>> -> memref<10000x128xf32, #tpu.memory_space<hbm>>
      tpu.wait_indirect_dma semaphore(%arg17 : memref<!tpu.dma_semaphore, #tpu.memory_space<semaphore_mem>>) src(%dma_wait3A_75 : memref<10000x128xf32, #tpu.memory_space<hbm>>) dst(%arg15 : memref<40x128xf32, #tpu.memory_space<vmem>>)
      %scan3A_76 = arith.constant 0 : i32
      %scan3A_77 = arith.constant 0 : i32
      %scan3A_78 = arith.constant 10 : i32
      %scan3A_79 = arith.addi %scan3A_77, %scan3A_78 : i32
      %scan3A_80 = arith.constant 1 : i32
      %scan3A_81 = scf.for %scan3A_84 = %scan3A_77 to %scan3A_79 step %scan3A_80 iter_args(%scan3A_85 = %scan3A_76) -> (i32)  : i32 {
        %mul3A_86 = arith.constant 4 : i32
        %mul3A_87 = arith.muli %scan3A_84, %mul3A_86 : i32
        %add3A_88 = arith.constant 0 : i32
        %add3A_89 = arith.addi %mul3A_87, %add3A_88 : i32
        %get3A = arith.index_cast %add3A_89 : i32 to index
        %get3A_90 = arith.constant 16 : index
        %get3A_91 = tpu.vector_load %arg14[%get3A, %get3A_90] {strides = array<i32>} : memref<40x128xf32, #tpu.memory_space<vmem>>, vector<1x16xf32>,
        %get3A_92 = vector.shape_cast %get3A_91 : vector<1x16xf32> to vector<16xf32>
        %broadcast_in_dim3A_93 = vector.shape_cast %broadcast_in_dim3A_7 : vector<16xi32> to vector<16x1xi32>
        %gather3A = vector.shape_cast %broadcast_in_dim3A_93 : vector<16x1xi32> to vector<16xi32>
        %gather3A_94 = tpu.dynamic_gather %get3A_92[%gather3A] in [0] : vector<16xf32>, vector<16xi32> -> vector<16xf32>
        %get3A_95 = arith.index_cast %add3A_89 : i32 to index
        %get3A_96 = arith.constant 16 : index
        %get3A_97 = tpu.vector_load %arg15[%get3A_95, %get3A_96] {strides = array<i32>} : memref<40x128xf32, #tpu.memory_space<vmem>>, vector<1x16xf32>,
        %get3A_98 = vector.shape_cast %get3A_97 : vector<1x16xf32> to vector<16xf32>
        %broadcast_in_dim3A_99 = vector.shape_cast %add3A_10 : vector<16xi32> to vector<16x1xi32>
        %gather3A_100 = vector.shape_cast %broadcast_in_dim3A_99 : vector<16x1xi32> to vector<16xi32>
        %gather3A_101 = tpu.dynamic_gather %get3A_98[%gather3A_100] in [0] : vector<16xf32>, vector<16xi32> -> vector<16xf32>
        %add3A_102 = arith.addf %gather3A_94, %gather3A_101 : vector<16xf32>
        %ge3A = arith.constant 0.000000e+00 : f32
        %ge3A_103 = vector.broadcast %ge3A : f32 to vector<16xf32>
        %ge3A_104 = arith.cmpf oge, %add3A_102, %ge3A_103 : vector<16xf32>
        %mul3A_105 = arith.constant 2.000000e-01 : f32
        %mul3A_106 = vector.broadcast %mul3A_105 : f32 to vector<16xf32>
        %mul3A_107 = arith.mulf %add3A_102, %mul3A_106 : vector<16xf32>
        %select_n3A = arith.select %ge3A_104, %add3A_102, %mul3A_107 : vector<16xi1>, vector<16xf32>
        %exp3A = math.exp %select_n3A : vector<16xf32>
        %get3A_108 = arith.index_cast %add3A_89 : i32 to index
        %get3A_109 = arith.constant 0 : index
        %get3A_110 = tpu.vector_load %arg14[%get3A_108, %get3A_109] {strides = array<i32>} : memref<40x128xf32, #tpu.memory_space<vmem>>, vector<1x16xf32>,
        %get3A_111 = vector.shape_cast %get3A_110 : vector<1x16xf32> to vector<16xf32>
        %mul3A_112 = arith.mulf %get3A_111, %exp3A : vector<16xf32>
        %swap3A = arith.index_cast %add3A_89 : i32 to index
        %swap3A_113 = arith.constant 0 : index
        %swap3A_114 = tpu.vector_load %arg16[%swap3A, %swap3A_113] {strides = array<i32>} : memref<40x32xf32, #tpu.memory_space<vmem>>, vector<1x16xf32>,
        %swap3A_115 = vector.shape_cast %swap3A_114 : vector<1x16xf32> to vector<16xf32>
        %swap3A_116 = vector.shape_cast %mul3A_112 : vector<16xf32> to vector<1x16xf32>
        tpu.vector_store %arg16[%swap3A, %swap3A_113], %swap3A_116 {strides = array<i32>} : memref<40x32xf32, #tpu.memory_space<vmem>>, vector<1x16xf32>,
        %jit3A = arith.constant 0.000000e+00 : f32
        %broadcast_in_dim3A_117 = vector.broadcast %jit3A : f32 to vector<16xf32>
        %select_n3A_118 = arith.select %eq3A_6, %exp3A, %broadcast_in_dim3A_117 : vector<16xi1>, vector<16xf32>
        %swap3A_119 = arith.index_cast %add3A_89 : i32 to index
        %swap3A_120 = arith.constant 16 : index
        %swap3A_121 = tpu.vector_load %arg16[%swap3A_119, %swap3A_120] {strides = array<i32>} : memref<40x32xf32, #tpu.memory_space<vmem>>, vector<1x16xf32>,
        %swap3A_122 = vector.shape_cast %swap3A_121 : vector<1x16xf32> to vector<16xf32>
        %swap3A_123 = vector.shape_cast %select_n3A_118 : vector<16xf32> to vector<1x16xf32>
        tpu.vector_store %arg16[%swap3A_119, %swap3A_120], %swap3A_123 {strides = array<i32>} : memref<40x32xf32, #tpu.memory_space<vmem>>, vector<1x16xf32>,
        %mul3A_124 = arith.constant 4 : i32
        %mul3A_125 = arith.muli %scan3A_84, %mul3A_124 : i32
        %add3A_126 = arith.constant 1 : i32
        %add3A_127 = arith.addi %mul3A_125, %add3A_126 : i32
        %get3A_128 = arith.index_cast %add3A_127 : i32 to index
        %get3A_129 = arith.constant 16 : index
        %get3A_130 = tpu.vector_load %arg14[%get3A_128, %get3A_129] {strides = array<i32>} : memref<40x128xf32, #tpu.memory_space<vmem>>, vector<1x16xf32>,
        %get3A_131 = vector.shape_cast %get3A_130 : vector<1x16xf32> to vector<16xf32>
        %broadcast_in_dim3A_132 = vector.shape_cast %broadcast_in_dim3A_7 : vector<16xi32> to vector<16x1xi32>
        %gather3A_133 = vector.shape_cast %broadcast_in_dim3A_132 : vector<16x1xi32> to vector<16xi32>
        %gather3A_134 = tpu.dynamic_gather %get3A_131[%gather3A_133] in [0] : vector<16xf32>, vector<16xi32> -> vector<16xf32>
        %get3A_135 = arith.index_cast %add3A_127 : i32 to index
        %get3A_136 = arith.constant 16 : index
        %get3A_137 = tpu.vector_load %arg15[%get3A_135, %get3A_136] {strides = array<i32>} : memref<40x128xf32, #tpu.memory_space<vmem>>, vector<1x16xf32>,
        %get3A_138 = vector.shape_cast %get3A_137 : vector<1x16xf32> to vector<16xf32>
        %broadcast_in_dim3A_139 = vector.shape_cast %add3A_10 : vector<16xi32> to vector<16x1xi32>
        %gather3A_140 = vector.shape_cast %broadcast_in_dim3A_139 : vector<16x1xi32> to vector<16xi32>
        %gather3A_141 = tpu.dynamic_gather %get3A_138[%gather3A_140] in [0] : vector<16xf32>, vector<16xi32> -> vector<16xf32>
        %add3A_142 = arith.addf %gather3A_134, %gather3A_141 : vector<16xf32>
        %ge3A_143 = arith.constant 0.000000e+00 : f32
        %ge3A_144 = vector.broadcast %ge3A_143 : f32 to vector<16xf32>
        %ge3A_145 = arith.cmpf oge, %add3A_142, %ge3A_144 : vector<16xf32>
        %mul3A_146 = arith.constant 2.000000e-01 : f32
        %mul3A_147 = vector.broadcast %mul3A_146 : f32 to vector<16xf32>
        %mul3A_148 = arith.mulf %add3A_142, %mul3A_147 : vector<16xf32>
        %select_n3A_149 = arith.select %ge3A_145, %add3A_142, %mul3A_148 : vector<16xi1>, vector<16xf32>
        %exp3A_150 = math.exp %select_n3A_149 : vector<16xf32>
        %get3A_151 = arith.index_cast %add3A_127 : i32 to index
        %get3A_152 = arith.constant 0 : index
        %get3A_153 = tpu.vector_load %arg14[%get3A_151, %get3A_152] {strides = array<i32>} : memref<40x128xf32, #tpu.memory_space<vmem>>, vector<1x16xf32>,
        %get3A_154 = vector.shape_cast %get3A_153 : vector<1x16xf32> to vector<16xf32>
        %mul3A_155 = arith.mulf %get3A_154, %exp3A_150 : vector<16xf32>
        %swap3A_156 = arith.index_cast %add3A_127 : i32 to index
        %swap3A_157 = arith.constant 0 : index
        %swap3A_158 = tpu.vector_load %arg16[%swap3A_156, %swap3A_157] {strides = array<i32>} : memref<40x32xf32, #tpu.memory_space<vmem>>, vector<1x16xf32>,
        %swap3A_159 = vector.shape_cast %swap3A_158 : vector<1x16xf32> to vector<16xf32>
        %swap3A_160 = vector.shape_cast %mul3A_155 : vector<16xf32> to vector<1x16xf32>
        tpu.vector_store %arg16[%swap3A_156, %swap3A_157], %swap3A_160 {strides = array<i32>} : memref<40x32xf32, #tpu.memory_space<vmem>>, vector<1x16xf32>,
        %jit3A_161 = arith.constant 0.000000e+00 : f32
        %broadcast_in_dim3A_162 = vector.broadcast %jit3A_161 : f32 to vector<16xf32>
        %select_n3A_163 = arith.select %eq3A_6, %exp3A_150, %broadcast_in_dim3A_162 : vector<16xi1>, vector<16xf32>
        %swap3A_164 = arith.index_cast %add3A_127 : i32 to index
        %swap3A_165 = arith.constant 16 : index
        %swap3A_166 = tpu.vector_load %arg16[%swap3A_164, %swap3A_165] {strides = array<i32>} : memref<40x32xf32, #tpu.memory_space<vmem>>, vector<1x16xf32>,
        %swap3A_167 = vector.shape_cast %swap3A_166 : vector<1x16xf32> to vector<16xf32>
        %swap3A_168 = vector.shape_cast %select_n3A_163 : vector<16xf32> to vector<1x16xf32>
        tpu.vector_store %arg16[%swap3A_164, %swap3A_165], %swap3A_168 {strides = array<i32>} : memref<40x32xf32, #tpu.memory_space<vmem>>, vector<1x16xf32>,
        %mul3A_169 = arith.constant 4 : i32
        %mul3A_170 = arith.muli %scan3A_84, %mul3A_169 : i32
        %add3A_171 = arith.constant 2 : i32
        %add3A_172 = arith.addi %mul3A_170, %add3A_171 : i32
        %get3A_173 = arith.index_cast %add3A_172 : i32 to index
        %get3A_174 = arith.constant 16 : index
        %get3A_175 = tpu.vector_load %arg14[%get3A_173, %get3A_174] {strides = array<i32>} : memref<40x128xf32, #tpu.memory_space<vmem>>, vector<1x16xf32>,
        %get3A_176 = vector.shape_cast %get3A_175 : vector<1x16xf32> to vector<16xf32>
        %broadcast_in_dim3A_177 = vector.shape_cast %broadcast_in_dim3A_7 : vector<16xi32> to vector<16x1xi32>
        %gather3A_178 = vector.shape_cast %broadcast_in_dim3A_177 : vector<16x1xi32> to vector<16xi32>
        %gather3A_179 = tpu.dynamic_gather %get3A_176[%gather3A_178] in [0] : vector<16xf32>, vector<16xi32> -> vector<16xf32>
        %get3A_180 = arith.index_cast %add3A_172 : i32 to index
        %get3A_181 = arith.constant 16 : index
        %get3A_182 = tpu.vector_load %arg15[%get3A_180, %get3A_181] {strides = array<i32>} : memref<40x128xf32, #tpu.memory_space<vmem>>, vector<1x16xf32>,
        %get3A_183 = vector.shape_cast %get3A_182 : vector<1x16xf32> to vector<16xf32>
        %broadcast_in_dim3A_184 = vector.shape_cast %add3A_10 : vector<16xi32> to vector<16x1xi32>
        %gather3A_185 = vector.shape_cast %broadcast_in_dim3A_184 : vector<16x1xi32> to vector<16xi32>
        %gather3A_186 = tpu.dynamic_gather %get3A_183[%gather3A_185] in [0] : vector<16xf32>, vector<16xi32> -> vector<16xf32>
        %add3A_187 = arith.addf %gather3A_179, %gather3A_186 : vector<16xf32>
        %ge3A_188 = arith.constant 0.000000e+00 : f32
        %ge3A_189 = vector.broadcast %ge3A_188 : f32 to vector<16xf32>
        %ge3A_190 = arith.cmpf oge, %add3A_187, %ge3A_189 : vector<16xf32>
        %mul3A_191 = arith.constant 2.000000e-01 : f32
        %mul3A_192 = vector.broadcast %mul3A_191 : f32 to vector<16xf32>
        %mul3A_193 = arith.mulf %add3A_187, %mul3A_192 : vector<16xf32>
        %select_n3A_194 = arith.select %ge3A_190, %add3A_187, %mul3A_193 : vector<16xi1>, vector<16xf32>
        %exp3A_195 = math.exp %select_n3A_194 : vector<16xf32>
        %get3A_196 = arith.index_cast %add3A_172 : i32 to index
        %get3A_197 = arith.constant 0 : index
        %get3A_198 = tpu.vector_load %arg14[%get3A_196, %get3A_197] {strides = array<i32>} : memref<40x128xf32, #tpu.memory_space<vmem>>, vector<1x16xf32>,
        %get3A_199 = vector.shape_cast %get3A_198 : vector<1x16xf32> to vector<16xf32>
        %mul3A_200 = arith.mulf %get3A_199, %exp3A_195 : vector<16xf32>
        %swap3A_201 = arith.index_cast %add3A_172 : i32 to index
        %swap3A_202 = arith.constant 0 : index
        %swap3A_203 = tpu.vector_load %arg16[%swap3A_201, %swap3A_202] {strides = array<i32>} : memref<40x32xf32, #tpu.memory_space<vmem>>, vector<1x16xf32>,
        %swap3A_204 = vector.shape_cast %swap3A_203 : vector<1x16xf32> to vector<16xf32>
        %swap3A_205 = vector.shape_cast %mul3A_200 : vector<16xf32> to vector<1x16xf32>
        tpu.vector_store %arg16[%swap3A_201, %swap3A_202], %swap3A_205 {strides = array<i32>} : memref<40x32xf32, #tpu.memory_space<vmem>>, vector<1x16xf32>,
        %jit3A_206 = arith.constant 0.000000e+00 : f32
        %broadcast_in_dim3A_207 = vector.broadcast %jit3A_206 : f32 to vector<16xf32>
        %select_n3A_208 = arith.select %eq3A_6, %exp3A_195, %broadcast_in_dim3A_207 : vector<16xi1>, vector<16xf32>
        %swap3A_209 = arith.index_cast %add3A_172 : i32 to index
        %swap3A_210 = arith.constant 16 : index
        %swap3A_211 = tpu.vector_load %arg16[%swap3A_209, %swap3A_210] {strides = array<i32>} : memref<40x32xf32, #tpu.memory_space<vmem>>, vector<1x16xf32>,
        %swap3A_212 = vector.shape_cast %swap3A_211 : vector<1x16xf32> to vector<16xf32>
        %swap3A_213 = vector.shape_cast %select_n3A_208 : vector<16xf32> to vector<1x16xf32>
        tpu.vector_store %arg16[%swap3A_209, %swap3A_210], %swap3A_213 {strides = array<i32>} : memref<40x32xf32, #tpu.memory_space<vmem>>, vector<1x16xf32>,
        %mul3A_214 = arith.constant 4 : i32
        %mul3A_215 = arith.muli %scan3A_84, %mul3A_214 : i32
        %add3A_216 = arith.constant 3 : i32
        %add3A_217 = arith.addi %mul3A_215, %add3A_216 : i32
        %get3A_218 = arith.index_cast %add3A_217 : i32 to index
        %get3A_219 = arith.constant 16 : index
        %get3A_220 = tpu.vector_load %arg14[%get3A_218, %get3A_219] {strides = array<i32>} : memref<40x128xf32, #tpu.memory_space<vmem>>, vector<1x16xf32>,
        %get3A_221 = vector.shape_cast %get3A_220 : vector<1x16xf32> to vector<16xf32>
        %broadcast_in_dim3A_222 = vector.shape_cast %broadcast_in_dim3A_7 : vector<16xi32> to vector<16x1xi32>
        %gather3A_223 = vector.shape_cast %broadcast_in_dim3A_222 : vector<16x1xi32> to vector<16xi32>
        %gather3A_224 = tpu.dynamic_gather %get3A_221[%gather3A_223] in [0] : vector<16xf32>, vector<16xi32> -> vector<16xf32>
        %get3A_225 = arith.index_cast %add3A_217 : i32 to index
        %get3A_226 = arith.constant 16 : index
        %get3A_227 = tpu.vector_load %arg15[%get3A_225, %get3A_226] {strides = array<i32>} : memref<40x128xf32, #tpu.memory_space<vmem>>, vector<1x16xf32>,
        %get3A_228 = vector.shape_cast %get3A_227 : vector<1x16xf32> to vector<16xf32>
        %broadcast_in_dim3A_229 = vector.shape_cast %add3A_10 : vector<16xi32> to vector<16x1xi32>
        %gather3A_230 = vector.shape_cast %broadcast_in_dim3A_229 : vector<16x1xi32> to vector<16xi32>
        %gather3A_231 = tpu.dynamic_gather %get3A_228[%gather3A_230] in [0] : vector<16xf32>, vector<16xi32> -> vector<16xf32>
        %add3A_232 = arith.addf %gather3A_224, %gather3A_231 : vector<16xf32>
        %ge3A_233 = arith.constant 0.000000e+00 : f32
        %ge3A_234 = vector.broadcast %ge3A_233 : f32 to vector<16xf32>
        %ge3A_235 = arith.cmpf oge, %add3A_232, %ge3A_234 : vector<16xf32>
        %mul3A_236 = arith.constant 2.000000e-01 : f32
        %mul3A_237 = vector.broadcast %mul3A_236 : f32 to vector<16xf32>
        %mul3A_238 = arith.mulf %add3A_232, %mul3A_237 : vector<16xf32>
        %select_n3A_239 = arith.select %ge3A_235, %add3A_232, %mul3A_238 : vector<16xi1>, vector<16xf32>
        %exp3A_240 = math.exp %select_n3A_239 : vector<16xf32>
        %get3A_241 = arith.index_cast %add3A_217 : i32 to index
        %get3A_242 = arith.constant 0 : index
        %get3A_243 = tpu.vector_load %arg14[%get3A_241, %get3A_242] {strides = array<i32>} : memref<40x128xf32, #tpu.memory_space<vmem>>, vector<1x16xf32>,
        %get3A_244 = vector.shape_cast %get3A_243 : vector<1x16xf32> to vector<16xf32>
        %mul3A_245 = arith.mulf %get3A_244, %exp3A_240 : vector<16xf32>
        %swap3A_246 = arith.index_cast %add3A_217 : i32 to index
        %swap3A_247 = arith.constant 0 : index
        %swap3A_248 = tpu.vector_load %arg16[%swap3A_246, %swap3A_247] {strides = array<i32>} : memref<40x32xf32, #tpu.memory_space<vmem>>, vector<1x16xf32>,
        %swap3A_249 = vector.shape_cast %swap3A_248 : vector<1x16xf32> to vector<16xf32>
        %swap3A_250 = vector.shape_cast %mul3A_245 : vector<16xf32> to vector<1x16xf32>
        tpu.vector_store %arg16[%swap3A_246, %swap3A_247], %swap3A_250 {strides = array<i32>} : memref<40x32xf32, #tpu.memory_space<vmem>>, vector<1x16xf32>,
        %jit3A_251 = arith.constant 0.000000e+00 : f32
        %broadcast_in_dim3A_252 = vector.broadcast %jit3A_251 : f32 to vector<16xf32>
        %select_n3A_253 = arith.select %eq3A_6, %exp3A_240, %broadcast_in_dim3A_252 : vector<16xi1>, vector<16xf32>
        %swap3A_254 = arith.index_cast %add3A_217 : i32 to index
        %swap3A_255 = arith.constant 16 : index
        %swap3A_256 = tpu.vector_load %arg16[%swap3A_254, %swap3A_255] {strides = array<i32>} : memref<40x32xf32, #tpu.memory_space<vmem>>, vector<1x16xf32>,
        %swap3A_257 = vector.shape_cast %swap3A_256 : vector<1x16xf32> to vector<16xf32>
        %swap3A_258 = vector.shape_cast %select_n3A_253 : vector<16xf32> to vector<1x16xf32>
        tpu.vector_store %arg16[%swap3A_254, %swap3A_255], %swap3A_258 {strides = array<i32>} : memref<40x32xf32, #tpu.memory_space<vmem>>, vector<1x16xf32>,
        %scan3A_259 = arith.constant 0 : i32
        scf.yield %scan3A_259 : i32
      }
      %scan3A_82 = arith.constant 10 : i32
      "tpu.region"() ({
        %run_scoped3A = tpu.sem_alloc : memref<!tpu.dma_semaphore, #tpu.memory_space<semaphore_mem>>
        %dma_start3A_84 = arith.constant 0 : i32
        %dma_start3A_85 = arith.constant 0 : i32
        %dma_start3A_86 = tpu.memref_slice %arg7[%dma_start3A_84, %dma_start3A_85] : memref<10240x32xf32, #tpu.memory_space<vmem_shared>> -> memref<10240x32xf32, #tpu.memory_space<vmem_shared>>
        tpu.enqueue_indirect_dma source(%arg16 : memref<40x32xf32, #tpu.memory_space<vmem>>) target(%dma_start3A_86 : memref<10240x32xf32, #tpu.memory_space<vmem_shared>>) offsets(%arg11 : memref<40xi32, #tpu.memory_space<vmem>>) semaphore(%run_scoped3A : memref<!tpu.dma_semaphore, #tpu.memory_space<semaphore_mem>>) {add = true}
        %dma_wait3A_87 = arith.constant 0 : i32
        %dma_wait3A_88 = arith.constant 0 : i32
        %dma_wait3A_89 = tpu.memref_slice %arg7[%dma_wait3A_87, %dma_wait3A_88] : memref<10240x32xf32, #tpu.memory_space<vmem_shared>> -> memref<10240x32xf32, #tpu.memory_space<vmem_shared>>
        tpu.wait_indirect_dma semaphore(%run_scoped3A : memref<!tpu.dma_semaphore, #tpu.memory_space<semaphore_mem>>) src(%arg16 : memref<40x32xf32, #tpu.memory_space<vmem>>) dst(%dma_wait3A_89 : memref<10240x32xf32, #tpu.memory_space<vmem_shared>>)
        tpu.yield
      }) : () -> ()
      %scan3A_83 = arith.constant 0 : i32
      scf.yield %scan3A_83 : i32
    }
    %scan3A_23 = arith.constant 125 : i32
    %dma_wait3A = arith.constant 0 : i32
    %dma_wait3A_24 = arith.constant 0 : i32
    %dma_wait3A_25 = tpu.memref_slice %arg4[%dma_wait3A, %dma_wait3A_24] : memref<10000x128xf32, #tpu.memory_space<hbm>> -> memref<10000x128xf32, #tpu.memory_space<hbm>>
    tpu.wait_indirect_dma semaphore(%arg17 : memref<!tpu.dma_semaphore, #tpu.memory_space<semaphore_mem>>) src(%dma_wait3A_25 : memref<10000x128xf32, #tpu.memory_space<hbm>>) dst(%arg12 : memref<40x128xf32, #tpu.memory_space<vmem>>)
    %dma_wait3A_26 = arith.constant 0 : i32
    %dma_wait3A_27 = arith.constant 0 : i32
    %dma_wait3A_28 = tpu.memref_slice %arg4[%dma_wait3A_26, %dma_wait3A_27] : memref<10000x128xf32, #tpu.memory_space<hbm>> -> memref<10000x128xf32, #tpu.memory_space<hbm>>
    tpu.wait_indirect_dma semaphore(%arg17 : memref<!tpu.dma_semaphore, #tpu.memory_space<semaphore_mem>>) src(%dma_wait3A_28 : memref<10000x128xf32, #tpu.memory_space<hbm>>) dst(%arg13 : memref<40x128xf32, #tpu.memory_space<vmem>>)
    %barrier3A_29 = arith.constant 0 : index
    tpu.barrier barrier_id(%barrier3A_29)
    "tpu.region"() ({
      %run_scoped3A = tpu.sem_alloc : memref<!tpu.dma_semaphore, #tpu.memory_space<semaphore_mem>>
      %dma_start3A_30 = arith.constant 0 : i32
      %dma_start3A_31 = tpu.memref_slice %arg6[%arg0, %mul3A_2, %dma_start3A_30] : memref<2x10240x32xf32, #tpu.memory_space<hbm>> -> memref<1x640x32xf32, #tpu.memory_space<hbm>>
      %dma_start3A_32 = tpu.memref_squeeze %dma_start3A_31 : memref<1x640x32xf32, #tpu.memory_space<hbm>> -> memref<640x32xf32, #tpu.memory_space<hbm>>
      %dma_start3A_33 = arith.constant 0 : i32
      %dma_start3A_34 = tpu.memref_slice %arg7[%mul3A_2, %dma_start3A_33] : memref<10240x32xf32, #tpu.memory_space<vmem_shared>> -> memref<640x32xf32, #tpu.memory_space<vmem_shared>>
      tpu.enqueue_dma source(%dma_start3A_34 : memref<640x32xf32, #tpu.memory_space<vmem_shared>>) target(%dma_start3A_32 : memref<640x32xf32, #tpu.memory_space<hbm>>) target_semaphore(%run_scoped3A : memref<!tpu.dma_semaphore, #tpu.memory_space<semaphore_mem>>)
      %dma_wait3A_35 = arith.constant 0 : i32
      %dma_wait3A_36 = tpu.memref_slice %arg6[%arg0, %mul3A_2, %dma_wait3A_35] : memref<2x10240x32xf32, #tpu.memory_space<hbm>> -> memref<1x640x32xf32, #tpu.memory_space<hbm>>
      %dma_wait3A_37 = tpu.memref_squeeze %dma_wait3A_36 : memref<1x640x32xf32, #tpu.memory_space<hbm>> -> memref<640x32xf32, #tpu.memory_space<hbm>>
      %dma_wait3A_38 = arith.constant 0 : i32
      %dma_wait3A_39 = tpu.memref_slice %arg7[%mul3A_2, %dma_wait3A_38] : memref<10240x32xf32, #tpu.memory_space<vmem_shared>> -> memref<640x32xf32, #tpu.memory_space<vmem_shared>>
      tpu.wait_dma2 semaphore(%run_scoped3A : memref<!tpu.dma_semaphore, #tpu.memory_space<semaphore_mem>>) src(%dma_wait3A_39 : memref<640x32xf32, #tpu.memory_space<vmem_shared>>) dst(%dma_wait3A_37 : memref<640x32xf32, #tpu.memory_space<hbm>>)
      tpu.yield
    }) : () -> ()
    return
  }
}

module attributes {stable_mosaic.version = 14 : i64} {
  func.func @_tc1_body(%arg0: i32, %arg1: memref<2000x128xf32, #tpu.memory_space<vmem>>, %arg2: memref<128x64xf32, #tpu.memory_space<vmem>>, %arg3: memref<64x8xf32, #tpu.memory_space<vmem>>, %arg4: memref<64x8xf32, #tpu.memory_space<vmem>>, %arg5: memref<2000x128xf32, #tpu.memory_space<vmem>>) attributes {dimension_semantics = [#tpu.dimension_semantics<arbitrary>], iteration_bounds = array<i64: 5>, scalar_prefetch = 0 : i64, scratch_operands = 0 : i64, tpu.core_type = #tpu.core_type<tc>, window_params = [{transform_indices = @transform_0, window_bounds = array<i64: 2000, 128>}, {pipeline_mode = #tpu.pipeline_mode<synchronous>, transform_indices = @transform_1, window_bounds = array<i64: 128, 64>}, {pipeline_mode = #tpu.pipeline_mode<synchronous>, transform_indices = @transform_2, window_bounds = array<i64: 64, 8>}, {pipeline_mode = #tpu.pipeline_mode<synchronous>, transform_indices = @transform_3, window_bounds = array<i64: 64, 8>}, {transform_indices = @transform_4, window_bounds = array<i64: 2000, 128>}]} {
    %get3A = arith.constant 0 : index
    %get3A_0 = arith.constant 0 : index
    %get3A_1 = vector.load %arg1[%get3A, %get3A_0] : memref<2000x128xf32, #tpu.memory_space<vmem>>, vector<2000x128xf32>
    %get3A_2 = arith.constant 0 : index
    %get3A_3 = arith.constant 0 : index
    %get3A_4 = vector.load %arg2[%get3A_2, %get3A_3] : memref<128x64xf32, #tpu.memory_space<vmem>>, vector<128x64xf32>
    %dot_general3A = arith.constant dense<0.000000e+00> : vector<2000x64xf32>
    %dot_general3A_5 = tpu.matmul %get3A_1, %get3A_4, %dot_general3A {dimension_numbers = #tpu.dot_dimension_numbers<[1], [0], [0], [1], [0, 0, 1, 1], [], []>, transpose_lhs_hint = false} : vector<2000x128xf32>, vector<128x64xf32>, vector<2000x64xf32> -> vector<2000x64xf32>
    %get3A_6 = arith.constant 0 : index
    %get3A_7 = arith.constant 0 : index
    %get3A_8 = vector.load %arg3[%get3A_6, %get3A_7] : memref<64x8xf32, #tpu.memory_space<vmem>>, vector<64x8xf32>
    %dot_general3A_9 = arith.constant dense<0.000000e+00> : vector<2000x8xf32>
    %dot_general3A_10 = tpu.matmul %dot_general3A_5, %get3A_8, %dot_general3A_9 {dimension_numbers = #tpu.dot_dimension_numbers<[1], [0], [0], [1], [0, 0, 1, 1], [], []>, transpose_lhs_hint = false} : vector<2000x64xf32>, vector<64x8xf32>, vector<2000x8xf32> -> vector<2000x8xf32>
    %get3A_11 = arith.constant 0 : index
    %get3A_12 = arith.constant 0 : index
    %get3A_13 = vector.load %arg4[%get3A_11, %get3A_12] : memref<64x8xf32, #tpu.memory_space<vmem>>, vector<64x8xf32>
    %dot_general3A_14 = arith.constant dense<0.000000e+00> : vector<2000x8xf32>
    %dot_general3A_15 = tpu.matmul %dot_general3A_5, %get3A_13, %dot_general3A_14 {dimension_numbers = #tpu.dot_dimension_numbers<[1], [0], [0], [1], [0, 0, 1, 1], [], []>, transpose_lhs_hint = false} : vector<2000x64xf32>, vector<64x8xf32>, vector<2000x8xf32> -> vector<2000x8xf32>
    %broadcast_in_dim3A = arith.constant 0.000000e+00 : f32
    %broadcast_in_dim3A_16 = vector.broadcast %broadcast_in_dim3A : f32 to vector<2000x48xf32>
    %concatenate3A = tpu.concatenate %dot_general3A_5, %dot_general3A_10, %dot_general3A_15, %broadcast_in_dim3A_16 in 1 : vector<2000x64xf32>, vector<2000x8xf32>, vector<2000x8xf32>, vector<2000x48xf32> -> vector<2000x128xf32>
    %swap3A = arith.constant 0 : index
    %swap3A_17 = arith.constant 0 : index
    %swap3A_18 = vector.load %arg5[%swap3A, %swap3A_17] : memref<2000x128xf32, #tpu.memory_space<vmem>>, vector<2000x128xf32>
    tpu.vector_store %arg5[%swap3A, %swap3A_17], %concatenate3A {strides = array<i32>} : memref<2000x128xf32, #tpu.memory_space<vmem>>, vector<2000x128xf32>,
    return
  }
  func.func @transform_0(%arg0: i32) -> (i32, i32) {
    %c0_i32 = arith.constant 0 : i32
    %c0_i32_0 = arith.constant 0 : i32
    return %arg0, %c0_i32 : i32, i32
  }
  func.func @transform_1(%arg0: i32) -> (i32, i32) {
    %c0_i32 = arith.constant 0 : i32
    %c0_i32_0 = arith.constant 0 : i32
    %c0_i32_1 = arith.constant 0 : i32
    return %c0_i32, %c0_i32_0 : i32, i32
  }
  func.func @transform_2(%arg0: i32) -> (i32, i32) {
    %c0_i32 = arith.constant 0 : i32
    %c0_i32_0 = arith.constant 0 : i32
    %c0_i32_1 = arith.constant 0 : i32
    return %c0_i32, %c0_i32_0 : i32, i32
  }
  func.func @transform_3(%arg0: i32) -> (i32, i32) {
    %c0_i32 = arith.constant 0 : i32
    %c0_i32_0 = arith.constant 0 : i32
    %c0_i32_1 = arith.constant 0 : i32
    return %c0_i32, %c0_i32_0 : i32, i32
  }
  func.func @transform_4(%arg0: i32) -> (i32, i32) {
    %c0_i32 = arith.constant 0 : i32
    %c0_i32_0 = arith.constant 0 : i32
    return %arg0, %c0_i32 : i32, i32
  }
}

module attributes {stable_mosaic.version = 14 : i64} {
  func.func @_tc2_body(%arg0: i32, %arg1: memref<2x2000x72xf32, #tpu.memory_space<vmem>>, %arg2: memref<64x16xf32, #tpu.memory_space<vmem>>, %arg3: memref<16x16xf32, #tpu.memory_space<vmem>>, %arg4: memref<1x64xf32, #tpu.memory_space<vmem>>, %arg5: memref<2000x128xf32, #tpu.memory_space<vmem>>) attributes {dimension_semantics = [#tpu.dimension_semantics<arbitrary>], iteration_bounds = array<i64: 5>, scalar_prefetch = 0 : i64, scratch_operands = 0 : i64, tpu.core_type = #tpu.core_type<tc>, window_params = [{transform_indices = @transform_0, window_bounds = array<i64: 2, 2000, 72>}, {pipeline_mode = #tpu.pipeline_mode<synchronous>, transform_indices = @transform_1, window_bounds = array<i64: 64, 16>}, {pipeline_mode = #tpu.pipeline_mode<synchronous>, transform_indices = @transform_2, window_bounds = array<i64: 16, 16>}, {pipeline_mode = #tpu.pipeline_mode<synchronous>, transform_indices = @transform_3, window_bounds = array<i64: 1, 64>}, {transform_indices = @transform_4, window_bounds = array<i64: 2000, 128>}]} {
    %get3A = arith.constant 0 : index
    %get3A_0 = arith.constant 0 : index
    %get3A_1 = arith.constant 0 : index
    %get3A_2 = vector.load %arg1[%get3A, %get3A_0, %get3A_1] : memref<2x2000x72xf32, #tpu.memory_space<vmem>>, vector<1x2000x72xf32>
    %get3A_3 = vector.shape_cast %get3A_2 : vector<1x2000x72xf32> to vector<2000x72xf32>
    %get3A_4 = arith.constant 1 : index
    %get3A_5 = arith.constant 0 : index
    %get3A_6 = arith.constant 0 : index
    %get3A_7 = vector.load %arg1[%get3A_4, %get3A_5, %get3A_6] : memref<2x2000x72xf32, #tpu.memory_space<vmem>>, vector<1x2000x72xf32>
    %get3A_8 = vector.shape_cast %get3A_7 : vector<1x2000x72xf32> to vector<2000x72xf32>
    %add3A = arith.addf %get3A_3, %get3A_8 : vector<2000x72xf32>
    %slice3A = vector.extract_strided_slice %add3A {offsets = [0, 0], sizes = [2000, 8], strides = [1, 1]} : vector<2000x72xf32> to vector<2000x8xf32>
    %slice3A_9 = vector.extract_strided_slice %add3A {offsets = [0, 8], sizes = [2000, 64], strides = [1, 1]} : vector<2000x72xf32> to vector<2000x64xf32>
    %broadcast_in_dim3A = vector.shape_cast %slice3A : vector<2000x8xf32> to vector<2000x8x1xf32>
    %broadcast_in_dim3A_10 = vector.shape_cast %broadcast_in_dim3A : vector<2000x8x1xf32> to vector<2000x8x1xf32>
    %broadcast_in_dim3A_11 = vector.broadcast %broadcast_in_dim3A_10 : vector<2000x8x1xf32> to vector<2000x8x8xf32>
    %reshape3A = vector.shape_cast %broadcast_in_dim3A_11 : vector<2000x8x8xf32> to vector<2000x64xf32>
    %add3A_12 = arith.constant 1.000000e-16 : f32
    %add3A_13 = vector.broadcast %add3A_12 : f32 to vector<2000x64xf32>
    %add3A_14 = arith.addf %reshape3A, %add3A_13 : vector<2000x64xf32>
    %div3A = arith.divf %slice3A_9, %add3A_14 : vector<2000x64xf32>
    %get3A_15 = arith.constant 0 : index
    %get3A_16 = arith.constant 0 : index
    %get3A_17 = vector.load %arg4[%get3A_15, %get3A_16] : memref<1x64xf32, #tpu.memory_space<vmem>>, vector<1x64xf32>
    %add3A_18 = vector.broadcast %get3A_17 : vector<1x64xf32> to vector<2000x64xf32>
    %add3A_19 = arith.addf %div3A, %add3A_18 : vector<2000x64xf32>
    %gt3A = arith.constant 0.000000e+00 : f32
    %gt3A_20 = vector.broadcast %gt3A : f32 to vector<2000x64xf32>
    %gt3A_21 = arith.cmpf ogt, %add3A_19, %gt3A_20 : vector<2000x64xf32>
    %exp3A = math.exp %add3A_19 : vector<2000x64xf32>
    %sub3A = arith.constant 1.000000e+00 : f32
    %sub3A_22 = vector.broadcast %sub3A : f32 to vector<2000x64xf32>
    %sub3A_23 = arith.subf %exp3A, %sub3A_22 : vector<2000x64xf32>
    %select_n3A = arith.select %gt3A_21, %add3A_19, %sub3A_23 : vector<2000x64xi1>, vector<2000x64xf32>
    %get3A_24 = arith.constant 0 : index
    %get3A_25 = arith.constant 0 : index
    %get3A_26 = vector.load %arg2[%get3A_24, %get3A_25] : memref<64x16xf32, #tpu.memory_space<vmem>>, vector<64x16xf32>
    %dot_general3A = arith.constant dense<0.000000e+00> : vector<2000x16xf32>
    %dot_general3A_27 = tpu.matmul %select_n3A, %get3A_26, %dot_general3A {dimension_numbers = #tpu.dot_dimension_numbers<[1], [0], [0], [1], [0, 0, 1, 1], [], []>, transpose_lhs_hint = false} : vector<2000x64xf32>, vector<64x16xf32>, vector<2000x16xf32> -> vector<2000x16xf32>
    %get3A_28 = arith.constant 0 : index
    %get3A_29 = arith.constant 0 : index
    %get3A_30 = vector.load %arg3[%get3A_28, %get3A_29] : memref<16x16xf32, #tpu.memory_space<vmem>>, vector<16x16xf32>
    %dot_general3A_31 = arith.constant dense<0.000000e+00> : vector<2000x16xf32>
    %dot_general3A_32 = tpu.matmul %dot_general3A_27, %get3A_30, %dot_general3A_31 {dimension_numbers = #tpu.dot_dimension_numbers<[1], [0], [0], [1], [0, 0, 1, 1], [], []>, transpose_lhs_hint = false} : vector<2000x16xf32>, vector<16x16xf32>, vector<2000x16xf32> -> vector<2000x16xf32>
    %broadcast_in_dim3A_33 = arith.constant 0.000000e+00 : f32
    %broadcast_in_dim3A_34 = vector.broadcast %broadcast_in_dim3A_33 : f32 to vector<2000x96xf32>
    %concatenate3A = tpu.concatenate %dot_general3A_27, %dot_general3A_32, %broadcast_in_dim3A_34 in 1 : vector<2000x16xf32>, vector<2000x16xf32>, vector<2000x96xf32> -> vector<2000x128xf32>
    %swap3A = arith.constant 0 : index
    %swap3A_35 = arith.constant 0 : index
    %swap3A_36 = vector.load %arg5[%swap3A, %swap3A_35] : memref<2000x128xf32, #tpu.memory_space<vmem>>, vector<2000x128xf32>
    tpu.vector_store %arg5[%swap3A, %swap3A_35], %concatenate3A {strides = array<i32>} : memref<2000x128xf32, #tpu.memory_space<vmem>>, vector<2000x128xf32>,
    return
  }
  func.func @transform_0(%arg0: i32) -> (i32, i32, i32) {
    %c0_i32 = arith.constant 0 : i32
    %c0_i32_0 = arith.constant 0 : i32
    %c0_i32_1 = arith.constant 0 : i32
    return %c0_i32, %arg0, %c0_i32_0 : i32, i32, i32
  }
  func.func @transform_1(%arg0: i32) -> (i32, i32) {
    %c0_i32 = arith.constant 0 : i32
    %c0_i32_0 = arith.constant 0 : i32
    %c0_i32_1 = arith.constant 0 : i32
    return %c0_i32, %c0_i32_0 : i32, i32
  }
  func.func @transform_2(%arg0: i32) -> (i32, i32) {
    %c0_i32 = arith.constant 0 : i32
    %c0_i32_0 = arith.constant 0 : i32
    %c0_i32_1 = arith.constant 0 : i32
    return %c0_i32, %c0_i32_0 : i32, i32
  }
  func.func @transform_3(%arg0: i32) -> (i32, i32) {
    %c0_i32 = arith.constant 0 : i32
    %c0_i32_0 = arith.constant 0 : i32
    %c0_i32_1 = arith.constant 0 : i32
    return %c0_i32, %c0_i32_0 : i32, i32
  }
  func.func @transform_4(%arg0: i32) -> (i32, i32) {
    %c0_i32 = arith.constant 0 : i32
    %c0_i32_0 = arith.constant 0 : i32
    return %arg0, %c0_i32 : i32, i32
  }
}

module attributes {stable_mosaic.version = 14 : i64} {
  func.func @_tc3_body(%arg0: i32, %arg1: memref<2x2000x32xf32, #tpu.memory_space<vmem>>, %arg2: memref<1x16xf32, #tpu.memory_space<vmem>>, %arg3: memref<2000x16xf32, #tpu.memory_space<vmem>>) attributes {dimension_semantics = [#tpu.dimension_semantics<arbitrary>], iteration_bounds = array<i64: 5>, scalar_prefetch = 0 : i64, scratch_operands = 0 : i64, tpu.core_type = #tpu.core_type<tc>, window_params = [{transform_indices = @transform_0, window_bounds = array<i64: 2, 2000, 32>}, {pipeline_mode = #tpu.pipeline_mode<synchronous>, transform_indices = @transform_1, window_bounds = array<i64: 1, 16>}, {transform_indices = @transform_2, window_bounds = array<i64: 2000, 16>}]} {
    %get3A = arith.constant 0 : index
    %get3A_0 = arith.constant 0 : index
    %get3A_1 = arith.constant 0 : index
    %get3A_2 = vector.load %arg1[%get3A, %get3A_0, %get3A_1] : memref<2x2000x32xf32, #tpu.memory_space<vmem>>, vector<1x2000x32xf32>
    %get3A_3 = vector.shape_cast %get3A_2 : vector<1x2000x32xf32> to vector<2000x32xf32>
    %get3A_4 = arith.constant 1 : index
    %get3A_5 = arith.constant 0 : index
    %get3A_6 = arith.constant 0 : index
    %get3A_7 = vector.load %arg1[%get3A_4, %get3A_5, %get3A_6] : memref<2x2000x32xf32, #tpu.memory_space<vmem>>, vector<1x2000x32xf32>
    %get3A_8 = vector.shape_cast %get3A_7 : vector<1x2000x32xf32> to vector<2000x32xf32>
    %add3A = arith.addf %get3A_3, %get3A_8 : vector<2000x32xf32>
    %slice3A = vector.extract_strided_slice %add3A {offsets = [0, 0], sizes = [2000, 16], strides = [1, 1]} : vector<2000x32xf32> to vector<2000x16xf32>
    %slice3A_9 = vector.extract_strided_slice %add3A {offsets = [0, 16], sizes = [2000, 1], strides = [1, 1]} : vector<2000x32xf32> to vector<2000x1xf32>
    %add3A_10 = arith.constant 1.000000e-16 : f32
    %add3A_11 = vector.broadcast %add3A_10 : f32 to vector<2000x1xf32>
    %add3A_12 = arith.addf %slice3A_9, %add3A_11 : vector<2000x1xf32>
    %div3A = vector.broadcast %add3A_12 : vector<2000x1xf32> to vector<2000x16xf32>
    %div3A_13 = arith.divf %slice3A, %div3A : vector<2000x16xf32>
    %get3A_14 = arith.constant 0 : index
    %get3A_15 = arith.constant 0 : index
    %get3A_16 = vector.load %arg2[%get3A_14, %get3A_15] : memref<1x16xf32, #tpu.memory_space<vmem>>, vector<1x16xf32>
    %add3A_17 = vector.broadcast %get3A_16 : vector<1x16xf32> to vector<2000x16xf32>
    %add3A_18 = arith.addf %div3A_13, %add3A_17 : vector<2000x16xf32>
    %reduce_max3A = arith.constant dense<0xFF800000> : vector<2000xf32>
    %reduce_max3A_19 = vector.multi_reduction <maximumf>, %add3A_18, %reduce_max3A [1] : vector<2000x16xf32> to vector<2000xf32>
    %broadcast_in_dim3A = vector.shape_cast %reduce_max3A_19 : vector<2000xf32> to vector<2000x1xf32>
    %sub3A = vector.broadcast %broadcast_in_dim3A : vector<2000x1xf32> to vector<2000x16xf32>
    %sub3A_20 = arith.subf %add3A_18, %sub3A : vector<2000x16xf32>
    %exp3A = math.exp %sub3A_20 : vector<2000x16xf32>
    %sub3A_21 = vector.broadcast %broadcast_in_dim3A : vector<2000x1xf32> to vector<2000x16xf32>
    %sub3A_22 = arith.subf %add3A_18, %sub3A_21 : vector<2000x16xf32>
    %reduce_sum3A = arith.constant dense<0.000000e+00> : vector<2000xf32>
    %reduce_sum3A_23 = vector.multi_reduction <add>, %exp3A, %reduce_sum3A [1] : vector<2000x16xf32> to vector<2000xf32>
    %broadcast_in_dim3A_24 = vector.shape_cast %reduce_sum3A_23 : vector<2000xf32> to vector<2000x1xf32>
    %log3A = math.log %broadcast_in_dim3A_24 : vector<2000x1xf32>
    %sub3A_25 = vector.broadcast %log3A : vector<2000x1xf32> to vector<2000x16xf32>
    %sub3A_26 = arith.subf %sub3A_22, %sub3A_25 : vector<2000x16xf32>
    %swap3A = arith.constant 0 : index
    %swap3A_27 = arith.constant 0 : index
    %swap3A_28 = vector.load %arg3[%swap3A, %swap3A_27] : memref<2000x16xf32, #tpu.memory_space<vmem>>, vector<2000x16xf32>
    tpu.vector_store %arg3[%swap3A, %swap3A_27], %sub3A_26 {strides = array<i32>} : memref<2000x16xf32, #tpu.memory_space<vmem>>, vector<2000x16xf32>,
    return
  }
  func.func @transform_0(%arg0: i32) -> (i32, i32, i32) {
    %c0_i32 = arith.constant 0 : i32
    %c0_i32_0 = arith.constant 0 : i32
    %c0_i32_1 = arith.constant 0 : i32
    return %c0_i32, %arg0, %c0_i32_0 : i32, i32, i32
  }
  func.func @transform_1(%arg0: i32) -> (i32, i32) {
    %c0_i32 = arith.constant 0 : i32
    %c0_i32_0 = arith.constant 0 : i32
    %c0_i32_1 = arith.constant 0 : i32
    return %c0_i32, %c0_i32_0 : i32, i32
  }
  func.func @transform_2(%arg0: i32) -> (i32, i32) {
    %c0_i32 = arith.constant 0 : i32
    %c0_i32_0 = arith.constant 0 : i32
    return %arg0, %c0_i32 : i32, i32
  }
}

</mosaic_0001>

<sc_bundles>
// kernel: kernel.10.cloned.1.call-start
scs
__scs_entry_jumppad:
0x0: {  	(pc) =	sbr.rel $0x88, $3  }
0x1: {  	(tag) =	ssettag $0x0;
	lr =	simm.s32 $0x1  }
0x2: {  	[smem:$0x3F97] =	sst lr;
	_ =	strace $0xD0000000  }
0x3: {  	_ = 	snop  }
0x4: {  	_ = 	snop  }
0x5: {  	_ = 	snop  }
0x6: {  	_ = 	snop  }
0x7: {  	_ = 	snop  }
__scs_overlays_trampoline_lowered:
0x8: {  	[smem:$0x3FA6] =	sst s0  }
0x9: {  	[smem:$0x3FA7] =	sst s1  }
0xa: {  	[smem:$0x3FA8] =	sst s2  }
0xb: {  	[smem:$0x3FA9] =	sst s3  }
0xc: {  	[smem:$0x3FAA] =	sst s4  }
0xd: {  	[smem:$0x3FAB] =	sst s5  }
0xe: {  	[smem:$0x3FAC] =	sst s6  }
0xf: {  	[smem:$0x3FAD] =	sst s7  }
0x10: {  	[smem:$0x3FAE] =	sst s8  }
0x11: {  	[smem:$0x3FAF] =	sst s9;
	s0 =	simm.s32 @!p0 $0x0  }
0x12: {  	s1 =	sld [smem:$0x3F95];
	s0 =	simm.s32 @p0 $0x1  }
0x13: {  	[smem:$0x3FB0] =	sst s0;
	s0 =	simm.s32 @!p1 $0x0  }
0x14: {  	s2 =	sld [smem:$0x3F94];
	s0 =	simm.s32 @p1 $0x1  }
0x15: {  	[smem:$0x3FB1] =	sst s0;
	s0 =	simm.s32 @!p2 $0x0  }
0x16: {  	s3 =	sld [smem:$0x3FDB];
	s0 =	simm.s32 @p2 $0x1  }
0x17: {  	s4 =	simm.s32 $0x1BF5;
	[smem:$0x3FB3] =	sst s0  }
0x18: {  	s0 =	sld [smem:$0x3F96];
	_ =	swait.ge [sflag:s4], $0x0  }
0x19: {  	s7 =	sld [smem:$0x3F97]  }
0x1a: {  	s8 =	sadd.s32 $0xFFFFE003, lr  }
0x1b: {  	s9 =	sadd.s32 $0xFFFFFEF7, lr;
	s5 =	simm.s32 $0xFFFFFFFF;
	p2 =	slt.u32 s8, $0xFFFFF086  }
0x1c: {  	p1 =	slt.u32 s9, $0xF7A;
	s5 =	simm.s32 @!p2 $0x0  }
0x1d: {  	s5 =	simm.s32 @p1 $0x1;
	p0 =	seq.s32 s7, s2  }
0x1e: {  	s7 =	smul.u32 @!p0 $0xF7A, s2;
	p2 =	seq.s32 @!p0 s5, $0x0  }
0x1f: {  	s9 =	smul.u32 $0xF7A, s1;
	s8 =	simm.s32 @!p0 $0x1BF5;
	p2 =	por !p2, p0  }
0x20: {  	[sflag:s8] =	ssyncset.s32 @!p0 $0xFFFFF086;
	s6 =	sadd.s32 @!p0 s3, s7;
	s7 =	simm.s32 @!p0 $0x108  }
0x21: {  	s3 =	sadd.s32 s3, s9;
	s6 =	sadd.s32 @!p0 $0x88, s6;
	s7 =	simm.s32 @p2 $0x1082  }
0x22: {  	[simem:s7], [sflag:s8] =	dma.local @!p0 [hbm:s6], $0xF7A  }
0x23: {  	s9 =	sor.u32 $0xD0000000, s2;
	s6 =	simm.s32 $0x108;
	_ =	swait.ge @!p0 [sflag:s8], $0x0  }
0x24: {  	s3 =	sadd.s32 $0x88, s3;
	s6 =	simm.s32 @!p1 $0x1082;
	[sflag:s4] =	ssyncset.s32 $0xFFFFF086  }
0x25: {  	[simem:s6], [sflag:s4] =	dma.local [hbm:s3], $0xF7A  }
0x26: {  	[smem:$0x3F97] =	sst s1;
	(tag) =	ssettag s2;
	_ =	strace s9  }
0x27: {  	s1 =	sld [smem:$0x3FA7]  }
0x28: {  	s2 =	sld [smem:$0x3FA8]  }
0x29: {  	s4 =	sld [smem:$0x3FAA]  }
0x2a: {  	p0 =	seq.s32 s5, $0x0;
	s5 =	sld [smem:$0x3FAB]  }
0x2b: {  	s6 =	sld [smem:$0x3FAC]  }
0x2c: {  	s7 =	sld [smem:$0x3FAD]  }
0x2d: {  	s3 =	simm.s32 $0x108;
	s8 =	sld [smem:$0x3FAE]  }
0x2e: {  	s3 =	simm.s32 @!p0 $0x1082;
	s9 =	sld [smem:$0x3FAF]  }
0x2f: {  	lr =	sadd.s32 s0, s3;
	s0 =	sld [smem:$0x3FA6]  }
0x30: {  	s3 =	sld [smem:$0x3FA9]  }
0x31: {  	[smem:$0x3FB2] =	sst s10  }
0x32: {  	s10 =	sld [smem:$0x3FB0];
	_ =	sdelay $0x3  }
0x33: {  	p0 =	seq.s32 s10, $0x1;
	s10 =	sld [smem:$0x3FB2];
	_ =	sdelay $0x3  }
0x34: {  	[smem:$0x3FB2] =	sst s10  }
0x35: {  	s10 =	sld [smem:$0x3FB1];
	_ =	sdelay $0x3  }
0x36: {  	p1 =	seq.s32 s10, $0x1;
	s10 =	sld [smem:$0x3FB2];
	_ =	sdelay $0x3  }
0x37: {  	[smem:$0x3FB2] =	sst s10  }
0x38: {  	s10 =	sld [smem:$0x3FB3]  }
0x39: {  	_ = 	snop;
	(pc) =	sbr.ind lr, $3  }
0x3a: {  	_ = 	snop  }
0x3b: {  	_ = 	snop  }
0x3c: {  	p2 =	seq.s32 s10, $0x1;
	s10 =	sld [smem:$0x3FB2]  }
0x3d: {  	_ =	shalt  }
0x3e: {  	_ =	shalt  }
0x3f: {  	_ =	shalt  }
0x40: {  	_ =	shalt  }
0x41: {  	_ =	shalt  }
0x42: {  	_ =	shalt  }
0x43: {  	_ =	shalt  }
0x44: {  	_ =	shalt  }
0x45: {  	_ =	shalt  }
0x46: {  	_ =	shalt  }
0x47: {  	_ =	shalt  }
0x48: {  	_ =	shalt  }
0x49: {  	_ =	shalt  }
0x4a: {  	_ =	shalt  }
0x4b: {  	_ =	shalt  }
0x4c: {  	_ =	shalt  }
0x4d: {  	_ =	shalt  }
0x4e: {  	_ =	shalt  }
0x4f: {  	_ =	shalt  }
0x50: {  	_ =	shalt  }
0x51: {  	_ =	shalt  }
0x52: {  	_ =	shalt  }
0x53: {  	_ =	shalt  }
0x54: {  	_ =	shalt  }
0x55: {  	_ =	shalt  }
0x56: {  	_ =	shalt  }
0x57: {  	_ =	shalt  }
0x58: {  	_ =	shalt  }
0x59: {  	_ =	shalt  }
0x5a: {  	_ =	shalt  }
0x5b: {  	_ =	shalt  }
0x5c: {  	_ =	shalt  }
0x5d: {  	_ =	shalt  }
0x5e: {  	_ =	shalt  }
0x5f: {  	_ =	shalt  }
0x60: {  	_ =	shalt  }
0x61: {  	_ =	shalt  }
0x62: {  	_ =	shalt  }
0x63: {  	_ =	shalt  }
0x64: {  	_ =	shalt  }
0x65: {  	_ =	shalt  }
0x66: {  	_ =	shalt  }
0x67: {  	_ =	shalt  }
0x68: {  	_ =	shalt  }
0x69: {  	_ =	shalt  }
0x6a: {  	_ =	shalt  }
0x6b: {  	_ =	shalt  }
0x6c: {  	_ =	shalt  }
0x6d: {  	_ =	shalt  }
0x6e: {  	_ =	shalt  }
0x6f: {  	_ =	shalt  }
0x70: {  	_ =	shalt  }
0x71: {  	_ =	shalt  }
0x72: {  	_ =	shalt  }
0x73: {  	_ =	shalt  }
0x74: {  	_ =	shalt  }
0x75: {  	_ =	shalt  }
0x76: {  	_ =	shalt  }
0x77: {  	_ =	shalt  }
0x78: {  	_ =	shalt  }
0x79: {  	_ =	shalt  }
0x7a: {  	_ =	shalt  }
0x7b: {  	_ =	shalt  }
0x7c: {  	_ =	shalt  }
0x7d: {  	_ =	shalt  }
0x7e: {  	_ =	shalt  }
0x7f: {  	_ =	shalt  }
0x80: {  	_ =	shalt  }
0x81: {  	_ =	shalt  }
0x82: {  	_ =	shalt  }
0x83: {  	_ =	shalt  }
0x84: {  	_ =	shalt  }
0x85: {  	_ =	shalt  }
0x86: {  	_ =	shalt  }
0x87: {  	_ =	shalt  }
.Lfunc_end0:
.L_simem_size_0:
called_computation.1_lowered:
.L_overlay_start_0:
0x88: {  	s2 =	sld [smem:$0x3FD9]  }
0x89: {  	s3 =	sld [smem:$0x3FFE];
	_ =	sdelay $0x1  }
0x8a: {  	s1 =	srdreg.scid  }
0x8b: {  	s0 =	sand.u32 $0x1, s1  }
0x8c: {  	s16 =	sshll.u32 s0, $0xA;
	s2 =	sadd.s32 s3, s2  }
0x8d: {  	s2 =	sadd.s32 s2, s16  }
0x8e: {  	[smem:$0x3FBE] =	sst s2  }
0x8f: {  	_ = 	snop  }
0x90: {  	(tm) =	ssettm $0x1  }
0x91: {  	s17 =	sld [smem:$0x3FFB];
	_ =	sdelay $0x3  }
0x92: {  	_ =	strace s17  }
0x93: {  	s2 =	sld [smem:$0x3FFC];
	_ =	sdelay $0x3  }
0x94: {  	_ =	strace s2  }
0x95: {  	s2 =	sld [smem:$0x3FFD];
	_ =	sdelay $0x3  }
0x96: {  	_ =	strace s2  }
0x97: {  	_ =	strace $0x8FFFFFFF  }
0x98: {  	s18 =	sld [smem:$0x3FDB];
	_ =	sdelay $0x1  }
0x99: {  	s19 =	simm.s32 $_scs_section_size  }
0x9a: {  	s4 =	simm.s32 $_size__tile_overlayer_lowered;
	s5 =	simm.s32 $_tile_overlayer_lowered  }
0x9b: {  	s22 =	simm.s32 $0x1BFF;
	s21 =	sshll.u32 s5, $0x1;
	s2 =	sadd.s32 s19, s18  }
0x9c: {  	s6 =	simm.s32 $0x0;
	s20 =	sshll.u32 s4, $0x1;
	s4 =	sadd.s32 s21, s2  }
0x9d: {  	[timem:s6], [sflag:s22] =	dma.local [hbm:s4], s20  }
0x9e: {  	_ =	swait.ge [sflag:s22], s20  }
0x9f: {  	s3 =	ssub.s32 $0x0, s20;
	[sflag:s22] =	ssyncset.done $0x0  }
0xa0: {  	[sflag:s22] =	ssyncadd.s32 s3;
	_ =	sdelay $0x1  }
0xa1: {  	s23 =	simm.s32 $0x1B8B  }
0xa2: {  	_ =	swait.ge [sflag:s23], $0x1  }
0xa3: {  	[sflag:s23] =	ssyncset.done $0x0  }
0xa4: {  	s25 =	simm.s32 $0x1B8E;
	s24 =	sld [smem:$0x3FFE];
	[sflag:s23] =	ssyncadd.s32 $0xFFFFFFFF  }
0xa5: {  	s26 =	simm.s32 $execute0_lowered;
	[smem:$0x3FD2] =	sst s25  }
0xa6: {  	s4 =	sshll.u32 s26, $0x1;
	_ =	strace $0x80000049;
	[dreg:$0x1] =	wrdreg $0xFFFFFFFF  }
0xa7: {  	s28 =	simm.s32 $_size_execute0_lowered;
	s2 =	sadd.s32 s2, s4;
	[dreg:$0x0] =	wrdreg $0x0  }
0xa8: {  	s4 =	sshll.u32 s28, $0x1;
	[dreg:$0x2] =	wrdreg s2  }
0xa9: {  	[dreg:$0x3] =	wrdreg s4  }
0xaa: {  	[dreg:$0x4] =	wrdreg $0xC0  }
0xab: {  	_ =	task [dreg:s6], $0x5FFFF  }
0xac: {  	[dreg:$0x1] =	wrdreg $0xFFFFFFFF  }
0xad: {  	[dreg:$0x0] =	wrdreg $0x60  }
0xae: {  	[dreg:$0x2] =	wrdreg s24  }
0xaf: {  	[dreg:$0x3] =	wrdreg $0x0  }
0xb0: {  	[dreg:$0x4] =	wrdreg $0x9  }
0xb1: {  	_ =	task.clear_ibuf [dreg:s6], $0x5FFFF;
	_ =	strace $0x90000049  }
0xb2: {  	s29 =	simm.s32 $0x9;
	_ =	strace $0x8000004B  }
0xb3: {  	_ =	swait.ge [sflag:s29], $0x1  }
0xb4: {  	[sflag:s29] =	ssyncadd.s32 $0xFFFFFFFF  }
0xb5: {  	_ =	strace $0x9000004B  }
0xb6: {  	_ =	sfence  }
0xb7: {  	s30 =	sld [smem:$0x0];
	_ =	sdelay $0x2  }
0xb8: {  	s31 =	sshll.u32 s1, $0xD;
	s1 =	sshrl.u32 s1, $0x2  }
0xb9: {  	s3 =	sand.u32 $0x4000, s31;
	s1 =	sadd.s32 s1, s30  }
0xba: {  	s0 =	sor.u32 s3, s0;
	s1 =	sshll.u32 s1, $0x11  }
0xbb: {  	s0 =	sor.u32 s1, s0  }
0xbc: {  	s0 =	sadd.s32 $0x8F2B, s0  }
0xbd: {  	[sflag:s0] =	ssyncadd.remote.s32 $0x1  }
0xbe: {  	_ =	sfence.sel $0xFFFF  }
0xbf: {  	[dreg:$0x0] =	wrdreg $0xFFFFFFFF;
	(pc) =	sbr.abs _section_cstart, $3  }
0xc0: {  	[dreg:$0x1] =	wrdreg $0xFFFFFFFF  }
0xc1: {  	_ =	task.clear_ibuf [dreg:s6], $0x2FFFF;
	_ =	strace $0x9FFFFFFF  }
0xc2: {  	(tm) =	ssettm $0x7FFFFFFF  }
0xc3: {  	_ =	shalt  }
tec
execute0_lowered:
.L_overlay_start_1:
0x0: {  	(tag) =	ssettag $0x1  }
0x1: {  	s0 =	rddreg [dreg:$0x0]  }
0x2: {  	s2 =	rddreg [dreg:$0x1];
	s1 =	simm.s32 $0x0  }
0x3: {  	s11 =	stileid.u32;
	s3 =	srdreg.scid;
	s16 =	simm.s32 $0x2  }
0x4: {  	s17 =	simm.s32 $0x5000;
	s18 =	simm.s32 $0x5080;
	s19 =	simm.s32 $0x28  }
0x5: {  	s20 =	simm.s32 $0x5200;
	s21 =	simm.s32 $0x6600;
	s22 =	simm.s32 $0x5100  }
0x6: {  	s28 =	simm.s32 $0xA200;
	s29 =	simm.s32 $0x0;
	[smem:$0x7FF] =	sst s1  }
0x7: {  	s23 =	smul.u32 $0x14000, s11;
	s3 =	sand.u32 $0x1, s3;
	s4 =	sadd.s32 $0xB400, s0  }
0x8: {  	s5 =	sadd.s32 $0x1600, s0;
	s6 =	sadd.s32 $0x15200, s0;
	s24 =	sshll.u32 s11, $0x1  }
0x9: {  	s9 =	smul.u32 $0x50000, s11;
	s30 =	sshll.u32 s11, $0x6;
	_ =	strace $0x8000004A  }
0xa: {  	s8 =	smul.u32 $0x140000, s3;
	s10 =	ssub.s32 $0x2, s3;
	s3 =	sor.u32 s3, s24  }
0xb: {  	s24 =	simm.s32 $0x7A00;
	s7 =	sshrl.u32 s23, $0x3;
	s25 =	sshrl.u32 s10, $0x1  }
0xc: {  	s3 =	smul.u32 $0x2710, s3;
	s9 =	sshrl.u32 s9, $0x2;
	s7 =	sadd.s32 s7, s0  }
0xd: {  	s1 =	sadd.s32 s23, s8;
	s26 =	ssub.s32 s10, s25;
	s15 =	sadd.s32 s9, s2  }
0xe: {  	s8 =	sor.u32 $0x1C02, s30;
	s23 =	simm.s32 $0x5180;
	s25 =	simm.s32 $0x8E00  }
0xf: {  	s1 =	sshrl.u32 s1, $0x3;
	s7 =	sadd.s32 $0x3C400, s7;
	s31 =	sshrl.u32 s3, $0x3  }
0x10: {  	s11 =	sadd.s32 $0x28, s3;
	s12 =	sadd.s32 $0x50, s3;
	s14 =	smax.u32 s26, $0x1  }
0x11: {  	s15 =	sshrl.u32 s15, $0x3;
	s26 =	simm.s32 $0x1;
	s0 =	sadd.s32 s1, s0  }
0x12: {  	v0 =	vimm.s32 $0x0;
	v1 =	vimm.s32 $0x1;
	vm0 =	vmmov $0x1;
	s9 =	sadd.s32 s4, s31;
	s10 =	sadd.s32 s5, s31;
	s13 =	sadd.s32 $0x64400, s0  }
.LBB2_1:
0x13: {  	[spmem:s15], [sflag:s8] =	dma.local [hbm:s7], $0x2800  }
0x14: {  	_ =	swait.ge [sflag:s16], $0x2800  }
0x15: {  	[sflag:s16] =	ssyncset.done $0x0  }
0x16: {  	[sflag:s16] =	ssyncadd.s32 $0xFFFFD800  }
0x17: {  	s0 =	simm.s32 $0x0;
	[bflag:$0x0] =	sbarrier.arrive $0xFFFF  }
0x18: {  	[tilespmem:s17], [sflag:$0x2] =	stream.linear.gather [hbm4b:s9+s0], $0x28, $0x38;
	[tilespmem:$0xB600] =	vst v63  }
0x19: {  	_ =	swait.ge [sflag:s16], $0x28  }
0x1a: {  	[sflag:s16] =	ssyncset.done $0x0  }
0x1b: {  	[sflag:s16] =	ssyncadd.s32 $0xFFFFFFD8  }
0x1c: {  	[tilespmem:s18], [sflag:$0x2] =	stream.linear.gather [hbm4b:s10+s0], $0x28, $0x38;
	[tilespmem:$0xB600] =	vst v63  }
0x1d: {  	_ =	swait.ge [sflag:s16], $0x28  }
0x1e: {  	[sflag:s16] =	ssyncset.done $0x0  }
0x1f: {  	[sflag:s16] =	ssyncadd.s32 $0xFFFFFFD8  }
0x20: {  	[tilespmem:s20], [sflag:$0x1] =	stream.indirect.gather [hbm4b:s6+s19], $0x80, s17, s19, $0xb8;
	[tilespmem:$0xB600] =	vst v63  }
0x21: {  	s30 =	simm.s32 $0x0  }
0x22: {  	[tilespmem:s21], [sflag:$0x1] =	stream.indirect.gather [hbm4b:s6+s19], $0x80, s18, s19, $0xb8;
	[tilespmem:$0xB600] =	vst v63  }
.LBB2_2:
0x23: {  	s0 =	smul.u32 $0x50, s30;
	_ =	sdelay $0x1  }
0x24: {  	s0 =	sadd.s32 s0, s11  }
0x25: {  	s0 =	sshrl.u32 s0, $0x3  }
0x26: {  	s3 =	simm.s32 $0x0;
	s1 =	sadd.s32 s4, s0  }
0x27: {  	[tilespmem:s22], [sflag:$0x2] =	stream.linear.gather [hbm4b:s1+s3], $0x28, $0x38;
	[tilespmem:$0xB600] =	vst v63  }
0x28: {  	_ =	swait.ge [sflag:s16], $0x28  }
0x29: {  	[sflag:s16] =	ssyncset.done $0x0  }
0x2a: {  	s0 =	sadd.s32 s5, s0;
	[sflag:s16] =	ssyncadd.s32 $0xFFFFFFD8  }
0x2b: {  	[tilespmem:s23], [sflag:$0x2] =	stream.linear.gather [hbm4b:s0+s3], $0x28, $0x38;
	[tilespmem:$0xB600] =	vst v63  }
0x2c: {  	_ =	swait.ge [sflag:s16], $0x28  }
0x2d: {  	[sflag:s16] =	ssyncset.done $0x0  }
0x2e: {  	[sflag:s16] =	ssyncadd.s32 $0xFFFFFFD8  }
0x2f: {  	[tilespmem:s24], [sflag:$0x1] =	stream.indirect.gather [hbm4b:s6+s19], $0x80, s22, s19, $0xb8;
	[tilespmem:$0xB600] =	vst v63  }
0x30: {  	_ = 	snop  }
0x31: {  	[tilespmem:s25], [sflag:$0x1] =	stream.indirect.gather [hbm4b:s6+s19], $0x80, s23, s19, $0xb8;
	[tilespmem:$0xB600] =	vst v63  }
0x32: {  	_ =	swait.ge [sflag:s26], $0x1400  }
0x33: {  	[sflag:s26] =	ssyncset.done $0x0  }
0x34: {  	[sflag:s26] =	ssyncadd.s32 $0xFFFFEC00  }
0x35: {  	_ =	swait.ge [sflag:s26], $0x1400  }
0x36: {  	[sflag:s26] =	ssyncset.done $0x0  }
0x37: {  	s0 =	simm.s32 $0x0;
	[sflag:s26] =	ssyncadd.s32 $0xFFFFEC00  }
0x38: {  	v2 =	vld [tilespmem:s0+$0x5390]  }
0x39: {  	v3 =	vld [tilespmem:s0+$0x6790];
	_ =	sdelay $0x2  }
0x3a: {  	v4 =	vld [tilespmem:s0+$0x5210]  }
0x3b: {  	v5 =	vld [tilespmem:s0+$0x6610]  }
0x3c: {  	v6 =	vld [tilespmem:s0+$0x5290];
	v2 =	vperm.xlane v2, v0;
	v3 =	vperm.xlane v3, v1  }
0x3d: {  	v7 =	vld [tilespmem:s0+$0x6690]  }
0x3e: {  	v8 =	vld [tilespmem:s0+$0x5310];
	v2 =	vadd.f32 v3, v2  }
0x3f: {  	v9 =	vld [tilespmem:s0+$0x6710];
	v3 =	vperm.xlane v4, v0  }
0x40: {  	v4 =	vperm.xlane v5, v1;
	v10 =	vmul.f32 $2.000000030e-01, v2  }
0x41: {  	v11 =	vperm.xlane v6, v0;
	vm1 =	vge.f32 v2, $0.0e+00  }
0x42: {  	s31 =	simm.s32 $0x200;
	v7 =	vperm.xlane v7, v1;
	v3 =	vadd.f32 v4, v3;
	v2 =	vsel vm1, v2, v10  }
0x43: {  	v12 =	vld [tilespmem:s31+$0x6790];
	v8 =	vperm.xlane v8, v0;
	v2 =	vmul.f32 $1.442695020e+00, v2  }
0x44: {  	v13 =	vld [tilespmem:s31+$0x5290];
	v9 =	vperm.xlane v9, v1;
	v7 =	vadd.f32 v7, v11;
	v11 =	vmul.f32 $2.000000030e-01, v3  }
0x45: {  	v10 =	vld [tilespmem:s31+$0x5390];
	vm1 =	vge.f32 v3, $0.0e+00;
	(erf) = vpow2.f32 v2  }
0x46: {  	v8 =	vadd.f32 v9, v8;
	v9 =	vld [tilespmem:s31+$0x5210];
	v3 =	vsel vm1, v3, v11;
	v2 =	vmul.f32 $2.000000030e-01, v7  }
0x47: {  	vm1 =	vge.f32 v7, $0.0e+00;
	v11 =	vld [tilespmem:s31+$0x6610];
	v3 =	vmul.f32 $1.442695020e+00, v3  }
0x48: {  	v14 =	vld [tilespmem:s31+$0x6690];
	v2 =	vsel vm1, v7, v2;
	v7 =	vmul.f32 $2.000000030e-01, v8  }
0x49: {  	v15 =	vld [tilespmem:s31+$0x6710];
	vm1 =	vge.f32 v8, $0.0e+00;
	(erf) = vpow2.f32 v3;
	v2 =	vmul.f32 $1.442695020e+00, v2  }
0x4a: {  	v3 =	vsel vm1, v8, v7;
	v7 =	vperm.xlane v10, v0;
	v8 =	vperm.xlane v12, v1;
	v10 =	vld [tilespmem:s0+$0x5380]  }
0x4b: {  	v9 =	vperm.xlane v9, v0;
	v12 =	vld [tilespmem:s31+$0x5310];
	v3 =	vmul.f32 $1.442695020e+00, v3  }
0x4c: {  	v6 =	vld [tilespmem:s0+$0x5280];
	v11 =	vperm.xlane v11, v1;
	(erf) = vpow2.f32 v2;
	v8 =	vadd.f32 v8, v7  }
0x4d: {  	v13 =	vperm.xlane v13, v0;
	v5 =	vld [tilespmem:s0+$0x5200];
	(erf) = vpow2.f32 v3  }
0x4e: {  	v7 =	vld [tilespmem:s31+$0x5200];
	v9 =	vadd.f32 v11, v9;
	v11 =	vperm.xlane v14, v1;
	v14 =	vmul.f32 $2.000000030e-01, v8;
	v16 =	vpop (erf)  }
0x4f: {  	v2 =	vld [tilespmem:s31+$0x5300];
	vm1 =	vge.f32 v8, $0.0e+00;
	v17 =	vmul.f32 v16, v10;
	v16 =	vnsel vm0, $0x0, v16  }
0x50: {  	v3 =	vld [tilespmem:s31+$0x5280];
	v10 =	vadd.f32 v11, v13;
	v11 =	vperm.xlane v12, v0;
	v8 =	vsel vm1, v8, v14;
	[tilespmem:s0+$0xA390] =	vst v16  }
0x51: {  	s1 =	simm.s32 $0x400;
	v4 =	vld [tilespmem:s0+$0x5300];
	vm1 =	vge.f32 v9, $0.0e+00;
	v13 =	vperm.xlane v15, v1;
	v12 =	vmul.f32 $1.442695020e+00, v8;
	[tilespmem:s0+$0xA380] =	vst v17  }
0x52: {  	s3 =	simm.s32 $0x1800;
	v15 =	vmul.f32 $2.000000030e-01, v9;
	vm2 =	vge.f32 v10, $0.0e+00;
	v14 =	vmul.f32 $2.000000030e-01, v10;
	v8 =	vld [tilespmem:s1+$0x5390];
	v16 =	vpop (erf)  }
.LBB2_3:
0x53: {  	p0 =	sne.s32 s3, $0x4800;
	v17 =	vld [tilespmem:s1+$0x6790];
	v11 =	vadd.f32 v13, v11;
	(erf) = vpow2.f32 v12;
	v18 =	vmul.f32 v16, v5;
	v5 =	vmovc v7  }
0x54: {  	v13 =	vnsel vm0, $0x0, v16;
	v7 =	vld [tilespmem:s1+$0x5210];
	v9 =	vsel vm1, v9, v15;
	v10 =	vsel vm2, v10, v14  }
0x55: {  	v14 =	vld [tilespmem:s1+$0x6610];
	v9 =	vmul.f32 $1.442695020e+00, v9;
	vm1 =	vge.f32 v11, $0.0e+00;
	v15 =	vmul.f32 $2.000000030e-01, v11;
	[tilespmem:s0+$0xA200] =	vst v18;
	v12 =	vpop (erf)  }
0x56: {  	v10 =	vmul.f32 $1.442695020e+00, v10;
	v16 =	vld [tilespmem:s1+$0x5290];
	[tilespmem:s0+$0xA210] =	vst v13;
	v13 =	vmul.f32 v12, v6;
	v19 =	vnsel vm0, $0x0, v12;
	v12 =	vpop (erf)  }
0x57: {  	v6 =	vmovc v3;
	v18 =	vld [tilespmem:s1+$0x6690];
	v11 =	vsel vm1, v11, v15;
	(erf) = vpow2.f32 v9;
	[tilespmem:s0+$0xA290] =	vst v19;
	v9 =	vmul.f32 v12, v4  }
0x58: {  	v3 =	vperm.xlane v8, v0;
	v12 =	vnsel vm0, $0x0, v12;
	v4 =	vmovc v2;
	v8 =	vperm.xlane v17, v1;
	v15 =	vld [tilespmem:s31+$0x5380];
	[tilespmem:s0+$0xA280] =	vst v13  }
0x59: {  	v11 =	vmul.f32 $1.442695020e+00, v11;
	v2 =	vperm.xlane v7, v0;
	v13 =	vld [tilespmem:s1+$0x5310];
	[tilespmem:s0+$0xA300] =	vst v9  }
0x5a: {  	v9 =	vperm.xlane v14, v1;
	v14 =	vld [tilespmem:s1+$0x6710];
	v8 =	vadd.f32 v8, v3;
	(erf) = vpow2.f32 v10;
	[tilespmem:s0+$0xA310] =	vst v12;
	s0 =	smov.u32 s31;
	s31 =	smov.u32 s1  }
0x5b: {  	v7 =	vld [tilespmem:s31+$0x5200];
	v10 =	vperm.xlane v16, v0;
	(erf) = vpow2.f32 v11  }
.Ltmp0:
0x5c: {  	v9 =	vadd.f32 v9, v2;
	v11 =	vperm.xlane v18, v1;
	v3 =	vld [tilespmem:s31+$0x5280];
	v12 =	vmul.f32 $2.000000030e-01, v8;
	v16 =	vpop (erf);
	(pc) =	sbr.rel @p0 .LBB2_3-.Ltmp0, $4  }
0x5d: {  	vm1 =	vge.f32 v8, $0.0e+00;
	v2 =	vld [tilespmem:s31+$0x5300];
	v15 =	vmul.f32 v16, v15;
	v16 =	vnsel vm0, $0x0, v16  }
0x5e: {  	v10 =	vadd.f32 v11, v10;
	v11 =	vperm.xlane v13, v0;
	v8 =	vsel vm1, v8, v12;
	[tilespmem:s0+$0xA390] =	vst v16  }
0x5f: {  	s1 =	sshra.s32 s3, $0x2;
	vm1 =	vge.f32 v9, $0.0e+00;
	v13 =	vperm.xlane v14, v1;
	v12 =	vmul.f32 $1.442695020e+00, v8;
	[tilespmem:s0+$0xA380] =	vst v15  }
0x60: {  	s3 =	sadd.s32 $0x800, s3;
	v15 =	vmul.f32 $2.000000030e-01, v9;
	v8 =	vld [tilespmem:s1+$0x5390];
	vm2 =	vge.f32 v10, $0.0e+00;
	v14 =	vmul.f32 $2.000000030e-01, v10;
	v16 =	vpop (erf)  }
0x61: {  	v17 =	vld [tilespmem:s1+$0x6790];
	v5 =	vmul.f32 v16, v5  }
0x62: {  	v18 =	vld [tilespmem:s1+$0x5210];
	v11 =	vadd.f32 v13, v11;
	v9 =	vsel vm1, v9, v15  }
0x63: {  	v19 =	vld [tilespmem:s1+$0x6610];
	[tilespmem:s0+$0xA200] =	vst v5;
	v5 =	vnsel vm0, $0x0, v16;
	v20 =	vpop (erf)  }
0x64: {  	(erf) = vpow2.f32 v12;
	v13 =	vmul.f32 $2.000000030e-01, v11;
	v16 =	vld [tilespmem:s1+$0x5290];
	[tilespmem:s0+$0xA210] =	vst v5;
	v5 =	vnsel vm0, $0x0, v20  }
0x65: {  	v10 =	vsel vm2, v10, v14;
	v6 =	vmul.f32 v20, v6;
	v21 =	vld [tilespmem:s1+$0x6690];
	[tilespmem:s0+$0xA290] =	vst v5;
	v5 =	vmul.f32 $1.442695020e+00, v9;
	v9 =	vpop (erf)  }
0x66: {  	vm1 =	vge.f32 v11, $0.0e+00;
	v8 =	vperm.xlane v8, v0;
	v4 =	vmul.f32 v9, v4  }
0x67: {  	v12 =	vld [tilespmem:s31+$0x5380];
	[tilespmem:s0+$0xA280] =	vst v6;
	v6 =	vmul.f32 $1.442695020e+00, v10;
	v10 =	vsel vm1, v11, v13;
	v11 =	vperm.xlane v17, v1  }
0x68: {  	v14 =	vperm.xlane v19, v1;
	(erf) = vpow2.f32 v5;
	v5 =	vld [tilespmem:s1+$0x5310];
	[tilespmem:s0+$0xA300] =	vst v4  }
0x69: {  	v10 =	vmul.f32 $1.442695020e+00, v10;
	v4 =	vperm.xlane v18, v0;
	v13 =	vld [tilespmem:s1+$0x6710]  }
0x6a: {  	v8 =	vadd.f32 v11, v8;
	(erf) = vpow2.f32 v6;
	v6 =	vnsel vm0, $0x0, v9  }
0x6b: {  	v9 =	vperm.xlane v16, v0;
	v11 =	vperm.xlane v21, v1;
	v4 =	vadd.f32 v14, v4  }
0x6c: {  	(erf) = vpow2.f32 v10;
	v10 =	vmul.f32 $2.000000030e-01, v8  }
0x6d: {  	vm1 =	vge.f32 v8, $0.0e+00;
	v9 =	vadd.f32 v11, v9;
	v11 =	vmul.f32 $2.000000030e-01, v4  }
0x6e: {  	v5 =	vperm.xlane v5, v0;
	v8 =	vsel vm1, v8, v10;
	v10 =	vperm.xlane v13, v1  }
0x6f: {  	[tilespmem:s0+$0xA310] =	vst v6;
	v6 =	vpop (erf);
	vm1 =	vge.f32 v4, $0.0e+00  }
0x70: {  	v14 =	vld [tilespmem:s1+$0x5280];
	v12 =	vmul.f32 v6, v12;
	v8 =	vmul.f32 $1.442695020e+00, v8;
	v5 =	vadd.f32 v10, v5  }
0x71: {  	v6 =	vnsel vm0, $0x0, v6;
	v13 =	vld [tilespmem:s1+$0x5200];
	v15 =	vmul.f32 $2.000000030e-01, v9;
	v4 =	vsel vm1, v4, v11;
	v11 =	vpop (erf)  }
0x72: {  	vm1 =	vge.f32 v9, $0.0e+00;
	v10 =	vld [tilespmem:s1+$0x5300];
	[tilespmem:s31+$0xA390] =	vst v6;
	v6 =	vmul.f32 v11, v7;
	v7 =	vmul.f32 $2.000000030e-01, v5  }
0x73: {  	(erf) = vpow2.f32 v8;
	v8 =	vsel vm1, v9, v15;
	vm1 =	vge.f32 v5, $0.0e+00  }
0x74: {  	v4 =	vmul.f32 $1.442695020e+00, v4;
	v5 =	vsel vm1, v5, v7  }
0x75: {  	v5 =	vmul.f32 $1.442695020e+00, v5  }
0x76: {  	[tilespmem:s31+$0xA380] =	vst v12;
	(erf) = vpow2.f32 v4;
	v8 =	vmul.f32 $1.442695020e+00, v8  }
0x77: {  	v4 =	vnsel vm0, $0x0, v11;
	[tilespmem:s31+$0xA200] =	vst v6;
	v6 =	vpop (erf)  }
0x78: {  	[tilespmem:s31+$0xA210] =	vst v4;
	(erf) = vpow2.f32 v8;
	v4 =	vnsel vm0, $0x0, v6  }
0x79: {  	[tilespmem:s31+$0xA290] =	vst v4;
	(erf) = vpow2.f32 v5;
	v5 =	vpop (erf)  }
0x7a: {  	v4 =	vld [tilespmem:s1+$0x5380];
	v2 =	vmul.f32 v5, v2  }
0x7b: {  	v3 =	vmul.f32 v6, v3;
	_ =	sdelay $0x1  }
0x7c: {  	[tilespmem:s31+$0xA280] =	vst v3  }
0x7d: {  	v3 =	vnsel vm0, $0x0, v5;
	[tilespmem:s31+$0xA300] =	vst v2;
	v2 =	vpop (erf)  }
0x7e: {  	[tilespmem:s31+$0xA310] =	vst v3;
	v3 =	vmul.f32 v2, v4;
	v2 =	vnsel vm0, $0x0, v2;
	v4 =	vpop (erf)  }
0x7f: {  	[tilespmem:s1+$0xA390] =	vst v2;
	v2 =	vmul.f32 v4, v13;
	_ =	sdelay $0x2  }
0x80: {  	[tilespmem:s1+$0xA380] =	vst v3  }
0x81: {  	v3 =	vnsel vm0, $0x0, v4;
	[tilespmem:s1+$0xA200] =	vst v2;
	v2 =	vpop (erf)  }
0x82: {  	[tilespmem:s1+$0xA210] =	vst v3;
	v3 =	vmul.f32 v2, v14;
	v2 =	vnsel vm0, $0x0, v2;
	v4 =	vpop (erf)  }
0x83: {  	[tilespmem:s1+$0xA290] =	vst v2;
	v2 =	vmul.f32 v4, v10  }
0x84: {  	s3 =	sshll.u32 s30, $0x1;
	[tilespmem:s1+$0xA280] =	vst v3  }
0x85: {  	s0 =	smin.u32 s3, $0xF7;
	v3 =	vnsel vm0, $0x0, v4;
	[tilespmem:s1+$0xA300] =	vst v2  }
0x86: {  	s0 =	smul.u32 $0x28, s0;
	[tilespmem:s1+$0xA310] =	vst v3  }
0x87: {  	[spmem:s2] =	stream.indirect.scatter.add.f32 [tilespmem:s28], [sflag:$0x2], $0x20, s18, s19, $0xb8;
	[tilespmem:$0xB600] =	vst v63  }
0x88: {  	s0 =	sadd.s32 s0, s12;
	_ =	swait.ge [sflag:s16], $0x500  }
0x89: {  	s0 =	sshrl.u32 s0, $0x3;
	[sflag:s16] =	ssyncset.done $0x0  }
0x8a: {  	s3 =	simm.s32 $0x0;
	s1 =	sadd.s32 s4, s0;
	[sflag:s16] =	ssyncadd.s32 $0xFFFFFB00  }
0x8b: {  	[tilespmem:s17], [sflag:$0x2] =	stream.linear.gather [hbm4b:s1+s3], $0x28, $0x38;
	[tilespmem:$0xB600] =	vst v63  }
0x8c: {  	_ =	swait.ge [sflag:s16], $0x28  }
0x8d: {  	[sflag:s16] =	ssyncset.done $0x0  }
0x8e: {  	s0 =	sadd.s32 s5, s0;
	[sflag:s16] =	ssyncadd.s32 $0xFFFFFFD8  }
0x8f: {  	[tilespmem:s18], [sflag:$0x2] =	stream.linear.gather [hbm4b:s0+s3], $0x28, $0x38;
	[tilespmem:$0xB600] =	vst v63  }
0x90: {  	_ =	swait.ge [sflag:s16], $0x28  }
0x91: {  	[sflag:s16] =	ssyncset.done $0x0  }
0x92: {  	[sflag:s16] =	ssyncadd.s32 $0xFFFFFFD8  }
0x93: {  	[tilespmem:s20], [sflag:$0x1] =	stream.indirect.gather [hbm4b:s6+s19], $0x80, s17, s19, $0xb8;
	[tilespmem:$0xB600] =	vst v63  }
0x94: {  	_ = 	snop  }
0x95: {  	[tilespmem:s21], [sflag:$0x1] =	stream.indirect.gather [hbm4b:s6+s19], $0x80, s18, s19, $0xb8;
	[tilespmem:$0xB600] =	vst v63  }
0x96: {  	_ =	swait.ge [sflag:s26], $0x1400  }
0x97: {  	[sflag:s26] =	ssyncset.done $0x0  }
0x98: {  	[sflag:s26] =	ssyncadd.s32 $0xFFFFEC00  }
0x99: {  	_ =	swait.ge [sflag:s26], $0x1400  }
0x9a: {  	[sflag:s26] =	ssyncset.done $0x0  }
0x9b: {  	s0 =	simm.s32 $0x0;
	[sflag:s26] =	ssyncadd.s32 $0xFFFFEC00  }
0x9c: {  	v2 =	vld [tilespmem:s0+$0x7B90]  }
0x9d: {  	v3 =	vld [tilespmem:s0+$0x8F90];
	_ =	sdelay $0x2  }
0x9e: {  	v4 =	vld [tilespmem:s0+$0x7A10]  }
0x9f: {  	v5 =	vld [tilespmem:s0+$0x8E10]  }
0xa0: {  	v6 =	vld [tilespmem:s0+$0x7A90];
	v2 =	vperm.xlane v2, v0;
	v3 =	vperm.xlane v3, v1  }
0xa1: {  	v7 =	vld [tilespmem:s0+$0x8E90]  }
0xa2: {  	v8 =	vld [tilespmem:s0+$0x7B10];
	v2 =	vadd.f32 v3, v2  }
0xa3: {  	v9 =	vld [tilespmem:s0+$0x8F10];
	v3 =	vperm.xlane v4, v0  }
0xa4: {  	v4 =	vperm.xlane v5, v1;
	v10 =	vmul.f32 $2.000000030e-01, v2  }
0xa5: {  	v11 =	vperm.xlane v6, v0;
	vm1 =	vge.f32 v2, $0.0e+00  }
0xa6: {  	s31 =	simm.s32 $0x200;
	v7 =	vperm.xlane v7, v1;
	v3 =	vadd.f32 v4, v3;
	v2 =	vsel vm1, v2, v10  }
0xa7: {  	v12 =	vld [tilespmem:s31+$0x8F90];
	v8 =	vperm.xlane v8, v0;
	v2 =	vmul.f32 $1.442695020e+00, v2  }
0xa8: {  	v13 =	vld [tilespmem:s31+$0x7A90];
	v9 =	vperm.xlane v9, v1;
	v7 =	vadd.f32 v7, v11;
	v11 =	vmul.f32 $2.000000030e-01, v3  }
0xa9: {  	v10 =	vld [tilespmem:s31+$0x7B90];
	vm1 =	vge.f32 v3, $0.0e+00;
	(erf) = vpow2.f32 v2  }
0xaa: {  	v8 =	vadd.f32 v9, v8;
	v9 =	vld [tilespmem:s31+$0x7A10];
	v3 =	vsel vm1, v3, v11;
	v2 =	vmul.f32 $2.000000030e-01, v7  }
0xab: {  	vm1 =	vge.f32 v7, $0.0e+00;
	v11 =	vld [tilespmem:s31+$0x8E10];
	v3 =	vmul.f32 $1.442695020e+00, v3  }
0xac: {  	v14 =	vld [tilespmem:s31+$0x8E90];
	v2 =	vsel vm1, v7, v2;
	v7 =	vmul.f32 $2.000000030e-01, v8  }
0xad: {  	v15 =	vld [tilespmem:s31+$0x8F10];
	vm1 =	vge.f32 v8, $0.0e+00;
	(erf) = vpow2.f32 v3;
	v2 =	vmul.f32 $1.442695020e+00, v2  }
0xae: {  	v3 =	vsel vm1, v8, v7;
	v7 =	vperm.xlane v10, v0;
	v8 =	vperm.xlane v12, v1;
	v10 =	vld [tilespmem:s0+$0x7B80]  }
0xaf: {  	v9 =	vperm.xlane v9, v0;
	v12 =	vld [tilespmem:s31+$0x7B10];
	v3 =	vmul.f32 $1.442695020e+00, v3  }
0xb0: {  	v6 =	vld [tilespmem:s0+$0x7A80];
	v11 =	vperm.xlane v11, v1;
	(erf) = vpow2.f32 v2;
	v8 =	vadd.f32 v8, v7  }
0xb1: {  	v13 =	vperm.xlane v13, v0;
	v5 =	vld [tilespmem:s0+$0x7A00];
	(erf) = vpow2.f32 v3  }
0xb2: {  	v7 =	vld [tilespmem:s31+$0x7A00];
	v9 =	vadd.f32 v11, v9;
	v11 =	vperm.xlane v14, v1;
	v14 =	vmul.f32 $2.000000030e-01, v8;
	v16 =	vpop (erf)  }
0xb3: {  	v2 =	vld [tilespmem:s31+$0x7B00];
	vm1 =	vge.f32 v8, $0.0e+00;
	v17 =	vmul.f32 v16, v10;
	v16 =	vnsel vm0, $0x0, v16  }
0xb4: {  	v3 =	vld [tilespmem:s31+$0x7A80];
	v10 =	vadd.f32 v11, v13;
	v11 =	vperm.xlane v12, v0;
	v8 =	vsel vm1, v8, v14;
	[tilespmem:s0+$0xA390] =	vst v16  }
0xb5: {  	s1 =	simm.s32 $0x400;
	v4 =	vld [tilespmem:s0+$0x7B00];
	vm1 =	vge.f32 v9, $0.0e+00;
	v13 =	vperm.xlane v15, v1;
	v12 =	vmul.f32 $1.442695020e+00, v8;
	[tilespmem:s0+$0xA380] =	vst v17  }
0xb6: {  	s3 =	simm.s32 $0x1800;
	v15 =	vmul.f32 $2.000000030e-01, v9;
	vm2 =	vge.f32 v10, $0.0e+00;
	v14 =	vmul.f32 $2.000000030e-01, v10;
	v8 =	vld [tilespmem:s1+$0x7B90];
	v16 =	vpop (erf)  }
.LBB2_5:
0xb7: {  	p0 =	sne.s32 s3, $0x4800;
	v17 =	vld [tilespmem:s1+$0x8F90];
	v11 =	vadd.f32 v13, v11;
	(erf) = vpow2.f32 v12;
	v18 =	vmul.f32 v16, v5;
	v5 =	vmovc v7  }
0xb8: {  	v13 =	vnsel vm0, $0x0, v16;
	v7 =	vld [tilespmem:s1+$0x7A10];
	v9 =	vsel vm1, v9, v15;
	v10 =	vsel vm2, v10, v14  }
0xb9: {  	v14 =	vld [tilespmem:s1+$0x8E10];
	v9 =	vmul.f32 $1.442695020e+00, v9;
	vm1 =	vge.f32 v11, $0.0e+00;
	v15 =	vmul.f32 $2.000000030e-01, v11;
	[tilespmem:s0+$0xA200] =	vst v18;
	v12 =	vpop (erf)  }
0xba: {  	v10 =	vmul.f32 $1.442695020e+00, v10;
	v16 =	vld [tilespmem:s1+$0x7A90];
	[tilespmem:s0+$0xA210] =	vst v13;
	v13 =	vmul.f32 v12, v6;
	v19 =	vnsel vm0, $0x0, v12;
	v12 =	vpop (erf)  }
0xbb: {  	v6 =	vmovc v3;
	v18 =	vld [tilespmem:s1+$0x8E90];
	v11 =	vsel vm1, v11, v15;
	(erf) = vpow2.f32 v9;
	[tilespmem:s0+$0xA290] =	vst v19;
	v9 =	vmul.f32 v12, v4  }
0xbc: {  	v3 =	vperm.xlane v8, v0;
	v12 =	vnsel vm0, $0x0, v12;
	v4 =	vmovc v2;
	v8 =	vperm.xlane v17, v1;
	v15 =	vld [tilespmem:s31+$0x7B80];
	[tilespmem:s0+$0xA280] =	vst v13  }
0xbd: {  	v11 =	vmul.f32 $1.442695020e+00, v11;
	v2 =	vperm.xlane v7, v0;
	v13 =	vld [tilespmem:s1+$0x7B10];
	[tilespmem:s0+$0xA300] =	vst v9  }
0xbe: {  	v9 =	vperm.xlane v14, v1;
	v14 =	vld [tilespmem:s1+$0x8F10];
	v8 =	vadd.f32 v8, v3;
	(erf) = vpow2.f32 v10;
	[tilespmem:s0+$0xA310] =	vst v12;
	s0 =	smov.u32 s31;
	s31 =	smov.u32 s1  }
0xbf: {  	v7 =	vld [tilespmem:s31+$0x7A00];
	v10 =	vperm.xlane v16, v0;
	(erf) = vpow2.f32 v11  }
.Ltmp1:
0xc0: {  	v9 =	vadd.f32 v9, v2;
	v11 =	vperm.xlane v18, v1;
	v3 =	vld [tilespmem:s31+$0x7A80];
	v12 =	vmul.f32 $2.000000030e-01, v8;
	v16 =	vpop (erf);
	(pc) =	sbr.rel @p0 .LBB2_5-.Ltmp1, $4  }
0xc1: {  	vm1 =	vge.f32 v8, $0.0e+00;
	v2 =	vld [tilespmem:s31+$0x7B00];
	v15 =	vmul.f32 v16, v15;
	v16 =	vnsel vm0, $0x0, v16  }
0xc2: {  	v10 =	vadd.f32 v11, v10;
	v11 =	vperm.xlane v13, v0;
	v8 =	vsel vm1, v8, v12;
	[tilespmem:s0+$0xA390] =	vst v16  }
0xc3: {  	s1 =	sshra.s32 s3, $0x2;
	vm1 =	vge.f32 v9, $0.0e+00;
	v13 =	vperm.xlane v14, v1;
	v12 =	vmul.f32 $1.442695020e+00, v8;
	[tilespmem:s0+$0xA380] =	vst v15  }
0xc4: {  	s3 =	sadd.s32 $0x800, s3;
	v15 =	vmul.f32 $2.000000030e-01, v9;
	v8 =	vld [tilespmem:s1+$0x7B90];
	vm2 =	vge.f32 v10, $0.0e+00;
	v14 =	vmul.f32 $2.000000030e-01, v10;
	v16 =	vpop (erf)  }
0xc5: {  	v17 =	vld [tilespmem:s1+$0x8F90];
	v5 =	vmul.f32 v16, v5  }
0xc6: {  	v18 =	vld [tilespmem:s1+$0x7A10];
	v11 =	vadd.f32 v13, v11  }
0xc7: {  	v19 =	vld [tilespmem:s1+$0x8E10];
	v30 =	vnsel vm0, $0x0, v16;
	v9 =	vsel vm1, v9, v15;
	[tilespmem:s0+$0xA200] =	vst v5;
	v20 =	vpop (erf);
	(erf) = vpow2.f32 v12  }
0xc8: {  	v10 =	vsel vm2, v10, v14;
	v33 =	vmul.f32 $1.442695020e+00, v9;
	v13 =	vmul.f32 $2.000000030e-01, v11;
	v31 =	vld [tilespmem:s1+$0x7A90];
	[tilespmem:s0+$0xA210] =	vst v30  }
0xc9: {  	v36 =	vmul.f32 $1.442695020e+00, v10;
	v32 =	vnsel vm0, $0x0, v20;
	v6 =	vmul.f32 v20, v6;
	v34 =	vpop (erf);
	v21 =	vld [tilespmem:s1+$0x8E90]  }
0xca: {  	[tilespmem:s0+$0xA290] =	vst v32;
	v4 =	vmul.f32 v34, v4;
	(erf) = vpow2.f32 v33  }
0xcb: {  	vm1 =	vge.f32 v11, $0.0e+00;
	v8 =	vperm.xlane v8, v0;
	v35 =	vld [tilespmem:s31+$0x7B80];
	[tilespmem:s0+$0xA280] =	vst v6;
	v39 =	vperm.xlane v17, v1  }
0xcc: {  	v38 =	vsel vm1, v11, v13;
	v40 =	vperm.xlane v18, v0;
	v42 =	vperm.xlane v19, v1;
	v37 =	vld [tilespmem:s1+$0x7B10];
	[tilespmem:s0+$0xA300] =	vst v4  }
0xcd: {  	v10 =	vmul.f32 $1.442695020e+00, v38;
	(erf) = vpow2.f32 v36;
	v41 =	vld [tilespmem:s1+$0x8F10];
	v8 =	vadd.f32 v39, v8  }
0xce: {  	v4 =	vadd.f32 v42, v40;
	v44 =	vperm.xlane v31, v0;
	v45 =	vperm.xlane v21, v1  }
0xcf: {  	v43 =	vnsel vm0, $0x0, v34;
	(erf) = vpow2.f32 v10;
	v46 =	vmul.f32 $2.000000030e-01, v8  }
0xd0: {  	vm1 =	vge.f32 v8, $0.0e+00;
	v49 =	vmul.f32 $2.000000030e-01, v4;
	v9 =	vadd.f32 v45, v44  }
0xd1: {  	[tilespmem:s0+$0xA310] =	vst v43;
	v5 =	vperm.xlane v37, v0;
	v8 =	vsel vm1, v8, v46;
	vm1 =	vge.f32 v4, $0.0e+00  }
0xd2: {  	v50 =	vld [tilespmem:s1+$0x7A00];
	v47 =	vpop (erf);
	v48 =	vperm.xlane v41, v1;
	v8 =	vmul.f32 $1.442695020e+00, v8;
	v4 =	vsel vm1, v4, v49  }
0xd3: {  	v51 =	vld [tilespmem:s1+$0x7A80];
	v12 =	vmul.f32 v47, v35;
	v6 =	vnsel vm0, $0x0, v47;
	v4 =	vmul.f32 $1.442695020e+00, v4  }
0xd4: {  	v53 =	vld [tilespmem:s1+$0x7B00];
	v52 =	vmul.f32 $2.000000030e-01, v9;
	v54 =	vpop (erf);
	[tilespmem:s31+$0xA390] =	vst v6;
	v5 =	vadd.f32 v48, v5;
	(erf) = vpow2.f32 v8  }
0xd5: {  	v55 =	vmul.f32 v54, v7;
	[tilespmem:s31+$0xA380] =	vst v12;
	v58 =	vnsel vm0, $0x0, v54;
	(erf) = vpow2.f32 v4  }
0xd6: {  	vm1 =	vge.f32 v9, $0.0e+00;
	v59 =	vpop (erf);
	[tilespmem:s31+$0xA210] =	vst v58;
	v56 =	vmul.f32 $2.000000030e-01, v5  }
0xd7: {  	v57 =	vsel vm1, v9, v52;
	v60 =	vnsel vm0, $0x0, v59;
	vm1 =	vge.f32 v5, $0.0e+00;
	[tilespmem:s31+$0xA200] =	vst v55  }
0xd8: {  	v8 =	vmul.f32 $1.442695020e+00, v57;
	[tilespmem:s31+$0xA290] =	vst v60;
	v61 =	vpop (erf);
	v5 =	vsel vm1, v5, v56  }
0xd9: {  	v4 =	vld [tilespmem:s1+$0x7B80];
	v2 =	vmul.f32 v61, v2;
	v5 =	vmul.f32 $1.442695020e+00, v5  }
0xda: {  	v3 =	vmul.f32 v59, v3;
	(erf) = vpow2.f32 v8  }
0xdb: {  	(erf) = vpow2.f32 v5  }
0xdc: {  	[tilespmem:s31+$0xA280] =	vst v3  }
0xdd: {  	v3 =	vnsel vm0, $0x0, v61;
	[tilespmem:s31+$0xA300] =	vst v2;
	v2 =	vpop (erf)  }
0xde: {  	[tilespmem:s31+$0xA310] =	vst v3;
	v3 =	vmul.f32 v2, v4;
	v2 =	vnsel vm0, $0x0, v2;
	v62 =	vpop (erf)  }
0xdf: {  	[tilespmem:s1+$0xA390] =	vst v2;
	v2 =	vmul.f32 v62, v50;
	_ =	sdelay $0x2  }
0xe0: {  	[tilespmem:s1+$0xA380] =	vst v3  }
0xe1: {  	v3 =	vnsel vm0, $0x0, v62;
	[tilespmem:s1+$0xA200] =	vst v2;
	v2 =	vpop (erf)  }
0xe2: {  	[tilespmem:s1+$0xA210] =	vst v3;
	v3 =	vmul.f32 v2, v51;
	v2 =	vnsel vm0, $0x0, v2;
	v63 =	vpop (erf)  }
0xe3: {  	[tilespmem:s1+$0xA290] =	vst v2;
	v2 =	vmul.f32 v63, v53  }
0xe4: {  	s30 =	sadd.s32 $0x1, s30;
	[tilespmem:s1+$0xA280] =	vst v3  }
0xe5: {  	p0 =	sne.s32 s30, $0x7D;
	v3 =	vnsel vm0, $0x0, v63;
	[tilespmem:s1+$0xA300] =	vst v2  }
.Ltmp2:
0xe6: {  	[tilespmem:s1+$0xA310] =	vst v3;
	(pc) =	sbr.rel @p0 .LBB2_2-.Ltmp2, $4  }
0xe7: {  	[spmem:s2] =	stream.indirect.scatter.add.f32 [tilespmem:s28], [sflag:$0x2], $0x20, s23, s19, $0xb8;
	[tilespmem:$0xB600] =	vst v63  }
0xe8: {  	_ =	swait.ge [sflag:s16], $0x500  }
0xe9: {  	[sflag:s16] =	ssyncset.done $0x0  }
0xea: {  	[sflag:s16] =	ssyncadd.s32 $0xFFFFFB00  }
0xeb: {  	_ =	swait.ge [sflag:s26], $0x1400  }
0xec: {  	[sflag:s26] =	ssyncset.done $0x0  }
0xed: {  	[sflag:s26] =	ssyncadd.s32 $0xFFFFEC00  }
0xee: {  	_ =	swait.ge [sflag:s26], $0x1400  }
0xef: {  	s29 =	sadd.s32 $0x1, s29;
	[sflag:s26] =	ssyncset.done $0x0  }
0xf0: {  	p0 =	sne.s32 s29, s14;
	[sflag:s26] =	ssyncadd.s32 $0xFFFFEC00  }
.Ltmp3:
0xf1: {  	[bflag:$0x0] =	sbarrier.arrive $0xFFFF;
	(pc) =	sbr.rel @p0 .LBB2_1-.Ltmp3, $4  }
0xf2: {  	[hbm:s13], [sflag:s8] =	dma.local [spmem:s15], $0x2800  }
0xf3: {  	_ =	swait.ge [sflag:s16], $0x2800  }
0xf4: {  	[sflag:s16] =	ssyncset.done $0x0  }
0xf5: {  	[sflag:s16] =	ssyncadd.s32 $0xFFFFD800  }
0xf6: {  	_ =	sfence.sel $0x180000  }
0xf7: {  	[bflag:$0x0] =	sbarrier.arrive $0xFFFF  }
0xf8: {  	_ =	strace $0x9000004A  }
0xf9: {  	s0 =	stileid.u32;
	[bflag:$0x2] =	sbarrier.arrive $0xFFFF  }
0xfa: {  	p0 =	sne.s32 s0, $0x0;
	s0 =	rddreg [dreg:$0x2]  }
0xfb: {  	s0 =	sadd.s32 @!p0 $0x100000, s0  }
0xfc: {  	[sflag:s0] =	ssyncadd.tile.s32 @!p0 $0x1;
	_ =	shalt  }
.Lfunc_end2:
_tile_overlayer_lowered:
.L_overlay_start_2:
0xfd: {  	(tag) =	ssettag $0x2  }
0xfe: {  	s0 =	rddreg [dreg:$0x0];
	s2 =	stileid.u32  }
0xff: {  	s1 =	rddreg [dreg:$0x1];
	p0 =	sne.s32 s2, $0x0  }
0x100: {  	s3 =	rddreg [dreg:$0x2];
	[bflag:$0x3] =	sbarrier.arrive $0xFFFF;
	s2 =	simm.s32 @!p0 $0x1C02  }
0x101: {  	[timem:s3], [sflag:s2] =	dma.local @!p0 [hbm:s0], s1  }
0x102: {  	s0 =	simm.s32 @!p0 $0x2  }
0x103: {  	_ =	swait.ge @!p0 [sflag:s0], s1  }
0x104: {  	s1 =	ssub.s32 @!p0 $0x0, s1;
	[sflag:s0] =	ssyncset.done @!p0 $0x0  }
0x105: {  	[sflag:s0] =	ssyncadd.s32 @!p0 s1  }
0x106: {  	[bflag:$0x3] =	sbarrier.arrive $0xFFFF  }
0x107: {  	_ =	shalt  }

// kernel: kernel.7.cloned.1.call-start
scs
__scs_entry_jumppad:
0x0: {  	(pc) =	sbr.rel $0x88, $3  }
0x1: {  	(tag) =	ssettag $0x0;
	lr =	simm.s32 $0x1  }
0x2: {  	[smem:$0x3F97] =	sst lr;
	_ =	strace $0xD0000000  }
0x3: {  	_ = 	snop  }
0x4: {  	_ = 	snop  }
0x5: {  	_ = 	snop  }
0x6: {  	_ = 	snop  }
0x7: {  	_ = 	snop  }
__scs_overlays_trampoline_lowered:
0x8: {  	[smem:$0x3FA6] =	sst s0  }
0x9: {  	[smem:$0x3FA7] =	sst s1  }
0xa: {  	[smem:$0x3FA8] =	sst s2  }
0xb: {  	[smem:$0x3FA9] =	sst s3  }
0xc: {  	[smem:$0x3FAA] =	sst s4  }
0xd: {  	[smem:$0x3FAB] =	sst s5  }
0xe: {  	[smem:$0x3FAC] =	sst s6  }
0xf: {  	[smem:$0x3FAD] =	sst s7  }
0x10: {  	[smem:$0x3FAE] =	sst s8  }
0x11: {  	[smem:$0x3FAF] =	sst s9;
	s0 =	simm.s32 @!p0 $0x0  }
0x12: {  	s1 =	sld [smem:$0x3F95];
	s0 =	simm.s32 @p0 $0x1  }
0x13: {  	[smem:$0x3FB0] =	sst s0;
	s0 =	simm.s32 @!p1 $0x0  }
0x14: {  	s2 =	sld [smem:$0x3F94];
	s0 =	simm.s32 @p1 $0x1  }
0x15: {  	[smem:$0x3FB1] =	sst s0;
	s0 =	simm.s32 @!p2 $0x0  }
0x16: {  	s3 =	sld [smem:$0x3FDB];
	s0 =	simm.s32 @p2 $0x1  }
0x17: {  	s4 =	simm.s32 $0x1BF5;
	[smem:$0x3FB3] =	sst s0  }
0x18: {  	s0 =	sld [smem:$0x3F96];
	_ =	swait.ge [sflag:s4], $0x0  }
0x19: {  	s7 =	sld [smem:$0x3F97]  }
0x1a: {  	s8 =	sadd.s32 $0xFFFFE003, lr  }
0x1b: {  	s9 =	sadd.s32 $0xFFFFFEF7, lr;
	s5 =	simm.s32 $0xFFFFFFFF;
	p2 =	slt.u32 s8, $0xFFFFF086  }
0x1c: {  	p1 =	slt.u32 s9, $0xF7A;
	s5 =	simm.s32 @!p2 $0x0  }
0x1d: {  	s5 =	simm.s32 @p1 $0x1;
	p0 =	seq.s32 s7, s2  }
0x1e: {  	s7 =	smul.u32 @!p0 $0xF7A, s2;
	p2 =	seq.s32 @!p0 s5, $0x0  }
0x1f: {  	s9 =	smul.u32 $0xF7A, s1;
	s8 =	simm.s32 @!p0 $0x1BF5;
	p2 =	por !p2, p0  }
0x20: {  	[sflag:s8] =	ssyncset.s32 @!p0 $0xFFFFF086;
	s6 =	sadd.s32 @!p0 s3, s7;
	s7 =	simm.s32 @!p0 $0x108  }
0x21: {  	s3 =	sadd.s32 s3, s9;
	s6 =	sadd.s32 @!p0 $0x88, s6;
	s7 =	simm.s32 @p2 $0x1082  }
0x22: {  	[simem:s7], [sflag:s8] =	dma.local @!p0 [hbm:s6], $0xF7A  }
0x23: {  	s9 =	sor.u32 $0xD0000000, s2;
	s6 =	simm.s32 $0x108;
	_ =	swait.ge @!p0 [sflag:s8], $0x0  }
0x24: {  	s3 =	sadd.s32 $0x88, s3;
	s6 =	simm.s32 @!p1 $0x1082;
	[sflag:s4] =	ssyncset.s32 $0xFFFFF086  }
0x25: {  	[simem:s6], [sflag:s4] =	dma.local [hbm:s3], $0xF7A  }
0x26: {  	[smem:$0x3F97] =	sst s1;
	(tag) =	ssettag s2;
	_ =	strace s9  }
0x27: {  	s1 =	sld [smem:$0x3FA7]  }
0x28: {  	s2 =	sld [smem:$0x3FA8]  }
0x29: {  	s4 =	sld [smem:$0x3FAA]  }
0x2a: {  	p0 =	seq.s32 s5, $0x0;
	s5 =	sld [smem:$0x3FAB]  }
0x2b: {  	s6 =	sld [smem:$0x3FAC]  }
0x2c: {  	s7 =	sld [smem:$0x3FAD]  }
0x2d: {  	s3 =	simm.s32 $0x108;
	s8 =	sld [smem:$0x3FAE]  }
0x2e: {  	s3 =	simm.s32 @!p0 $0x1082;
	s9 =	sld [smem:$0x3FAF]  }
0x2f: {  	lr =	sadd.s32 s0, s3;
	s0 =	sld [smem:$0x3FA6]  }
0x30: {  	s3 =	sld [smem:$0x3FA9]  }
0x31: {  	[smem:$0x3FB2] =	sst s10  }
0x32: {  	s10 =	sld [smem:$0x3FB0];
	_ =	sdelay $0x3  }
0x33: {  	p0 =	seq.s32 s10, $0x1;
	s10 =	sld [smem:$0x3FB2];
	_ =	sdelay $0x3  }
0x34: {  	[smem:$0x3FB2] =	sst s10  }
0x35: {  	s10 =	sld [smem:$0x3FB1];
	_ =	sdelay $0x3  }
0x36: {  	p1 =	seq.s32 s10, $0x1;
	s10 =	sld [smem:$0x3FB2];
	_ =	sdelay $0x3  }
0x37: {  	[smem:$0x3FB2] =	sst s10  }
0x38: {  	s10 =	sld [smem:$0x3FB3]  }
0x39: {  	_ = 	snop;
	(pc) =	sbr.ind lr, $3  }
0x3a: {  	_ = 	snop  }
0x3b: {  	_ = 	snop  }
0x3c: {  	p2 =	seq.s32 s10, $0x1;
	s10 =	sld [smem:$0x3FB2]  }
0x3d: {  	_ =	shalt  }
0x3e: {  	_ =	shalt  }
0x3f: {  	_ =	shalt  }
0x40: {  	_ =	shalt  }
0x41: {  	_ =	shalt  }
0x42: {  	_ =	shalt  }
0x43: {  	_ =	shalt  }
0x44: {  	_ =	shalt  }
0x45: {  	_ =	shalt  }
0x46: {  	_ =	shalt  }
0x47: {  	_ =	shalt  }
0x48: {  	_ =	shalt  }
0x49: {  	_ =	shalt  }
0x4a: {  	_ =	shalt  }
0x4b: {  	_ =	shalt  }
0x4c: {  	_ =	shalt  }
0x4d: {  	_ =	shalt  }
0x4e: {  	_ =	shalt  }
0x4f: {  	_ =	shalt  }
0x50: {  	_ =	shalt  }
0x51: {  	_ =	shalt  }
0x52: {  	_ =	shalt  }
0x53: {  	_ =	shalt  }
0x54: {  	_ =	shalt  }
0x55: {  	_ =	shalt  }
0x56: {  	_ =	shalt  }
0x57: {  	_ =	shalt  }
0x58: {  	_ =	shalt  }
0x59: {  	_ =	shalt  }
0x5a: {  	_ =	shalt  }
0x5b: {  	_ =	shalt  }
0x5c: {  	_ =	shalt  }
0x5d: {  	_ =	shalt  }
0x5e: {  	_ =	shalt  }
0x5f: {  	_ =	shalt  }
0x60: {  	_ =	shalt  }
0x61: {  	_ =	shalt  }
0x62: {  	_ =	shalt  }
0x63: {  	_ =	shalt  }
0x64: {  	_ =	shalt  }
0x65: {  	_ =	shalt  }
0x66: {  	_ =	shalt  }
0x67: {  	_ =	shalt  }
0x68: {  	_ =	shalt  }
0x69: {  	_ =	shalt  }
0x6a: {  	_ =	shalt  }
0x6b: {  	_ =	shalt  }
0x6c: {  	_ =	shalt  }
0x6d: {  	_ =	shalt  }
0x6e: {  	_ =	shalt  }
0x6f: {  	_ =	shalt  }
0x70: {  	_ =	shalt  }
0x71: {  	_ =	shalt  }
0x72: {  	_ =	shalt  }
0x73: {  	_ =	shalt  }
0x74: {  	_ =	shalt  }
0x75: {  	_ =	shalt  }
0x76: {  	_ =	shalt  }
0x77: {  	_ =	shalt  }
0x78: {  	_ =	shalt  }
0x79: {  	_ =	shalt  }
0x7a: {  	_ =	shalt  }
0x7b: {  	_ =	shalt  }
0x7c: {  	_ =	shalt  }
0x7d: {  	_ =	shalt  }
0x7e: {  	_ =	shalt  }
0x7f: {  	_ =	shalt  }
0x80: {  	_ =	shalt  }
0x81: {  	_ =	shalt  }
0x82: {  	_ =	shalt  }
0x83: {  	_ =	shalt  }
0x84: {  	_ =	shalt  }
0x85: {  	_ =	shalt  }
0x86: {  	_ =	shalt  }
0x87: {  	_ =	shalt  }
.Lfunc_end0:
.L_simem_size_0:
called_computation_lowered:
.L_overlay_start_0:
0x88: {  	s2 =	sld [smem:$0x3FD9]  }
0x89: {  	s3 =	sld [smem:$0x3FFE];
	_ =	sdelay $0x1  }
0x8a: {  	s1 =	srdreg.scid  }
0x8b: {  	s0 =	sand.u32 $0x1, s1  }
0x8c: {  	s16 =	sshll.u32 s0, $0xA;
	s2 =	sadd.s32 s3, s2  }
0x8d: {  	s2 =	sadd.s32 s2, s16  }
0x8e: {  	[smem:$0x3FBE] =	sst s2  }
0x8f: {  	_ = 	snop  }
0x90: {  	(tm) =	ssettm $0x1  }
0x91: {  	s17 =	sld [smem:$0x3FFB];
	_ =	sdelay $0x3  }
0x92: {  	_ =	strace s17  }
0x93: {  	s2 =	sld [smem:$0x3FFC];
	_ =	sdelay $0x3  }
0x94: {  	_ =	strace s2  }
0x95: {  	s2 =	sld [smem:$0x3FFD];
	_ =	sdelay $0x3  }
0x96: {  	_ =	strace s2  }
0x97: {  	_ =	strace $0x8FFFFFFF  }
0x98: {  	s18 =	sld [smem:$0x3FDB];
	_ =	sdelay $0x1  }
0x99: {  	s19 =	simm.s32 $_scs_section_size  }
0x9a: {  	s4 =	simm.s32 $_size__tile_overlayer_lowered;
	s5 =	simm.s32 $_tile_overlayer_lowered  }
0x9b: {  	s22 =	simm.s32 $0x1BFF;
	s21 =	sshll.u32 s5, $0x1;
	s2 =	sadd.s32 s19, s18  }
0x9c: {  	s6 =	simm.s32 $0x0;
	s20 =	sshll.u32 s4, $0x1;
	s4 =	sadd.s32 s21, s2  }
0x9d: {  	[timem:s6], [sflag:s22] =	dma.local [hbm:s4], s20  }
0x9e: {  	_ =	swait.ge [sflag:s22], s20  }
0x9f: {  	s3 =	ssub.s32 $0x0, s20;
	[sflag:s22] =	ssyncset.done $0x0  }
0xa0: {  	[sflag:s22] =	ssyncadd.s32 s3;
	_ =	sdelay $0x1  }
0xa1: {  	s23 =	simm.s32 $0x1B8B  }
0xa2: {  	_ =	swait.ge [sflag:s23], $0x1  }
0xa3: {  	[sflag:s23] =	ssyncset.done $0x0  }
0xa4: {  	s25 =	simm.s32 $0x1B8E;
	s24 =	sld [smem:$0x3FFE];
	[sflag:s23] =	ssyncadd.s32 $0xFFFFFFFF  }
0xa5: {  	s26 =	simm.s32 $execute0_lowered;
	[smem:$0x3FD2] =	sst s25  }
0xa6: {  	s4 =	sshll.u32 s26, $0x1;
	_ =	strace $0x80000046;
	[dreg:$0x1] =	wrdreg $0xFFFFFFFF  }
0xa7: {  	s28 =	simm.s32 $_size_execute0_lowered;
	s2 =	sadd.s32 s2, s4;
	[dreg:$0x0] =	wrdreg $0x0  }
0xa8: {  	s4 =	sshll.u32 s28, $0x1;
	[dreg:$0x2] =	wrdreg s2  }
0xa9: {  	[dreg:$0x3] =	wrdreg s4  }
0xaa: {  	[dreg:$0x4] =	wrdreg $0xC0  }
0xab: {  	_ =	task [dreg:s6], $0x5FFFF  }
0xac: {  	[dreg:$0x1] =	wrdreg $0xFFFFFFFF  }
0xad: {  	[dreg:$0x0] =	wrdreg $0x60  }
0xae: {  	[dreg:$0x2] =	wrdreg s24  }
0xaf: {  	[dreg:$0x3] =	wrdreg $0x0  }
0xb0: {  	[dreg:$0x4] =	wrdreg $0x9  }
0xb1: {  	_ =	task.clear_ibuf [dreg:s6], $0x5FFFF;
	_ =	strace $0x90000046  }
0xb2: {  	s29 =	simm.s32 $0x9;
	_ =	strace $0x80000048  }
0xb3: {  	_ =	swait.ge [sflag:s29], $0x1  }
0xb4: {  	[sflag:s29] =	ssyncadd.s32 $0xFFFFFFFF  }
0xb5: {  	_ =	strace $0x90000048  }
0xb6: {  	_ =	sfence  }
0xb7: {  	s30 =	sld [smem:$0x0];
	_ =	sdelay $0x2  }
0xb8: {  	s31 =	sshll.u32 s1, $0xD;
	s1 =	sshrl.u32 s1, $0x2  }
0xb9: {  	s3 =	sand.u32 $0x4000, s31;
	s1 =	sadd.s32 s1, s30  }
0xba: {  	s0 =	sor.u32 s3, s0;
	s1 =	sshll.u32 s1, $0x11  }
0xbb: {  	s0 =	sor.u32 s1, s0  }
0xbc: {  	s0 =	sadd.s32 $0x8F2B, s0  }
0xbd: {  	[sflag:s0] =	ssyncadd.remote.s32 $0x1  }
0xbe: {  	_ =	sfence.sel $0xFFFF  }
0xbf: {  	[dreg:$0x0] =	wrdreg $0xFFFFFFFF;
	(pc) =	sbr.abs _section_cstart, $3  }
0xc0: {  	[dreg:$0x1] =	wrdreg $0xFFFFFFFF  }
0xc1: {  	_ =	task.clear_ibuf [dreg:s6], $0x2FFFF;
	_ =	strace $0x9FFFFFFF  }
0xc2: {  	(tm) =	ssettm $0x7FFFFFFF  }
0xc3: {  	_ =	shalt  }
tec
execute0_lowered:
.L_overlay_start_1:
0x0: {  	(tag) =	ssettag $0x1  }
0x1: {  	s0 =	rddreg [dreg:$0x0]  }
0x2: {  	s2 =	rddreg [dreg:$0x1];
	s1 =	simm.s32 $0x0  }
0x3: {  	s11 =	stileid.u32;
	s3 =	srdreg.scid;
	s16 =	simm.s32 $0x2  }
0x4: {  	s17 =	simm.s32 $0xB400;
	s18 =	simm.s32 $0xB480;
	s19 =	simm.s32 $0x28  }
0x5: {  	s20 =	simm.s32 $0xB600;
	s21 =	simm.s32 $0xCA00;
	s22 =	simm.s32 $0xB500  }
0x6: {  	s28 =	simm.s32 $0x10600;
	s29 =	simm.s32 $0x0;
	[smem:$0x7FF] =	sst s1  }
0x7: {  	s23 =	smul.u32 $0x14000, s11;
	s3 =	sand.u32 $0x1, s3;
	s4 =	sadd.s32 $0xB400, s0  }
0x8: {  	s5 =	sadd.s32 $0x1600, s0;
	s6 =	sadd.s32 $0x15200, s0;
	s24 =	sshll.u32 s11, $0x1  }
0x9: {  	s9 =	smul.u32 $0x50000, s11;
	s30 =	sshll.u32 s11, $0x6;
	_ =	strace $0x80000047  }
0xa: {  	s8 =	smul.u32 $0x140000, s3;
	s10 =	ssub.s32 $0x2, s3;
	s3 =	sor.u32 s3, s24  }
0xb: {  	s24 =	simm.s32 $0xDE00;
	s7 =	sshrl.u32 s23, $0x3;
	s25 =	sshrl.u32 s10, $0x1  }
0xc: {  	s3 =	smul.u32 $0x2710, s3;
	s9 =	sshrl.u32 s9, $0x2;
	s7 =	sadd.s32 s7, s0  }
0xd: {  	s1 =	sadd.s32 s23, s8;
	s26 =	ssub.s32 s10, s25;
	s15 =	sadd.s32 s9, s2  }
0xe: {  	s8 =	sor.u32 $0x1C02, s30;
	s23 =	simm.s32 $0xB580;
	s25 =	simm.s32 $0xF200  }
0xf: {  	s1 =	sshrl.u32 s1, $0x3;
	s7 =	sadd.s32 $0x3C400, s7;
	s31 =	sshrl.u32 s3, $0x3  }
0x10: {  	v0 =	vlaneseq.u32;
	s11 =	sadd.s32 $0x28, s3;
	s12 =	sadd.s32 $0x50, s3;
	s14 =	smax.u32 s26, $0x1  }
0x11: {  	v0 =	vshrl.u32 v0, $0x3;
	s15 =	sshrl.u32 s15, $0x3;
	s26 =	simm.s32 $0x1;
	s0 =	sadd.s32 s1, s0  }
0x12: {  	v1 =	vor.u32 $0x2, v0;
	v2 =	vor.u32 $0x4, v0;
	v3 =	vor.u32 $0x6, v0;
	s9 =	sadd.s32 s4, s31;
	s10 =	sadd.s32 s5, s31;
	s13 =	sadd.s32 $0x64400, s0  }
.LBB2_1:
0x13: {  	[spmem:s15], [sflag:s8] =	dma.local [hbm:s7], $0x2800  }
0x14: {  	_ =	swait.ge [sflag:s16], $0x2800  }
0x15: {  	[sflag:s16] =	ssyncset.done $0x0  }
0x16: {  	[sflag:s16] =	ssyncadd.s32 $0xFFFFD800  }
0x17: {  	s0 =	simm.s32 $0x0;
	[bflag:$0x0] =	sbarrier.arrive $0xFFFF  }
0x18: {  	[tilespmem:s17], [sflag:$0x2] =	stream.linear.gather [hbm4b:s9+s0], $0x28, $0x38;
	[tilespmem:$0x11A00] =	vst v63  }
0x19: {  	_ =	swait.ge [sflag:s16], $0x28  }
0x1a: {  	[sflag:s16] =	ssyncset.done $0x0  }
0x1b: {  	[sflag:s16] =	ssyncadd.s32 $0xFFFFFFD8  }
0x1c: {  	[tilespmem:s18], [sflag:$0x2] =	stream.linear.gather [hbm4b:s10+s0], $0x28, $0x38;
	[tilespmem:$0x11A00] =	vst v63  }
0x1d: {  	_ =	swait.ge [sflag:s16], $0x28  }
0x1e: {  	[sflag:s16] =	ssyncset.done $0x0  }
0x1f: {  	[sflag:s16] =	ssyncadd.s32 $0xFFFFFFD8  }
0x20: {  	[tilespmem:s20], [sflag:$0x1] =	stream.indirect.gather [hbm4b:s6+s19], $0x80, s17, s19, $0xb8;
	[tilespmem:$0x11A00] =	vst v63  }
0x21: {  	s30 =	simm.s32 $0x0  }
0x22: {  	[tilespmem:s21], [sflag:$0x1] =	stream.indirect.gather [hbm4b:s6+s19], $0x80, s18, s19, $0xb8;
	[tilespmem:$0x11A00] =	vst v63  }
.LBB2_2:
0x23: {  	s0 =	smul.u32 $0x50, s30;
	_ =	sdelay $0x1  }
0x24: {  	s0 =	sadd.s32 s0, s11  }
0x25: {  	s0 =	sshrl.u32 s0, $0x3  }
0x26: {  	s3 =	simm.s32 $0x0;
	s1 =	sadd.s32 s4, s0  }
0x27: {  	[tilespmem:s22], [sflag:$0x2] =	stream.linear.gather [hbm4b:s1+s3], $0x28, $0x38;
	[tilespmem:$0x11A00] =	vst v63  }
0x28: {  	_ =	swait.ge [sflag:s16], $0x28  }
0x29: {  	[sflag:s16] =	ssyncset.done $0x0  }
0x2a: {  	s0 =	sadd.s32 s5, s0;
	[sflag:s16] =	ssyncadd.s32 $0xFFFFFFD8  }
0x2b: {  	[tilespmem:s23], [sflag:$0x2] =	stream.linear.gather [hbm4b:s0+s3], $0x28, $0x38;
	[tilespmem:$0x11A00] =	vst v63  }
0x2c: {  	_ =	swait.ge [sflag:s16], $0x28  }
0x2d: {  	[sflag:s16] =	ssyncset.done $0x0  }
0x2e: {  	[sflag:s16] =	ssyncadd.s32 $0xFFFFFFD8  }
0x2f: {  	[tilespmem:s24], [sflag:$0x1] =	stream.indirect.gather [hbm4b:s6+s19], $0x80, s22, s19, $0xb8;
	[tilespmem:$0x11A00] =	vst v63  }
0x30: {  	_ = 	snop  }
0x31: {  	[tilespmem:s25], [sflag:$0x1] =	stream.indirect.gather [hbm4b:s6+s19], $0x80, s23, s19, $0xb8;
	[tilespmem:$0x11A00] =	vst v63  }
0x32: {  	_ =	swait.ge [sflag:s26], $0x1400  }
0x33: {  	[sflag:s26] =	ssyncset.done $0x0  }
0x34: {  	[sflag:s26] =	ssyncadd.s32 $0xFFFFEC00  }
0x35: {  	_ =	swait.ge [sflag:s26], $0x1400  }
0x36: {  	[sflag:s26] =	ssyncset.done $0x0  }
0x37: {  	s0 =	simm.s32 $0x0;
	[sflag:s26] =	ssyncadd.s32 $0xFFFFEC00  }
0x38: {  	v4 =	vld [tilespmem:s0+$0xCA48]  }
0x39: {  	v5 =	vld [tilespmem:s0+$0xB640]  }
0x3a: {  	v6 =	vld [tilespmem:s0+$0xCAC8]  }
0x3b: {  	v7 =	vld [tilespmem:s0+$0xB6C0];
	_ =	sdelay $0x2  }
0x3c: {  	v4 =	vadd.f32 v5, v4  }
0x3d: {  	v8 =	vld [tilespmem:s0+$0xCB48]  }
0x3e: {  	v9 =	vld [tilespmem:s0+$0xB740];
	v6 =	vadd.f32 v7, v6;
	v12 =	vmul.f32 $2.000000030e-01, v4  }
0x3f: {  	v10 =	vld [tilespmem:s0+$0xCBC8];
	vm0 =	vge.f32 v4, $0.0e+00  }
0x40: {  	v11 =	vld [tilespmem:s0+$0xB7C0];
	v7 =	vmul.f32 $2.000000030e-01, v6;
	v4 =	vsel vm0, v4, v12  }
0x41: {  	vm9 =	vge.f32 v6, $0.0e+00;
	v4 =	vmul.f32 $1.442695020e+00, v4  }
0x42: {  	v6 =	vsel vm9, v6, v7  }
0x43: {  	v6 =	vmul.f32 $1.442695020e+00, v6;
	(erf) = vpow2.f32 v4;
	v4 =	vadd.f32 v9, v8  }
0x44: {  	v16 =	vld [tilespmem:s0+$0xB620]  }
0x45: {  	v17 =	vld [tilespmem:s0+$0xB630];
	(erf) = vpow2.f32 v6;
	v6 =	vadd.f32 v11, v10;
	v7 =	vmul.f32 $2.000000030e-01, v4  }
0x46: {  	v18 =	vld [tilespmem:s0+$0xB690];
	vm10 =	vge.f32 v4, $0.0e+00  }
0x47: {  	v19 =	vld [tilespmem:s0+$0xB6A0];
	v9 =	vmul.f32 $2.000000030e-01, v6;
	v4 =	vsel vm10, v4, v7  }
0x48: {  	v20 =	vld [tilespmem:s0+$0xB6B0];
	vm11 =	vge.f32 v6, $0.0e+00;
	v4 =	vmul.f32 $1.442695020e+00, v4  }
0x49: {  	v21 =	vld [tilespmem:s0+$0xB710];
	v6 =	vsel vm11, v6, v9  }
0x4a: {  	v22 =	vld [tilespmem:s0+$0xB720];
	v6 =	vmul.f32 $1.442695020e+00, v6;
	(erf) = vpow2.f32 v4  }
0x4b: {  	s31 =	simm.s32 $0x200;
	v23 =	vld [tilespmem:s0+$0xB730]  }
0x4c: {  	v26 =	vld [tilespmem:s31+$0xCA48];
	(erf) = vpow2.f32 v6  }
0x4d: {  	v7 =	vld [tilespmem:s0+$0xB600]  }
0x4e: {  	v28 =	vld [tilespmem:s31+$0xB640]  }
0x4f: {  	v8 =	vld [tilespmem:s0+$0xB680];
	v9 =	vpop (erf)  }
0x50: {  	v29 =	vld [tilespmem:s31+$0xCAC8];
	v11 =	vperm.xlane v9, v0  }
0x51: {  	v10 =	vld [tilespmem:s0+$0xB700];
	v30 =	vpop (erf)  }
0x52: {  	v5 =	vld [tilespmem:s0+$0xB610];
	v6 =	vmul.f32 v7, v11;
	v7 =	vperm.xlane v30, v0  }
0x53: {  	v4 =	vld [tilespmem:s0+$0xB780];
	[tilespmem:s0+$0x10600] =	vst v9;
	v33 =	vpop (erf)  }
0x54: {  	v31 =	vld [tilespmem:s31+$0xB6C0];
	[tilespmem:s0+$0x10608] =	vst v6;
	v6 =	vmul.f32 v8, v7;
	v7 =	vperm.xlane v33, v0  }
0x55: {  	v32 =	vld [tilespmem:s31+$0xCB48];
	[tilespmem:s0+$0x10680] =	vst v30;
	v36 =	vpop (erf)  }
0x56: {  	v34 =	vld [tilespmem:s31+$0xB740];
	[tilespmem:s0+$0x10688] =	vst v6;
	v6 =	vmul.f32 v10, v7;
	v7 =	vperm.xlane v36, v0  }
0x57: {  	v35 =	vld [tilespmem:s31+$0xCBC8];
	[tilespmem:s0+$0x10700] =	vst v33  }
0x58: {  	v37 =	vld [tilespmem:s31+$0xB7C0];
	[tilespmem:s0+$0x10708] =	vst v6;
	v4 =	vmul.f32 v4, v7;
	v6 =	vperm.xlane v9, v1  }
0x59: {  	v15 =	vld [tilespmem:s31+$0xB610];
	[tilespmem:s0+$0x10780] =	vst v36  }
0x5a: {  	v14 =	vld [tilespmem:s31+$0xB620];
	[tilespmem:s0+$0x10788] =	vst v4;
	v4 =	vmul.f32 v5, v6;
	v5 =	vperm.xlane v9, v2  }
0x5b: {  	v13 =	vld [tilespmem:s31+$0xB630]  }
0x5c: {  	v12 =	vld [tilespmem:s31+$0xB690];
	[tilespmem:s0+$0x10618] =	vst v4;
	v4 =	vmul.f32 v16, v5  }
0x5d: {  	v5 =	vperm.xlane v9, v3;
	v9 =	vperm.xlane v30, v1;
	v11 =	vld [tilespmem:s31+$0xB6A0]  }
0x5e: {  	v16 =	vadd.f32 v28, v26;
	v6 =	vld [tilespmem:s31+$0xB6B0];
	[tilespmem:s0+$0x10628] =	vst v4  }
0x5f: {  	v5 =	vmul.f32 v17, v5;
	v17 =	vmul.f32 v18, v9;
	v8 =	vld [tilespmem:s31+$0xB710]  }
0x60: {  	v18 =	vperm.xlane v30, v3;
	v26 =	vmul.f32 $2.000000030e-01, v16;
	v7 =	vld [tilespmem:s31+$0xB720]  }
0x61: {  	v29 =	vadd.f32 v31, v29;
	vm12 =	vge.f32 v16, $0.0e+00;
	v4 =	vld [tilespmem:s31+$0xB730];
	[tilespmem:s0+$0x10638] =	vst v5;
	v5 =	vperm.xlane v30, v2  }
0x62: {  	v24 =	vld [tilespmem:s0+$0xB790];
	v28 =	vperm.xlane v33, v1;
	v16 =	vsel vm12, v16, v26;
	v18 =	vmul.f32 v20, v18  }
0x63: {  	v9 =	vld [tilespmem:s31+$0xB790];
	v16 =	vmul.f32 $1.442695020e+00, v16;
	v19 =	vmul.f32 v19, v5  }
0x64: {  	vm13 =	vge.f32 v29, $0.0e+00;
	v20 =	vmul.f32 $2.000000030e-01, v29;
	v10 =	vld [tilespmem:s31+$0xB7A0];
	[tilespmem:s0+$0x10698] =	vst v17;
	v17 =	vperm.xlane v33, v2  }
0x65: {  	v26 =	vadd.f32 v34, v32;
	v5 =	vld [tilespmem:s31+$0xB7B0];
	(erf) = vpow2.f32 v16;
	v16 =	vmul.f32 v21, v28;
	[tilespmem:s0+$0x106A8] =	vst v19  }
0x66: {  	v21 =	vadd.f32 v37, v35;
	v17 =	vmul.f32 v22, v17;
	v30 =	vld [tilespmem:s31+$0xB600];
	[tilespmem:s0+$0x106B8] =	vst v18;
	v18 =	vsel vm13, v29, v20  }
0x67: {  	v20 =	vmul.f32 $2.000000030e-01, v26;
	v18 =	vmul.f32 $1.442695020e+00, v18  }
0x68: {  	v25 =	vld [tilespmem:s0+$0xB7A0];
	vm14 =	vge.f32 v26, $0.0e+00;
	v19 =	vperm.xlane v33, v3;
	v22 =	vmul.f32 $2.000000030e-01, v21  }
0x69: {  	v60 =	vld [tilespmem:s31+$0xB680];
	[tilespmem:s0+$0x10718] =	vst v16;
	v16 =	vperm.xlane v36, v1;
	v20 =	vsel vm14, v26, v20;
	(erf) = vpow2.f32 v18  }
0x6a: {  	vm15 =	vge.f32 v21, $0.0e+00;
	v61 =	vld [tilespmem:s31+$0xB700];
	[tilespmem:s0+$0x10728] =	vst v17;
	v18 =	vmul.f32 v23, v19;
	v17 =	vmul.f32 $1.442695020e+00, v20  }
0x6b: {  	v20 =	vsel vm15, v21, v22;
	v16 =	vmul.f32 v24, v16  }
0x6c: {  	v26 =	vld [tilespmem:s31+$0xB780];
	[tilespmem:s0+$0x10738] =	vst v18;
	v18 =	vmul.f32 $1.442695020e+00, v20;
	(erf) = vpow2.f32 v17  }
0x6d: {  	v19 =	vperm.xlane v36, v2  }
0x6e: {  	v27 =	vld [tilespmem:s0+$0xB7B0];
	(erf) = vpow2.f32 v18  }
0x6f: {  	s1 =	simm.s32 $0x400;
	v19 =	vmul.f32 v25, v19  }
0x70: {  	v17 =	vld [tilespmem:s1+$0xCA48];
	[tilespmem:s0+$0x10798] =	vst v16;
	v16 =	vpop (erf)  }
0x71: {  	v20 =	vld [tilespmem:s1+$0xB640];
	[tilespmem:s0+$0x107A8] =	vst v19;
	v19 =	vperm.xlane v36, v3;
	v18 =	vperm.xlane v16, v0  }
0x72: {  	v25 =	vperm.xlane v16, v2;
	v22 =	vperm.xlane v16, v3  }
0x73: {  	v24 =	vmul.f32 v27, v19;
	v18 =	vmul.f32 v30, v18;
	v23 =	vpop (erf)  }
0x74: {  	v28 =	vld [tilespmem:s1+$0xCAC8];
	[tilespmem:s31+$0x10600] =	vst v16;
	v27 =	vperm.xlane v16, v1;
	v19 =	vperm.xlane v23, v0  }
0x75: {  	v31 =	vld [tilespmem:s1+$0xB6C0];
	[tilespmem:s31+$0x10608] =	vst v18;
	v21 =	vperm.xlane v23, v1;
	v18 =	vperm.xlane v23, v3;
	v62 =	vpop (erf)  }
0x76: {  	v30 =	vmul.f32 v60, v19;
	v63 =	vperm.xlane v62, v0  }
0x77: {  	v29 =	vld [tilespmem:s1+$0xCB48];
	[tilespmem:s31+$0x10680] =	vst v23;
	v19 =	vperm.xlane v23, v2;
	v16 =	vperm.xlane v62, v1;
	v23 =	vpop (erf)  }
0x78: {  	v32 =	vld [tilespmem:s1+$0xB740];
	[tilespmem:s31+$0x10688] =	vst v30;
	v35 =	vmul.f32 v61, v63;
	v34 =	vperm.xlane v23, v0  }
0x79: {  	s3 =	simm.s32 $0x1800;
	v33 =	vadd.f32 v20, v17;
	v20 =	vperm.xlane v62, v2;
	v17 =	vperm.xlane v62, v3;
	v30 =	vld [tilespmem:s1+$0xCBC8];
	[tilespmem:s31+$0x10700] =	vst v62  }
.LBB2_3:
0x7a: {  	p0 =	sne.s32 s3, $0x4800;
	v36 =	vld [tilespmem:s1+$0xB7C0];
	[tilespmem:s31+$0x10708] =	vst v35;
	v26 =	vmul.f32 v26, v34;
	v34 =	vperm.xlane v23, v1  }
0x7b: {  	v35 =	vmul.f32 $2.000000030e-01, v33;
	v37 =	vld [tilespmem:s1+$0xB610];
	v28 =	vadd.f32 v31, v28;
	[tilespmem:s31+$0x10780] =	vst v23;
	v31 =	vperm.xlane v23, v2  }
0x7c: {  	v15 =	vmul.f32 v15, v27;
	vm0 =	vge.f32 v33, $0.0e+00;
	v23 =	vperm.xlane v23, v3;
	v38 =	vld [tilespmem:s1+$0xB620];
	[tilespmem:s31+$0x10788] =	vst v26  }
0x7d: {  	v26 =	vsel vm0, v33, v35;
	v27 =	vld [tilespmem:s1+$0xB630];
	v33 =	vmul.f32 $2.000000030e-01, v28;
	v29 =	vadd.f32 v32, v29;
	[tilespmem:s0+$0x107B8] =	vst v24;
	s0 =	smov.u32 s31;
	s31 =	smov.u32 s1  }
0x7e: {  	v39 =	vmul.f32 v14, v25;
	vm0 =	vge.f32 v28, $0.0e+00;
	v24 =	vmul.f32 $1.442695020e+00, v26;
	v26 =	vld [tilespmem:s31+$0xB690];
	[tilespmem:s0+$0x10618] =	vst v15  }
0x7f: {  	v35 =	vsel vm0, v28, v33;
	v25 =	vld [tilespmem:s31+$0xB6A0];
	v28 =	vmul.f32 $2.000000030e-01, v29;
	v30 =	vadd.f32 v36, v30  }
0x80: {  	vm0 =	vge.f32 v29, $0.0e+00;
	v32 =	vmul.f32 $1.442695020e+00, v35;
	v33 =	vld [tilespmem:s31+$0xB6B0];
	(erf) = vpow2.f32 v24;
	[tilespmem:s0+$0x10628] =	vst v39;
	v15 =	vmovc v37  }
0x81: {  	v22 =	vmul.f32 v13, v22;
	v24 =	vsel vm0, v29, v28;
	v28 =	vld [tilespmem:s31+$0xB710];
	v29 =	vmul.f32 $2.000000030e-01, v30;
	v14 =	vmovc v38  }
0x82: {  	vm0 =	vge.f32 v30, $0.0e+00;
	v24 =	vmul.f32 $1.442695020e+00, v24;
	v35 =	vld [tilespmem:s31+$0xB720];
	(erf) = vpow2.f32 v32;
	v13 =	vmovc v27  }
0x83: {  	v21 =	vmul.f32 v12, v21;
	v19 =	vmul.f32 v11, v19;
	v27 =	vld [tilespmem:s31+$0xB730];
	v29 =	vsel vm0, v30, v29;
	[tilespmem:s0+$0x10638] =	vst v22  }
0x84: {  	v12 =	vmovc v26;
	v22 =	vmul.f32 $1.442695020e+00, v29;
	v29 =	vld [tilespmem:s31+$0xB790];
	(erf) = vpow2.f32 v24;
	v11 =	vmov v25  }
0x85: {  	v18 =	vmul.f32 v6, v18;
	v16 =	vmul.f32 v8, v16;
	v25 =	vld [tilespmem:s31+$0xB7A0];
	[tilespmem:s0+$0x10698] =	vst v21;
	v6 =	vmov v33  }
0x86: {  	v21 =	vld [tilespmem:s31+$0xB7B0];
	(erf) = vpow2.f32 v22;
	[tilespmem:s0+$0x106A8] =	vst v19;
	v19 =	vmul.f32 v7, v20;
	v8 =	vmov v28  }
0x87: {  	v17 =	vmul.f32 v4, v17;
	v20 =	vld [tilespmem:s31+$0xB600];
	[tilespmem:s0+$0x106B8] =	vst v18;
	v18 =	vmul.f32 v9, v34;
	v7 =	vmov v35  }
0x88: {  	v24 =	vmul.f32 v5, v23;
	v30 =	vld [tilespmem:s31+$0xB680];
	[tilespmem:s0+$0x10718] =	vst v16;
	v16 =	vmul.f32 v10, v31;
	v4 =	vmov v27  }
0x89: {  	v33 =	vld [tilespmem:s31+$0xB700];
	v23 =	vpop (erf);
	[tilespmem:s0+$0x10728] =	vst v19;
	v9 =	vmov v29  }
0x8a: {  	s1 =	sshra.s32 s3, $0x2;
	v19 =	vperm.xlane v23, v0;
	v27 =	vperm.xlane v23, v1;
	v26 =	vld [tilespmem:s31+$0xB780];
	[tilespmem:s0+$0x10738] =	vst v17;
	v10 =	vmov v25  }
0x8b: {  	v25 =	vperm.xlane v23, v2;
	v22 =	vperm.xlane v23, v3;
	v17 =	vld [tilespmem:s1+$0xCA48];
	v32 =	vpop (erf);
	[tilespmem:s0+$0x10798] =	vst v18;
	v5 =	vmov v21  }
0x8c: {  	v36 =	vld [tilespmem:s1+$0xB640];
	v18 =	vmul.f32 v20, v19;
	v20 =	vperm.xlane v32, v0;
	[tilespmem:s0+$0x107A8] =	vst v16  }
.Ltmp0:
0x8d: {  	v21 =	vperm.xlane v32, v1;
	v19 =	vperm.xlane v32, v2;
	v28 =	vld [tilespmem:s1+$0xCAC8];
	[tilespmem:s31+$0x10600] =	vst v23;
	v37 =	vpop (erf);
	(pc) =	sbr.rel @p0 .LBB2_3-.Ltmp0, $4  }
0x8e: {  	v31 =	vld [tilespmem:s1+$0xB6C0];
	[tilespmem:s31+$0x10608] =	vst v18;
	v20 =	vmul.f32 v30, v20;
	v30 =	vperm.xlane v37, v0  }
0x8f: {  	v18 =	vperm.xlane v32, v3;
	v16 =	vperm.xlane v37, v1;
	v29 =	vld [tilespmem:s1+$0xCB48];
	[tilespmem:s31+$0x10680] =	vst v32;
	v23 =	vpop (erf)  }
0x90: {  	v32 =	vld [tilespmem:s1+$0xB740];
	[tilespmem:s31+$0x10688] =	vst v20;
	v35 =	vmul.f32 v33, v30;
	v34 =	vperm.xlane v23, v0  }
0x91: {  	s3 =	sadd.s32 $0x800, s3;
	v20 =	vperm.xlane v37, v2;
	v33 =	vadd.f32 v36, v17;
	v30 =	vld [tilespmem:s1+$0xCBC8];
	[tilespmem:s31+$0x10700] =	vst v37;
	v17 =	vperm.xlane v37, v3  }
0x92: {  	v36 =	vld [tilespmem:s1+$0xB7C0];
	[tilespmem:s31+$0x10708] =	vst v35;
	v26 =	vmul.f32 v26, v34  }
0x93: {  	v35 =	vld [tilespmem:s1+$0xB610];
	[tilespmem:s31+$0x10780] =	vst v23  }
0x94: {  	v15 =	vmul.f32 v15, v27;
	v53 =	vld [tilespmem:s1+$0xB620];
	[tilespmem:s31+$0x10788] =	vst v26  }
0x95: {  	v26 =	vld [tilespmem:s1+$0xB630];
	[tilespmem:s0+$0x107B8] =	vst v24  }
0x96: {  	v14 =	vmul.f32 v14, v25;
	v24 =	vld [tilespmem:s1+$0xB690];
	[tilespmem:s31+$0x10618] =	vst v15  }
0x97: {  	v15 =	vld [tilespmem:s1+$0xB6A0]  }
0x98: {  	v27 =	vadd.f32 v31, v28;
	v25 =	vld [tilespmem:s1+$0xB6B0];
	[tilespmem:s31+$0x10628] =	vst v14;
	v14 =	vmul.f32 $2.000000030e-01, v33  }
0x99: {  	v13 =	vmul.f32 v13, v22;
	vm0 =	vge.f32 v33, $0.0e+00  }
0x9a: {  	v31 =	vmul.f32 $2.000000030e-01, v27;
	v29 =	vadd.f32 v32, v29;
	v28 =	vld [tilespmem:s1+$0xB710];
	v14 =	vsel vm0, v33, v14  }
0x9b: {  	v12 =	vmul.f32 v12, v21;
	vm5 =	vge.f32 v27, $0.0e+00;
	v22 =	vld [tilespmem:s1+$0xB720];
	v14 =	vmul.f32 $1.442695020e+00, v14  }
0x9c: {  	v27 =	vsel vm5, v27, v31;
	v30 =	vadd.f32 v36, v30;
	v54 =	vld [tilespmem:s1+$0xB730];
	[tilespmem:s31+$0x10638] =	vst v13;
	v13 =	vmul.f32 $2.000000030e-01, v29  }
0x9d: {  	vm6 =	vge.f32 v29, $0.0e+00;
	v27 =	vmul.f32 $1.442695020e+00, v27;
	(erf) = vpow2.f32 v14  }
0x9e: {  	v11 =	vmul.f32 v11, v19;
	v21 =	vld [tilespmem:s1+$0xB790];
	v13 =	vsel vm6, v29, v13;
	v29 =	vmul.f32 $2.000000030e-01, v30  }
0x9f: {  	v6 =	vmul.f32 v6, v18;
	vm7 =	vge.f32 v30, $0.0e+00;
	v14 =	vld [tilespmem:s1+$0xB7A0];
	[tilespmem:s31+$0x10698] =	vst v12;
	(erf) = vpow2.f32 v27  }
0xa0: {  	v8 =	vmul.f32 v8, v16;
	v12 =	vmul.f32 $1.442695020e+00, v13;
	v19 =	vsel vm7, v30, v29;
	v13 =	vld [tilespmem:s1+$0xB7B0];
	[tilespmem:s31+$0x106A8] =	vst v11  }
0xa1: {  	v11 =	vmul.f32 $1.442695020e+00, v19;
	v18 =	vld [tilespmem:s1+$0xB600];
	[tilespmem:s31+$0x106B8] =	vst v6  }
0xa2: {  	(erf) = vpow2.f32 v12;
	v6 =	vld [tilespmem:s1+$0xB680];
	[tilespmem:s31+$0x10718] =	vst v8;
	v8 =	vperm.xlane v23, v1  }
0xa3: {  	v7 =	vmul.f32 v7, v20  }
0xa4: {  	v4 =	vmul.f32 v4, v17;
	(erf) = vpow2.f32 v11  }
0xa5: {  	v12 =	vperm.xlane v23, v2  }
0xa6: {  	v11 =	vld [tilespmem:s1+$0xB700];
	[tilespmem:s31+$0x10728] =	vst v7;
	v7 =	vmul.f32 v9, v8;
	v8 =	vpop (erf)  }
0xa7: {  	v10 =	vmul.f32 v10, v12;
	v12 =	vperm.xlane v8, v0  }
0xa8: {  	v9 =	vld [tilespmem:s1+$0xB780];
	[tilespmem:s31+$0x10738] =	vst v4;
	v4 =	vpop (erf)  }
0xa9: {  	[tilespmem:s31+$0x10798] =	vst v7;
	v7 =	vmul.f32 v18, v12;
	v12 =	vperm.xlane v4, v0  }
0xaa: {  	[tilespmem:s31+$0x107A8] =	vst v10  }
0xab: {  	[tilespmem:s1+$0x10600] =	vst v8;
	v10 =	vpop (erf)  }
0xac: {  	[tilespmem:s1+$0x10608] =	vst v7;
	v6 =	vmul.f32 v6, v12;
	v7 =	vperm.xlane v10, v0  }
0xad: {  	[tilespmem:s1+$0x10680] =	vst v4;
	v12 =	vpop (erf)  }
0xae: {  	[tilespmem:s1+$0x10688] =	vst v6;
	v6 =	vmul.f32 v11, v7;
	v7 =	vperm.xlane v12, v0  }
0xaf: {  	[tilespmem:s1+$0x10700] =	vst v10;
	v11 =	vperm.xlane v23, v3  }
0xb0: {  	v16 =	vperm.xlane v8, v1;
	[tilespmem:s1+$0x10708] =	vst v6;
	v6 =	vmul.f32 v9, v7  }
0xb1: {  	[tilespmem:s1+$0x10780] =	vst v12;
	v5 =	vmul.f32 v5, v11;
	v7 =	vperm.xlane v8, v2  }
0xb2: {  	v8 =	vperm.xlane v8, v3;
	v9 =	vmul.f32 v35, v16;
	[tilespmem:s1+$0x10788] =	vst v6  }
0xb3: {  	v6 =	vperm.xlane v4, v1;
	[tilespmem:s31+$0x107B8] =	vst v5;
	v5 =	vmul.f32 v53, v7  }
0xb4: {  	v8 =	vmul.f32 v26, v8;
	v7 =	vperm.xlane v4, v2;
	[tilespmem:s1+$0x10618] =	vst v9  }
0xb5: {  	v4 =	vperm.xlane v4, v3;
	[tilespmem:s1+$0x10628] =	vst v5;
	v5 =	vmul.f32 v24, v6  }
0xb6: {  	[tilespmem:s1+$0x10638] =	vst v8;
	v8 =	vperm.xlane v10, v2;
	v7 =	vmul.f32 v15, v7  }
0xb7: {  	v6 =	vperm.xlane v10, v1;
	v4 =	vmul.f32 v25, v4;
	[tilespmem:s1+$0x10698] =	vst v5  }
0xb8: {  	v8 =	vmul.f32 v22, v8;
	v5 =	vperm.xlane v10, v3;
	[tilespmem:s1+$0x106A8] =	vst v7  }
0xb9: {  	v6 =	vmul.f32 v28, v6;
	v7 =	vperm.xlane v12, v1;
	[tilespmem:s1+$0x106B8] =	vst v4  }
0xba: {  	v4 =	vperm.xlane v12, v2;
	[tilespmem:s1+$0x10728] =	vst v8;
	v5 =	vmul.f32 v54, v5  }
0xbb: {  	[tilespmem:s1+$0x10718] =	vst v6;
	v6 =	vperm.xlane v12, v3;
	v7 =	vmul.f32 v21, v7  }
0xbc: {  	v4 =	vmul.f32 v14, v4;
	[tilespmem:s1+$0x10738] =	vst v5  }
0xbd: {  	s3 =	sshll.u32 s30, $0x1;
	v5 =	vmul.f32 v13, v6;
	[tilespmem:s1+$0x10798] =	vst v7  }
0xbe: {  	s0 =	smin.u32 s3, $0xF7;
	[tilespmem:s1+$0x107A8] =	vst v4  }
0xbf: {  	s0 =	smul.u32 $0x28, s0;
	[tilespmem:s1+$0x107B8] =	vst v5  }
0xc0: {  	[spmem:s2] =	stream.indirect.scatter.add.f32 [tilespmem:s28], [sflag:$0x2], $0x48, s18, s19, $0xb8;
	[tilespmem:$0x11A00] =	vst v63  }
0xc1: {  	s0 =	sadd.s32 s0, s12;
	_ =	swait.ge [sflag:s16], $0xB40  }
0xc2: {  	s0 =	sshrl.u32 s0, $0x3;
	[sflag:s16] =	ssyncset.done $0x0  }
0xc3: {  	s3 =	simm.s32 $0x0;
	s1 =	sadd.s32 s4, s0;
	[sflag:s16] =	ssyncadd.s32 $0xFFFFF4C0  }
0xc4: {  	[tilespmem:s17], [sflag:$0x2] =	stream.linear.gather [hbm4b:s1+s3], $0x28, $0x38;
	[tilespmem:$0x11A00] =	vst v63  }
0xc5: {  	_ =	swait.ge [sflag:s16], $0x28  }
0xc6: {  	[sflag:s16] =	ssyncset.done $0x0  }
0xc7: {  	s0 =	sadd.s32 s5, s0;
	[sflag:s16] =	ssyncadd.s32 $0xFFFFFFD8  }
0xc8: {  	[tilespmem:s18], [sflag:$0x2] =	stream.linear.gather [hbm4b:s0+s3], $0x28, $0x38;
	[tilespmem:$0x11A00] =	vst v63  }
0xc9: {  	_ =	swait.ge [sflag:s16], $0x28  }
0xca: {  	[sflag:s16] =	ssyncset.done $0x0  }
0xcb: {  	[sflag:s16] =	ssyncadd.s32 $0xFFFFFFD8  }
0xcc: {  	[tilespmem:s20], [sflag:$0x1] =	stream.indirect.gather [hbm4b:s6+s19], $0x80, s17, s19, $0xb8;
	[tilespmem:$0x11A00] =	vst v63  }
0xcd: {  	_ = 	snop  }
0xce: {  	[tilespmem:s21], [sflag:$0x1] =	stream.indirect.gather [hbm4b:s6+s19], $0x80, s18, s19, $0xb8;
	[tilespmem:$0x11A00] =	vst v63  }
0xcf: {  	_ =	swait.ge [sflag:s26], $0x1400  }
0xd0: {  	[sflag:s26] =	ssyncset.done $0x0  }
0xd1: {  	[sflag:s26] =	ssyncadd.s32 $0xFFFFEC00  }
0xd2: {  	_ =	swait.ge [sflag:s26], $0x1400  }
0xd3: {  	[sflag:s26] =	ssyncset.done $0x0  }
0xd4: {  	s0 =	simm.s32 $0x0;
	[sflag:s26] =	ssyncadd.s32 $0xFFFFEC00  }
0xd5: {  	v4 =	vld [tilespmem:s0+$0xF248]  }
0xd6: {  	v5 =	vld [tilespmem:s0+$0xDE40]  }
0xd7: {  	v6 =	vld [tilespmem:s0+$0xF2C8]  }
0xd8: {  	v7 =	vld [tilespmem:s0+$0xDEC0];
	_ =	sdelay $0x2  }
0xd9: {  	v4 =	vadd.f32 v5, v4  }
0xda: {  	v8 =	vld [tilespmem:s0+$0xF348]  }
0xdb: {  	v9 =	vld [tilespmem:s0+$0xDF40];
	v6 =	vadd.f32 v7, v6;
	v12 =	vmul.f32 $2.000000030e-01, v4  }
0xdc: {  	v10 =	vld [tilespmem:s0+$0xF3C8];
	vm8 =	vge.f32 v4, $0.0e+00  }
0xdd: {  	v11 =	vld [tilespmem:s0+$0xDFC0];
	v7 =	vmul.f32 $2.000000030e-01, v6;
	v4 =	vsel vm8, v4, v12  }
0xde: {  	vm9 =	vge.f32 v6, $0.0e+00;
	v4 =	vmul.f32 $1.442695020e+00, v4  }
0xdf: {  	v6 =	vsel vm9, v6, v7  }
0xe0: {  	v6 =	vmul.f32 $1.442695020e+00, v6;
	(erf) = vpow2.f32 v4;
	v4 =	vadd.f32 v9, v8  }
0xe1: {  	v16 =	vld [tilespmem:s0+$0xDE20]  }
0xe2: {  	v17 =	vld [tilespmem:s0+$0xDE30];
	(erf) = vpow2.f32 v6;
	v6 =	vadd.f32 v11, v10;
	v7 =	vmul.f32 $2.000000030e-01, v4  }
0xe3: {  	v18 =	vld [tilespmem:s0+$0xDE90];
	vm10 =	vge.f32 v4, $0.0e+00  }
0xe4: {  	v19 =	vld [tilespmem:s0+$0xDEA0];
	v9 =	vmul.f32 $2.000000030e-01, v6;
	v4 =	vsel vm10, v4, v7  }
0xe5: {  	v20 =	vld [tilespmem:s0+$0xDEB0];
	vm11 =	vge.f32 v6, $0.0e+00;
	v4 =	vmul.f32 $1.442695020e+00, v4  }
0xe6: {  	v21 =	vld [tilespmem:s0+$0xDF10];
	v6 =	vsel vm11, v6, v9  }
0xe7: {  	v22 =	vld [tilespmem:s0+$0xDF20];
	v6 =	vmul.f32 $1.442695020e+00, v6;
	(erf) = vpow2.f32 v4  }
0xe8: {  	s31 =	simm.s32 $0x200;
	v23 =	vld [tilespmem:s0+$0xDF30]  }
0xe9: {  	v26 =	vld [tilespmem:s31+$0xF248];
	v9 =	vpop (erf);
	(erf) = vpow2.f32 v6  }
0xea: {  	v7 =	vld [tilespmem:s0+$0xDE00]  }
0xeb: {  	v28 =	vld [tilespmem:s31+$0xDE40]  }
0xec: {  	v8 =	vld [tilespmem:s0+$0xDE80]  }
0xed: {  	v29 =	vld [tilespmem:s31+$0xF2C8];
	v11 =	vperm.xlane v9, v0  }
0xee: {  	v10 =	vld [tilespmem:s0+$0xDF00];
	v30 =	vpop (erf)  }
0xef: {  	v5 =	vld [tilespmem:s0+$0xDE10];
	v6 =	vmul.f32 v7, v11;
	v7 =	vperm.xlane v30, v0  }
0xf0: {  	v4 =	vld [tilespmem:s0+$0xDF80];
	[tilespmem:s0+$0x10600] =	vst v9;
	v56 =	vpop (erf)  }
0xf1: {  	v31 =	vld [tilespmem:s31+$0xDEC0];
	[tilespmem:s0+$0x10608] =	vst v6;
	v6 =	vmul.f32 v8, v7;
	v7 =	vperm.xlane v56, v0  }
0xf2: {  	v55 =	vld [tilespmem:s31+$0xF348];
	[tilespmem:s0+$0x10680] =	vst v30;
	v59 =	vpop (erf)  }
0xf3: {  	v57 =	vld [tilespmem:s31+$0xDF40];
	[tilespmem:s0+$0x10688] =	vst v6;
	v6 =	vmul.f32 v10, v7;
	v7 =	vperm.xlane v59, v0  }
0xf4: {  	v58 =	vld [tilespmem:s31+$0xF3C8];
	[tilespmem:s0+$0x10700] =	vst v56  }
0xf5: {  	v37 =	vld [tilespmem:s31+$0xDFC0];
	[tilespmem:s0+$0x10708] =	vst v6;
	v4 =	vmul.f32 v4, v7;
	v6 =	vperm.xlane v9, v1  }
0xf6: {  	v15 =	vld [tilespmem:s31+$0xDE10];
	[tilespmem:s0+$0x10780] =	vst v59  }
0xf7: {  	v14 =	vld [tilespmem:s31+$0xDE20];
	[tilespmem:s0+$0x10788] =	vst v4;
	v4 =	vmul.f32 v5, v6;
	v5 =	vperm.xlane v9, v2  }
0xf8: {  	v13 =	vld [tilespmem:s31+$0xDE30]  }
0xf9: {  	v12 =	vld [tilespmem:s31+$0xDE90];
	[tilespmem:s0+$0x10618] =	vst v4;
	v4 =	vmul.f32 v16, v5  }
0xfa: {  	v5 =	vperm.xlane v9, v3;
	v9 =	vperm.xlane v30, v1;
	v11 =	vld [tilespmem:s31+$0xDEA0]  }
0xfb: {  	v16 =	vadd.f32 v28, v26;
	v6 =	vld [tilespmem:s31+$0xDEB0];
	[tilespmem:s0+$0x10628] =	vst v4  }
0xfc: {  	v5 =	vmul.f32 v17, v5;
	v17 =	vmul.f32 v18, v9;
	v8 =	vld [tilespmem:s31+$0xDF10]  }
0xfd: {  	v18 =	vperm.xlane v30, v3;
	v26 =	vmul.f32 $2.000000030e-01, v16;
	v7 =	vld [tilespmem:s31+$0xDF20]  }
0xfe: {  	v29 =	vadd.f32 v31, v29;
	vm12 =	vge.f32 v16, $0.0e+00;
	v4 =	vld [tilespmem:s31+$0xDF30];
	[tilespmem:s0+$0x10638] =	vst v5;
	v5 =	vperm.xlane v30, v2  }
0xff: {  	v24 =	vld [tilespmem:s0+$0xDF90];
	v28 =	vperm.xlane v56, v1;
	v16 =	vsel vm12, v16, v26;
	v18 =	vmul.f32 v20, v18  }
0x100: {  	v9 =	vld [tilespmem:s31+$0xDF90];
	v16 =	vmul.f32 $1.442695020e+00, v16;
	v19 =	vmul.f32 v19, v5  }
0x101: {  	vm13 =	vge.f32 v29, $0.0e+00;
	v20 =	vmul.f32 $2.000000030e-01, v29;
	v10 =	vld [tilespmem:s31+$0xDFA0];
	[tilespmem:s0+$0x10698] =	vst v17;
	v17 =	vperm.xlane v56, v2  }
0x102: {  	v26 =	vadd.f32 v57, v55;
	v5 =	vld [tilespmem:s31+$0xDFB0];
	(erf) = vpow2.f32 v16;
	v16 =	vmul.f32 v21, v28;
	[tilespmem:s0+$0x106A8] =	vst v19  }
0x103: {  	v21 =	vadd.f32 v37, v58;
	v17 =	vmul.f32 v22, v17;
	v30 =	vld [tilespmem:s31+$0xDE00];
	[tilespmem:s0+$0x106B8] =	vst v18;
	v18 =	vsel vm13, v29, v20  }
0x104: {  	v20 =	vmul.f32 $2.000000030e-01, v26;
	v18 =	vmul.f32 $1.442695020e+00, v18  }
0x105: {  	v25 =	vld [tilespmem:s0+$0xDFA0];
	vm14 =	vge.f32 v26, $0.0e+00;
	v19 =	vperm.xlane v56, v3;
	v22 =	vmul.f32 $2.000000030e-01, v21  }
0x106: {  	v60 =	vld [tilespmem:s31+$0xDE80];
	[tilespmem:s0+$0x10718] =	vst v16;
	v16 =	vperm.xlane v59, v1;
	v20 =	vsel vm14, v26, v20;
	(erf) = vpow2.f32 v18  }
0x107: {  	vm15 =	vge.f32 v21, $0.0e+00;
	v61 =	vld [tilespmem:s31+$0xDF00];
	[tilespmem:s0+$0x10728] =	vst v17;
	v18 =	vmul.f32 v23, v19;
	v17 =	vmul.f32 $1.442695020e+00, v20  }
0x108: {  	v20 =	vsel vm15, v21, v22;
	v16 =	vmul.f32 v24, v16  }
0x109: {  	v26 =	vld [tilespmem:s31+$0xDF80];
	[tilespmem:s0+$0x10738] =	vst v18;
	v18 =	vmul.f32 $1.442695020e+00, v20;
	(erf) = vpow2.f32 v17  }
0x10a: {  	v19 =	vperm.xlane v59, v2  }
0x10b: {  	v27 =	vld [tilespmem:s0+$0xDFB0];
	(erf) = vpow2.f32 v18  }
0x10c: {  	s1 =	simm.s32 $0x400;
	v19 =	vmul.f32 v25, v19  }
0x10d: {  	v17 =	vld [tilespmem:s1+$0xF248];
	[tilespmem:s0+$0x10798] =	vst v16;
	v16 =	vpop (erf)  }
0x10e: {  	v20 =	vld [tilespmem:s1+$0xDE40];
	[tilespmem:s0+$0x107A8] =	vst v19;
	v19 =	vperm.xlane v59, v3;
	v18 =	vperm.xlane v16, v0  }
0x10f: {  	v25 =	vperm.xlane v16, v2;
	v22 =	vperm.xlane v16, v3  }
0x110: {  	v24 =	vmul.f32 v27, v19;
	v18 =	vmul.f32 v30, v18;
	v23 =	vpop (erf)  }
0x111: {  	v28 =	vld [tilespmem:s1+$0xF2C8];
	[tilespmem:s31+$0x10600] =	vst v16;
	v27 =	vperm.xlane v16, v1;
	v19 =	vperm.xlane v23, v0  }
0x112: {  	v31 =	vld [tilespmem:s1+$0xDEC0];
	[tilespmem:s31+$0x10608] =	vst v18;
	v21 =	vperm.xlane v23, v1;
	v18 =	vperm.xlane v23, v3;
	v62 =	vpop (erf)  }
0x113: {  	v30 =	vmul.f32 v60, v19;
	v63 =	vperm.xlane v62, v0  }
0x114: {  	v29 =	vld [tilespmem:s1+$0xF348];
	[tilespmem:s31+$0x10680] =	vst v23;
	v19 =	vperm.xlane v23, v2;
	v16 =	vperm.xlane v62, v1;
	v23 =	vpop (erf)  }
0x115: {  	v32 =	vld [tilespmem:s1+$0xDF40];
	[tilespmem:s31+$0x10688] =	vst v30;
	v35 =	vmul.f32 v61, v63;
	v34 =	vperm.xlane v23, v0  }
0x116: {  	s3 =	simm.s32 $0x1800;
	v33 =	vadd.f32 v20, v17;
	v20 =	vperm.xlane v62, v2;
	v17 =	vperm.xlane v62, v3;
	v30 =	vld [tilespmem:s1+$0xF3C8];
	[tilespmem:s31+$0x10700] =	vst v62  }
.LBB2_5:
0x117: {  	p0 =	sne.s32 s3, $0x4800;
	v36 =	vld [tilespmem:s1+$0xDFC0];
	[tilespmem:s31+$0x10708] =	vst v35;
	v26 =	vmul.f32 v26, v34;
	v34 =	vperm.xlane v23, v1  }
0x118: {  	v35 =	vmul.f32 $2.000000030e-01, v33;
	v37 =	vld [tilespmem:s1+$0xDE10];
	v28 =	vadd.f32 v31, v28;
	[tilespmem:s31+$0x10780] =	vst v23;
	v31 =	vperm.xlane v23, v2  }
0x119: {  	v15 =	vmul.f32 v15, v27;
	vm0 =	vge.f32 v33, $0.0e+00;
	v23 =	vperm.xlane v23, v3;
	v38 =	vld [tilespmem:s1+$0xDE20];
	[tilespmem:s31+$0x10788] =	vst v26  }
0x11a: {  	v26 =	vsel vm0, v33, v35;
	v27 =	vld [tilespmem:s1+$0xDE30];
	v33 =	vmul.f32 $2.000000030e-01, v28;
	v29 =	vadd.f32 v32, v29;
	[tilespmem:s0+$0x107B8] =	vst v24;
	s0 =	smov.u32 s31;
	s31 =	smov.u32 s1  }
0x11b: {  	v39 =	vmul.f32 v14, v25;
	vm0 =	vge.f32 v28, $0.0e+00;
	v24 =	vmul.f32 $1.442695020e+00, v26;
	v26 =	vld [tilespmem:s31+$0xDE90];
	[tilespmem:s0+$0x10618] =	vst v15  }
0x11c: {  	v35 =	vsel vm0, v28, v33;
	v25 =	vld [tilespmem:s31+$0xDEA0];
	v28 =	vmul.f32 $2.000000030e-01, v29;
	v30 =	vadd.f32 v36, v30  }
0x11d: {  	vm0 =	vge.f32 v29, $0.0e+00;
	v32 =	vmul.f32 $1.442695020e+00, v35;
	v33 =	vld [tilespmem:s31+$0xDEB0];
	(erf) = vpow2.f32 v24;
	[tilespmem:s0+$0x10628] =	vst v39;
	v15 =	vmovc v37  }
0x11e: {  	v22 =	vmul.f32 v13, v22;
	v24 =	vsel vm0, v29, v28;
	v28 =	vld [tilespmem:s31+$0xDF10];
	v29 =	vmul.f32 $2.000000030e-01, v30;
	v14 =	vmovc v38  }
0x11f: {  	vm0 =	vge.f32 v30, $0.0e+00;
	v24 =	vmul.f32 $1.442695020e+00, v24;
	v35 =	vld [tilespmem:s31+$0xDF20];
	(erf) = vpow2.f32 v32;
	v13 =	vmovc v27  }
0x120: {  	v21 =	vmul.f32 v12, v21;
	v19 =	vmul.f32 v11, v19;
	v27 =	vld [tilespmem:s31+$0xDF30];
	v29 =	vsel vm0, v30, v29;
	[tilespmem:s0+$0x10638] =	vst v22  }
0x121: {  	v12 =	vmovc v26;
	v22 =	vmul.f32 $1.442695020e+00, v29;
	v29 =	vld [tilespmem:s31+$0xDF90];
	(erf) = vpow2.f32 v24;
	v11 =	vmov v25  }
0x122: {  	v18 =	vmul.f32 v6, v18;
	v16 =	vmul.f32 v8, v16;
	v25 =	vld [tilespmem:s31+$0xDFA0];
	[tilespmem:s0+$0x10698] =	vst v21;
	v6 =	vmov v33  }
0x123: {  	v21 =	vld [tilespmem:s31+$0xDFB0];
	(erf) = vpow2.f32 v22;
	[tilespmem:s0+$0x106A8] =	vst v19;
	v19 =	vmul.f32 v7, v20;
	v8 =	vmov v28  }
0x124: {  	v17 =	vmul.f32 v4, v17;
	v20 =	vld [tilespmem:s31+$0xDE00];
	[tilespmem:s0+$0x106B8] =	vst v18;
	v18 =	vmul.f32 v9, v34;
	v7 =	vmov v35  }
0x125: {  	v24 =	vmul.f32 v5, v23;
	v30 =	vld [tilespmem:s31+$0xDE80];
	[tilespmem:s0+$0x10718] =	vst v16;
	v16 =	vmul.f32 v10, v31;
	v4 =	vmov v27  }
0x126: {  	v33 =	vld [tilespmem:s31+$0xDF00];
	v23 =	vpop (erf);
	[tilespmem:s0+$0x10728] =	vst v19;
	v9 =	vmov v29  }
0x127: {  	s1 =	sshra.s32 s3, $0x2;
	v19 =	vperm.xlane v23, v0;
	v27 =	vperm.xlane v23, v1;
	v26 =	vld [tilespmem:s31+$0xDF80];
	[tilespmem:s0+$0x10738] =	vst v17;
	v10 =	vmov v25  }
0x128: {  	v25 =	vperm.xlane v23, v2;
	v22 =	vperm.xlane v23, v3;
	v17 =	vld [tilespmem:s1+$0xF248];
	v32 =	vpop (erf);
	[tilespmem:s0+$0x10798] =	vst v18;
	v5 =	vmov v21  }
0x129: {  	v36 =	vld [tilespmem:s1+$0xDE40];
	v18 =	vmul.f32 v20, v19;
	v20 =	vperm.xlane v32, v0;
	[tilespmem:s0+$0x107A8] =	vst v16  }
.Ltmp1:
0x12a: {  	v21 =	vperm.xlane v32, v1;
	v19 =	vperm.xlane v32, v2;
	v28 =	vld [tilespmem:s1+$0xF2C8];
	[tilespmem:s31+$0x10600] =	vst v23;
	v37 =	vpop (erf);
	(pc) =	sbr.rel @p0 .LBB2_5-.Ltmp1, $4  }
0x12b: {  	v31 =	vld [tilespmem:s1+$0xDEC0];
	[tilespmem:s31+$0x10608] =	vst v18;
	v20 =	vmul.f32 v30, v20;
	v30 =	vperm.xlane v37, v0  }
0x12c: {  	v18 =	vperm.xlane v32, v3;
	v16 =	vperm.xlane v37, v1;
	v29 =	vld [tilespmem:s1+$0xF348];
	[tilespmem:s31+$0x10680] =	vst v32;
	v23 =	vpop (erf)  }
0x12d: {  	v32 =	vld [tilespmem:s1+$0xDF40];
	[tilespmem:s31+$0x10688] =	vst v20;
	v35 =	vmul.f32 v33, v30;
	v34 =	vperm.xlane v23, v0  }
0x12e: {  	s3 =	sadd.s32 $0x800, s3;
	v20 =	vperm.xlane v37, v2;
	v33 =	vadd.f32 v36, v17;
	v30 =	vld [tilespmem:s1+$0xF3C8];
	[tilespmem:s31+$0x10700] =	vst v37;
	v17 =	vperm.xlane v37, v3  }
0x12f: {  	v36 =	vld [tilespmem:s1+$0xDFC0];
	[tilespmem:s31+$0x10708] =	vst v35;
	v26 =	vmul.f32 v26, v34  }
0x130: {  	v35 =	vld [tilespmem:s1+$0xDE10];
	[tilespmem:s31+$0x10780] =	vst v23  }
0x131: {  	v15 =	vmul.f32 v15, v27;
	v59 =	vld [tilespmem:s1+$0xDE20];
	[tilespmem:s31+$0x10788] =	vst v26  }
0x132: {  	v14 =	vmul.f32 v14, v25;
	v13 =	vmul.f32 v13, v22;
	v60 =	vadd.f32 v31, v28;
	v26 =	vld [tilespmem:s1+$0xDE30];
	[tilespmem:s0+$0x107B8] =	vst v24  }
0x133: {  	v12 =	vmul.f32 v12, v21;
	v61 =	vmul.f32 $2.000000030e-01, v33;
	v24 =	vld [tilespmem:s1+$0xDE90];
	[tilespmem:s31+$0x10618] =	vst v15  }
0x134: {  	vm0 =	vge.f32 v33, $0.0e+00;
	v31 =	vmul.f32 $2.000000030e-01, v60;
	v29 =	vadd.f32 v32, v29;
	v15 =	vld [tilespmem:s1+$0xDEA0]  }
0x135: {  	vm13 =	vge.f32 v60, $0.0e+00;
	v25 =	vld [tilespmem:s1+$0xDEB0];
	[tilespmem:s31+$0x10628] =	vst v14;
	v14 =	vsel vm0, v33, v61;
	v30 =	vadd.f32 v36, v30  }
0x136: {  	v27 =	vsel vm13, v60, v31;
	v62 =	vmul.f32 $2.000000030e-01, v29;
	v28 =	vld [tilespmem:s1+$0xDF10];
	v14 =	vmul.f32 $1.442695020e+00, v14  }
0x137: {  	vm14 =	vge.f32 v29, $0.0e+00;
	v22 =	vld [tilespmem:s1+$0xDF20];
	v27 =	vmul.f32 $1.442695020e+00, v27;
	v63 =	vmul.f32 $2.000000030e-01, v30  }
0x138: {  	v32 =	vld [tilespmem:s1+$0xDF30];
	[tilespmem:s31+$0x10638] =	vst v13;
	v13 =	vsel vm14, v29, v62;
	vm15 =	vge.f32 v30, $0.0e+00;
	(erf) = vpow2.f32 v14  }
0x139: {  	v11 =	vmul.f32 v11, v19;
	v31 =	vmul.f32 $1.442695020e+00, v13;
	v36 =	vsel vm15, v30, v63  }
0x13a: {  	v21 =	vld [tilespmem:s1+$0xDF90];
	(erf) = vpow2.f32 v27;
	v37 =	vmul.f32 $1.442695020e+00, v36  }
0x13b: {  	v6 =	vmul.f32 v6, v18;
	v14 =	vld [tilespmem:s1+$0xDFA0];
	[tilespmem:s31+$0x10698] =	vst v12;
	(erf) = vpow2.f32 v31  }
0x13c: {  	v8 =	vmul.f32 v8, v16;
	v33 =	vld [tilespmem:s1+$0xDFB0];
	[tilespmem:s31+$0x106A8] =	vst v11;
	(erf) = vpow2.f32 v37  }
0x13d: {  	v39 =	vperm.xlane v23, v1;
	v7 =	vmul.f32 v7, v20;
	v38 =	vld [tilespmem:s1+$0xDE00];
	[tilespmem:s31+$0x106B8] =	vst v6  }
0x13e: {  	v41 =	vperm.xlane v23, v2;
	v4 =	vmul.f32 v4, v17;
	v6 =	vld [tilespmem:s1+$0xDE80];
	[tilespmem:s31+$0x10718] =	vst v8  }
0x13f: {  	v42 =	vmul.f32 v9, v39;
	v40 =	vld [tilespmem:s1+$0xDF00];
	[tilespmem:s31+$0x10728] =	vst v7  }
0x140: {  	v10 =	vmul.f32 v10, v41;
	v44 =	vld [tilespmem:s1+$0xDF80];
	[tilespmem:s31+$0x10738] =	vst v4  }
0x141: {  	[tilespmem:s31+$0x10798] =	vst v42;
	v43 =	vpop (erf)  }
0x142: {  	[tilespmem:s31+$0x107A8] =	vst v10;
	v45 =	vperm.xlane v43, v0  }
0x143: {  	v4 =	vpop (erf);
	[tilespmem:s1+$0x10600] =	vst v43  }
0x144: {  	v47 =	vperm.xlane v4, v0;
	v48 =	vpop (erf);
	[tilespmem:s1+$0x10680] =	vst v4;
	v46 =	vmul.f32 v38, v45  }
0x145: {  	v49 =	vperm.xlane v48, v0;
	[tilespmem:s1+$0x10700] =	vst v48;
	v50 =	vpop (erf)  }
0x146: {  	v6 =	vmul.f32 v6, v47;
	[tilespmem:s1+$0x10608] =	vst v46;
	v52 =	vperm.xlane v50, v0  }
0x147: {  	v53 =	vperm.xlane v23, v3;
	v51 =	vmul.f32 v40, v49;
	[tilespmem:s1+$0x10780] =	vst v50  }
0x148: {  	v54 =	vperm.xlane v43, v1;
	[tilespmem:s1+$0x10688] =	vst v6;
	v55 =	vmul.f32 v44, v52  }
0x149: {  	v5 =	vmul.f32 v5, v53;
	v8 =	vperm.xlane v43, v3;
	[tilespmem:s1+$0x10708] =	vst v51  }
0x14a: {  	v56 =	vperm.xlane v43, v2;
	v57 =	vmul.f32 v35, v54;
	[tilespmem:s1+$0x10788] =	vst v55  }
0x14b: {  	v8 =	vmul.f32 v26, v8;
	v60 =	vperm.xlane v48, v1;
	[tilespmem:s31+$0x107B8] =	vst v5  }
0x14c: {  	v58 =	vperm.xlane v4, v1;
	v5 =	vmul.f32 v59, v56;
	[tilespmem:s1+$0x10618] =	vst v57  }
0x14d: {  	v6 =	vmul.f32 v28, v60;
	v59 =	vperm.xlane v4, v2;
	[tilespmem:s1+$0x10638] =	vst v8  }
0x14e: {  	v4 =	vperm.xlane v4, v3;
	[tilespmem:s1+$0x10628] =	vst v5;
	v5 =	vmul.f32 v24, v58  }
0x14f: {  	v61 =	vperm.xlane v48, v2;
	[tilespmem:s1+$0x10718] =	vst v6;
	v7 =	vmul.f32 v15, v59  }
0x150: {  	v62 =	vperm.xlane v50, v1;
	v4 =	vmul.f32 v25, v4;
	[tilespmem:s1+$0x10698] =	vst v5  }
0x151: {  	v8 =	vmul.f32 v22, v61;
	v5 =	vperm.xlane v48, v3;
	[tilespmem:s1+$0x106A8] =	vst v7  }
0x152: {  	[tilespmem:s1+$0x106B8] =	vst v4;
	v4 =	vperm.xlane v50, v2;
	v7 =	vmul.f32 v21, v62  }
0x153: {  	v63 =	vperm.xlane v50, v3;
	[tilespmem:s1+$0x10728] =	vst v8;
	v5 =	vmul.f32 v32, v5  }
0x154: {  	v4 =	vmul.f32 v14, v4;
	[tilespmem:s1+$0x10798] =	vst v7  }
0x155: {  	s30 =	sadd.s32 $0x1, s30;
	[tilespmem:s1+$0x10738] =	vst v5;
	v5 =	vmul.f32 v33, v63  }
0x156: {  	p0 =	sne.s32 s30, $0x7D;
	[tilespmem:s1+$0x107A8] =	vst v4  }
.Ltmp2:
0x157: {  	[tilespmem:s1+$0x107B8] =	vst v5;
	(pc) =	sbr.rel @p0 .LBB2_2-.Ltmp2, $4  }
0x158: {  	[spmem:s2] =	stream.indirect.scatter.add.f32 [tilespmem:s28], [sflag:$0x2], $0x48, s23, s19, $0xb8;
	[tilespmem:$0x11A00] =	vst v63  }
0x159: {  	_ =	swait.ge [sflag:s16], $0xB40  }
0x15a: {  	[sflag:s16] =	ssyncset.done $0x0  }
0x15b: {  	[sflag:s16] =	ssyncadd.s32 $0xFFFFF4C0  }
0x15c: {  	_ =	swait.ge [sflag:s26], $0x1400  }
0x15d: {  	[sflag:s26] =	ssyncset.done $0x0  }
0x15e: {  	[sflag:s26] =	ssyncadd.s32 $0xFFFFEC00  }
0x15f: {  	_ =	swait.ge [sflag:s26], $0x1400  }
0x160: {  	s29 =	sadd.s32 $0x1, s29;
	[sflag:s26] =	ssyncset.done $0x0  }
0x161: {  	p0 =	sne.s32 s29, s14;
	[sflag:s26] =	ssyncadd.s32 $0xFFFFEC00  }
.Ltmp3:
0x162: {  	[bflag:$0x0] =	sbarrier.arrive $0xFFFF;
	(pc) =	sbr.rel @p0 .LBB2_1-.Ltmp3, $4  }
0x163: {  	[hbm:s13], [sflag:s8] =	dma.local [spmem:s15], $0x2800  }
0x164: {  	_ =	swait.ge [sflag:s16], $0x2800  }
0x165: {  	[sflag:s16] =	ssyncset.done $0x0  }
0x166: {  	[sflag:s16] =	ssyncadd.s32 $0xFFFFD800  }
0x167: {  	_ =	sfence.sel $0x180000  }
0x168: {  	[bflag:$0x0] =	sbarrier.arrive $0xFFFF  }
0x169: {  	_ =	strace $0x90000047  }
0x16a: {  	s0 =	stileid.u32;
	[bflag:$0x2] =	sbarrier.arrive $0xFFFF  }
0x16b: {  	p0 =	sne.s32 s0, $0x0;
	s0 =	rddreg [dreg:$0x2]  }
0x16c: {  	s0 =	sadd.s32 @!p0 $0x100000, s0  }
0x16d: {  	[sflag:s0] =	ssyncadd.tile.s32 @!p0 $0x1;
	_ =	shalt  }
.Lfunc_end2:
_tile_overlayer_lowered:
.L_overlay_start_2:
0x16e: {  	(tag) =	ssettag $0x2  }
0x16f: {  	s0 =	rddreg [dreg:$0x0];
	s2 =	stileid.u32  }
0x170: {  	s1 =	rddreg [dreg:$0x1];
	p0 =	sne.s32 s2, $0x0  }
0x171: {  	s3 =	rddreg [dreg:$0x2];
	[bflag:$0x3] =	sbarrier.arrive $0xFFFF;
	s2 =	simm.s32 @!p0 $0x1C02  }
0x172: {  	[timem:s3], [sflag:s2] =	dma.local @!p0 [hbm:s0], s1  }
0x173: {  	s0 =	simm.s32 @!p0 $0x2  }
0x174: {  	_ =	swait.ge @!p0 [sflag:s0], s1  }
0x175: {  	s1 =	ssub.s32 @!p0 $0x0, s1;
	[sflag:s0] =	ssyncset.done @!p0 $0x0  }
0x176: {  	[sflag:s0] =	ssyncadd.s32 @!p0 s1  }
0x177: {  	[bflag:$0x3] =	sbarrier.arrive $0xFFFF  }
0x178: {  	_ =	shalt  }

</sc_bundles>
